<compile_context>
chip_gen: v7x
topology: tpu7x:2x2x1
jax: 0.10.2.dev20260603
libtpu: 0.0.44.dev20260713+nightly
codegen_flags: <defaults>
</compile_context>

<pallas_src>
import functools

import jax
import jax.numpy as jnp
from jax import lax
from jax.experimental import pallas as pl
from jax.experimental.pallas import tpu as pltpu
from jax.experimental.pallas import tpu_sc as plsc

N = 10000
NP = 10240
E = 320000
D = 128
G = 64
NC, NS = 2, 16
NW = NC * NS
EPT = E // NW
CH = 125
NCHUNK = EPT // CH
GRP = 40
NG = NCHUNK // GRP
RPT = NP // NS
BLK = 1024
NB = NP // BLK
FBLK = 128
NFB = NP // FBLK

_sc_mesh = plsc.VectorSubcoreMesh(
    core_axis_name="c", subcore_axis_name="s", num_cores=NC, num_subcores=NS)



@functools.partial(
    pl.kernel,
    out_type=jax.ShapeDtypeStruct((NC, NP, 8), jnp.float32),
    mesh=_sc_mesh,
    scratch_types=[
        pltpu.VMEM((NCHUNK, CH), jnp.int32),
        pltpu.VMEM((CH, 8), jnp.float32),
        pltpu.VMEM((128, 8), jnp.float32),
        pltpu.VMEM_SHARED((NP, 8), jnp.float32),
    ],
)
def _sc_degree(dst_hbm, ones_hbm, zeros_hbm, out_hbm,
               dst_v, ones_v, z_v, deg_sp):
    c = lax.axis_index("c")
    s = lax.axis_index("s")
    wid = c * NS + s
    base = s * RPT
    pltpu.sync_copy(zeros_hbm, z_v)
    for i in range(RPT // 128):
        pltpu.sync_copy(z_v, deg_sp.at[pl.ds(base + i * 128, 128)])
    pltpu.sync_copy(ones_hbm, ones_v)
    pltpu.sync_copy(dst_hbm.at[wid], dst_v)
    plsc.subcore_barrier()

    def body(j, carry):
        pltpu.sync_copy(ones_v, deg_sp.at[dst_v.at[j]], add=True)
        return carry
    lax.fori_loop(0, NCHUNK, body, 0)
    plsc.subcore_barrier()
    pltpu.sync_copy(deg_sp.at[pl.ds(base, RPT)], out_hbm.at[c, pl.ds(base, RPT)])


@functools.partial(
    pl.kernel,
    out_type=jax.ShapeDtypeStruct((NC, NP, D), jnp.float32),
    mesh=_sc_mesh,
    scratch_types=[
        pltpu.VMEM((GRP, CH), jnp.int32),
        pltpu.VMEM((GRP, CH), jnp.int32),
        pltpu.VMEM((CH, D), jnp.float32),
        pltpu.VMEM((CH, D), jnp.float32),
        pltpu.SemaphoreType.DMA,
        pltpu.SemaphoreType.DMA,
        pltpu.VMEM_SHARED((NP, D), jnp.float32),
    ],
)
def _sc_scatter(hp_hbm, src_hbm, dst_hbm, zeros_hbm, out_hbm,
                src_v, dst_v, rows0, rows1, gsem0, gsem1, s_sp):
    c = lax.axis_index("c")
    s = lax.axis_index("s")
    wid = c * NS + s
    base = s * RPT
    pltpu.sync_copy(zeros_hbm, rows0)
    for i in range(RPT // 80):
        pltpu.sync_copy(rows0.at[pl.ds(0, 80)],
                        s_sp.at[pl.ds(base + i * 80, 80)])
    plsc.subcore_barrier()

    def group(g, carry):
        pltpu.sync_copy(src_hbm.at[wid, pl.ds(g * GRP, GRP)], src_v)
        pltpu.sync_copy(dst_hbm.at[wid, pl.ds(g * GRP, GRP)], dst_v)

        def pair(jj, carry2):
            j0 = 2 * jj
            j1 = j0 + 1
            cp0 = pltpu.async_copy(hp_hbm.at[src_v.at[j0]], rows0, gsem0)
            cp1 = pltpu.async_copy(hp_hbm.at[src_v.at[j1]], rows1, gsem1)
            cp0.wait()
            pltpu.sync_copy(rows0, s_sp.at[dst_v.at[j0]], add=True)
            cp1.wait()
            pltpu.sync_copy(rows1, s_sp.at[dst_v.at[j1]], add=True)
            return carry2
        lax.fori_loop(0, GRP // 2, pair, 0)
        return carry
    lax.fori_loop(0, NG, group, 0)
    plsc.subcore_barrier()
    pltpu.sync_copy(s_sp.at[pl.ds(base, RPT)], out_hbm.at[c, pl.ds(base, RPT)])



def _tc_prep_body(x_ref, deg_ref, out_ref):
    dv = deg_ref[...]
    inv = lax.rsqrt(dv[0] + dv[1] + 1.0)
    out_ref[...] = x_ref[...] * inv


_tc_prep = pl.pallas_call(
    _tc_prep_body,
    grid=(NB,),
    in_specs=[
        pl.BlockSpec((BLK, D), lambda b: (b, 0)),
        pl.BlockSpec((NC, BLK, 1), lambda b: (0, b, 0)),
    ],
    out_specs=pl.BlockSpec((BLK, D), lambda b: (b, 0)),
    out_shape=jax.ShapeDtypeStruct((NP, D), jnp.float32),
)


def _tc_layer_body(p_ref, hp_ref, deg_ref, w_ref, b_ref, out_ref):
    dv = deg_ref[...]
    inv = lax.rsqrt(dv[0] + dv[1] + 1.0)
    pv = p_ref[...]
    agg = (pv[0] + pv[1] + hp_ref[...]) * inv
    h = jnp.maximum(
        jnp.dot(agg, w_ref[...], preferred_element_type=jnp.float32)
        + b_ref[...], 0.0)
    out_ref[...] = h * inv


_tc_layer = pl.pallas_call(
    _tc_layer_body,
    grid=(NB,),
    in_specs=[
        pl.BlockSpec((NC, BLK, D), lambda b: (0, b, 0)),
        pl.BlockSpec((BLK, D), lambda b: (b, 0)),
        pl.BlockSpec((NC, BLK, 1), lambda b: (0, b, 0)),
        pl.BlockSpec((D, D), lambda b: (0, 0)),
        pl.BlockSpec((1, D), lambda b: (0, 0)),
    ],
    out_specs=pl.BlockSpec((BLK, D), lambda b: (b, 0)),
    out_shape=jax.ShapeDtypeStruct((NP, D), jnp.float32),
)


def _tc_final_body(p_ref, hp_ref, deg_ref, w_ref, b_ref, batch_ref,
                   wc1_ref, bc1_ref, wc2_ref, bc2_ref,
                   wn1_ref, bn1_ref, wn2_ref, bn2_ref,
                   fc_ref, fn_ref, y_ref, pool_acc, cnt_acc):
    blk = pl.program_id(0)

    @pl.when(blk == 0)
    def _():
        pool_acc[...] = jnp.zeros_like(pool_acc)
        cnt_acc[...] = jnp.zeros_like(cnt_acc)

    dv = deg_ref[...]
    inv = lax.rsqrt(dv[0] + dv[1] + 1.0)
    pv = p_ref[...]
    agg = (pv[0] + pv[1] + hp_ref[...]) * inv
    h = jnp.maximum(
        jnp.dot(agg, w_ref[...], preferred_element_type=jnp.float32)
        + b_ref[...], 0.0)
    bv = batch_ref[...].reshape(1, FBLK)
    gid = lax.broadcasted_iota(jnp.int32, (G, FBLK), 0)
    onehot = (gid == bv).astype(jnp.float32)
    pool_acc[...] += jnp.dot(onehot, h, preferred_element_type=jnp.float32)
    cnt_acc[...] += jnp.sum(onehot, axis=1, keepdims=True)

    @pl.when(blk == NFB - 1)
    def _():
        y = pool_acc[...] / jnp.maximum(cnt_acc[...], 1.0)
        hc = jnp.maximum(
            jnp.dot(y, wc1_ref[...], preferred_element_type=jnp.float32)
            + bc1_ref[...], 0.0)
        fc_ref[...] = (
            jnp.dot(hc, wc2_ref[...], preferred_element_type=jnp.float32)
            + bc2_ref[...])
        hn = jnp.maximum(
            jnp.dot(y, wn1_ref[...], preferred_element_type=jnp.float32)
            + bn1_ref[...], 0.0)
        fn_ref[...] = (
            jnp.dot(hn, wn2_ref[...], preferred_element_type=jnp.float32)
            + bn2_ref[...])
        y_ref[...] = y


_vec_spec = pl.BlockSpec((1, D), lambda b: (0, 0))
_mat_spec = pl.BlockSpec((D, D), lambda b: (0, 0))

_tc_final = pl.pallas_call(
    _tc_final_body,
    grid=(NFB,),
    in_specs=[
        pl.BlockSpec((NC, FBLK, D), lambda b: (0, b, 0)),
        pl.BlockSpec((FBLK, D), lambda b: (b, 0)),
        pl.BlockSpec((NC, FBLK, 1), lambda b: (0, b, 0)),
        _mat_spec, _vec_spec,
        pl.BlockSpec((1, 1, FBLK), lambda b: (b, 0, 0)),
        _mat_spec, _vec_spec, _mat_spec, _vec_spec,
        _mat_spec, _vec_spec, _mat_spec, _vec_spec,
    ],
    out_specs=[
        pl.BlockSpec((G, D), lambda b: (0, 0)),
        pl.BlockSpec((G, D), lambda b: (0, 0)),
        pl.BlockSpec((G, D), lambda b: (0, 0)),
    ],
    out_shape=[
        jax.ShapeDtypeStruct((G, D), jnp.float32),
        jax.ShapeDtypeStruct((G, D), jnp.float32),
        jax.ShapeDtypeStruct((G, D), jnp.float32),
    ],
    scratch_shapes=[
        pltpu.VMEM((G, D), jnp.float32),
        pltpu.VMEM((G, 1), jnp.float32),
    ],
)



def kernel(x, edge_index, batch, num_graphs,
           Wg0, bg0, Wg1, bg1, Wg2, bg2,
           Wc1, bc1, Wc2, bc2, Wn1, bn1, Wn2, bn2):
    del num_graphs
    x_pad = jnp.pad(x, ((0, NP - N), (0, 0)))
    src_r = edge_index[0].reshape(NW, NCHUNK, CH)
    dst_r = edge_index[1].reshape(NW, NCHUNK, CH)
    batch3 = jnp.pad(batch, (0, NP - N), constant_values=G).reshape(
        NFB, 1, FBLK)
    zeros8 = jnp.zeros((128, 8), jnp.float32)
    ones8 = jnp.ones((CH, 8), jnp.float32)
    zeros_d = jnp.zeros((CH, D), jnp.float32)

    degp = _sc_degree(dst_r, ones8, zeros8)[:, :, 0:1]
    h0p = _tc_prep(x_pad, degp)
    p = _sc_scatter(h0p, src_r, dst_r, zeros_d)
    h1p = _tc_layer(p, h0p, degp, Wg0, bg0.reshape(1, D))
    p = _sc_scatter(h1p, src_r, dst_r, zeros_d)
    h2p = _tc_layer(p, h1p, degp, Wg1, bg1.reshape(1, D))
    p = _sc_scatter(h2p, src_r, dst_r, zeros_d)
    fc, fn, y = _tc_final(
        p, h2p, degp, Wg2, bg2.reshape(1, D), batch3,
        Wc1, bc1.reshape(1, D), Wc2, bc2.reshape(1, D),
        Wn1, bn1.reshape(1, D), Wn2, bn2.reshape(1, D))
    return (fc, fn, y)

# --- scband reference (transcript-rebuilt; emitter-appended) ---
"""Pipeline reference for scband-gnn-58205396795500 (READ-ONLY COPY).

The authoritative reference and input builder live on the scoring server;
editing this copy changes nothing except your own understanding.
"""

import jax, jax.numpy as jnp
import numpy as np

N = 10000
E = 320000
D = 128
H = 128
G = 64
NUM_LAYERS = 3


def _glorot(key, shape):
    fan_in, fan_out = shape[0], shape[1]
    lim = float(np.sqrt(6.0 / (fan_in + fan_out)))
    return jax.random.uniform(key, shape, dtype=jnp.float32, minval=-lim, maxval=lim)


def setup_inputs(seed: int = 0) -> dict:
    key = jax.random.key(seed)
    ks = jax.random.split(key, 24)
    x = jax.random.normal(ks[0], (N, D), dtype=jnp.float32)
    edge_index = jax.random.randint(ks[1], (2, E), 0, N, dtype=jnp.int32)
    batch = jnp.sort(jax.random.randint(ks[2], (N,), 0, G, dtype=jnp.int32))
    inp = {
        'x': x,
        'edge_index': edge_index,
        'batch': batch,
        'num_graphs': G,
    }
    dims = [(D, H), (H, H), (H, H)]
    for i in range(NUM_LAYERS):
        inp['Wg%d' % i] = _glorot(ks[3 + 2 * i], dims[i])
        inp['bg%d' % i] = jnp.zeros((dims[i][1],), dtype=jnp.float32)
    # mlp_c: Linear(H,H) -> ReLU -> Dropout -> Linear(H,H)
    inp['Wc1'] = _glorot(ks[10], (H, H)); inp['bc1'] = jnp.zeros((H,), jnp.float32)
    inp['Wc2'] = _glorot(ks[11], (H, H)); inp['bc2'] = jnp.zeros((H,), jnp.float32)
    # mlp_n: Linear(H,H) -> ReLU -> Dropout -> Linear(H,H)
    inp['Wn1'] = _glorot(ks[12], (H, H)); inp['bn1'] = jnp.zeros((H,), jnp.float32)
    inp['Wn2'] = _glorot(ks[13], (H, H)); inp['bn2'] = jnp.zeros((H,), jnp.float32)
    return inp


def _gcn_conv(h, src, dst, W, b, n_nodes):
    # GCN with self-loops, symmetric normalization
    deg = jnp.zeros((n_nodes,), h.dtype).at[dst].add(1.0) + 1.0
    inv_sqrt = 1.0 / jnp.sqrt(deg)
    norm = inv_sqrt[src] * inv_sqrt[dst]
    msg = h[src] * norm[:, None]
    agg = jnp.zeros_like(h).at[dst].add(msg)
    agg = agg + h * (inv_sqrt * inv_sqrt)[:, None]
    return jnp.maximum(agg @ W + b, 0.0)


def _mlp(y, W1, b1, W2, b2):
    # Dropout is identity at inference
    hidden = jnp.maximum(y @ W1 + b1, 0.0)
    return hidden @ W2 + b2


def reference(x, edge_index, batch, num_graphs,
              Wg0, bg0, Wg1, bg1, Wg2, bg2,
              Wc1, bc1, Wc2, bc2, Wn1, bn1, Wn2, bn2):
    src = edge_index[0]
    dst = edge_index[1]
    n = x.shape[0]
    h = x
    for W, b in ((Wg0, bg0), (Wg1, bg1), (Wg2, bg2)):
        h = _gcn_conv(h, src, dst, W, b, n)
    y_node = h
    # global mean pool per graph (JK='last', global_pool='mean')
    seg = batch + (0 * jnp.asarray(num_graphs, batch.dtype))
    sums = jax.ops.segment_sum(y_node, seg, num_segments=G)
    counts = jax.ops.segment_sum(jnp.ones((n,), y_node.dtype), seg, num_segments=G)
    y = sums / jnp.maximum(counts, 1.0)[:, None]
    feat_c = _mlp(y, Wc1, bc1, Wc2, bc2)
    feat_nc = _mlp(y, Wn1, bn1, Wn2, bn2)
    return (feat_c, feat_nc, y)

if __name__ == "__main__":
    import jax
    _d = setup_inputs()
    print(jax.jit(kernel)(*tuple(_d.values())))

</pallas_src>

<mosaic_0001>
#map = affine_map<(d0, d1) -> (0, 0)>
#map1 = affine_map<(d0, d1) -> (0, 0, 0)>
module attributes {stable_mosaic.version = 14 : i64} {
  func.func @_sc_scatter(%arg0: i32, %arg1: i32, %arg2: memref<10240x128xf32, #tpu.memory_space<hbm>>, %arg3: memref<32x80x125xi32, #tpu.memory_space<hbm>>, %arg4: memref<32x80x125xi32, #tpu.memory_space<hbm>>, %arg5: memref<125x128xf32, #tpu.memory_space<hbm>>, %arg6: memref<2x10240x128xf32, #tpu.memory_space<hbm>>, %arg7: memref<40x125xi32, #tpu.memory_space<vmem>>, %arg8: memref<40x125xi32, #tpu.memory_space<vmem>>, %arg9: memref<125x128xf32, #tpu.memory_space<vmem>>, %arg10: memref<125x128xf32, #tpu.memory_space<vmem>>, %arg11: memref<!tpu.dma_semaphore, #tpu.memory_space<semaphore_mem>>, %arg12: memref<!tpu.dma_semaphore, #tpu.memory_space<semaphore_mem>>, %arg13: memref<10240x128xf32, #tpu.memory_space<vmem_shared>>) attributes {dimension_semantics = [#tpu.dimension_semantics<core_parallel>, #tpu.dimension_semantics<subcore_parallel>], iteration_bounds = array<i64: 2, 16>, scalar_prefetch = 0 : i64, scratch_operands = 7 : i64, tpu.core_type = #tpu.core_type<sc_vector_subcore>, window_params = [{transform_indices = #map}, {transform_indices = #map1}, {transform_indices = #map1}, {transform_indices = #map}, {transform_indices = #map1}]} {
    %mul3A = arith.constant 16 : i32
    %mul3A_0 = arith.muli %arg0, %mul3A : i32
    %add3A = arith.addi %mul3A_0, %arg1 : i32
    %mul3A_1 = arith.constant 640 : i32
    %mul3A_2 = arith.muli %arg1, %mul3A_1 : i32
    "tpu.region"() ({
      %run_scoped3A = tpu.sem_alloc : memref<!tpu.dma_semaphore, #tpu.memory_space<semaphore_mem>>
      tpu.enqueue_dma source(%arg5 : memref<125x128xf32, #tpu.memory_space<hbm>>) target(%arg9 : memref<125x128xf32, #tpu.memory_space<vmem>>) target_semaphore(%run_scoped3A : memref<!tpu.dma_semaphore, #tpu.memory_space<semaphore_mem>>)
      tpu.wait_dma2 semaphore(%run_scoped3A : memref<!tpu.dma_semaphore, #tpu.memory_space<semaphore_mem>>) src(%arg5 : memref<125x128xf32, #tpu.memory_space<hbm>>) dst(%arg9 : memref<125x128xf32, #tpu.memory_space<vmem>>)
      tpu.yield
    }) : () -> ()
    %add3A_3 = arith.constant 0 : i32
    %add3A_4 = arith.addi %mul3A_2, %add3A_3 : i32
    "tpu.region"() ({
      %run_scoped3A = tpu.sem_alloc : memref<!tpu.dma_semaphore, #tpu.memory_space<semaphore_mem>>
      %dma_start3A = arith.constant 0 : i32
      %dma_start3A_25 = arith.constant 0 : i32
      %dma_start3A_26 = tpu.memref_slice %arg9[%dma_start3A, %dma_start3A_25] : memref<125x128xf32, #tpu.memory_space<vmem>> -> memref<80x128xf32, #tpu.memory_space<vmem>>
      %dma_start3A_27 = arith.constant 0 : i32
      %dma_start3A_28 = tpu.memref_slice %arg13[%add3A_4, %dma_start3A_27] : memref<10240x128xf32, #tpu.memory_space<vmem_shared>> -> memref<80x128xf32, #tpu.memory_space<vmem_shared>>
      %dma_start3A_29 = arith.constant 0 : i32
      %dma_start3A_30 = tpu.memref_slice %arg13[%add3A_4, %dma_start3A_29] : memref<10240x128xf32, #tpu.memory_space<vmem_shared>> -> memref<80x128xf32, #tpu.memory_space<vmem_shared>>
      %dma_start3A_31 = arith.constant 0 : i32
      %dma_start3A_32 = arith.constant 0 : i32
      %dma_start3A_33 = tpu.memref_slice %arg9[%dma_start3A_31, %dma_start3A_32] : memref<125x128xf32, #tpu.memory_space<vmem>> -> memref<80x128xf32, #tpu.memory_space<vmem>>
      tpu.enqueue_dma source(%dma_start3A_33 : memref<80x128xf32, #tpu.memory_space<vmem>>) target(%dma_start3A_30 : memref<80x128xf32, #tpu.memory_space<vmem_shared>>) target_semaphore(%run_scoped3A : memref<!tpu.dma_semaphore, #tpu.memory_space<semaphore_mem>>)
      %dma_wait3A = arith.constant 0 : i32
      %dma_wait3A_34 = arith.constant 0 : i32
      %dma_wait3A_35 = tpu.memref_slice %arg9[%dma_wait3A, %dma_wait3A_34] : memref<125x128xf32, #tpu.memory_space<vmem>> -> memref<80x128xf32, #tpu.memory_space<vmem>>
      %dma_wait3A_36 = arith.constant 0 : i32
      %dma_wait3A_37 = tpu.memref_slice %arg13[%add3A_4, %dma_wait3A_36] : memref<10240x128xf32, #tpu.memory_space<vmem_shared>> -> memref<80x128xf32, #tpu.memory_space<vmem_shared>>
      %dma_wait3A_38 = arith.constant 0 : i32
      %dma_wait3A_39 = tpu.memref_slice %arg13[%add3A_4, %dma_wait3A_38] : memref<10240x128xf32, #tpu.memory_space<vmem_shared>> -> memref<80x128xf32, #tpu.memory_space<vmem_shared>>
      %dma_wait3A_40 = arith.constant 0 : i32
      %dma_wait3A_41 = arith.constant 0 : i32
      %dma_wait3A_42 = tpu.memref_slice %arg9[%dma_wait3A_40, %dma_wait3A_41] : memref<125x128xf32, #tpu.memory_space<vmem>> -> memref<80x128xf32, #tpu.memory_space<vmem>>
      tpu.wait_dma2 semaphore(%run_scoped3A : memref<!tpu.dma_semaphore, #tpu.memory_space<semaphore_mem>>) src(%dma_wait3A_42 : memref<80x128xf32, #tpu.memory_space<vmem>>) dst(%dma_wait3A_39 : memref<80x128xf32, #tpu.memory_space<vmem_shared>>)
      tpu.yield
    }) : () -> ()
    %add3A_5 = arith.constant 80 : i32
    %add3A_6 = arith.addi %mul3A_2, %add3A_5 : i32
    "tpu.region"() ({
      %run_scoped3A = tpu.sem_alloc : memref<!tpu.dma_semaphore, #tpu.memory_space<semaphore_mem>>
      %dma_start3A = arith.constant 0 : i32
      %dma_start3A_25 = arith.constant 0 : i32
      %dma_start3A_26 = tpu.memref_slice %arg9[%dma_start3A, %dma_start3A_25] : memref<125x128xf32, #tpu.memory_space<vmem>> -> memref<80x128xf32, #tpu.memory_space<vmem>>
      %dma_start3A_27 = arith.constant 0 : i32
      %dma_start3A_28 = tpu.memref_slice %arg13[%add3A_6, %dma_start3A_27] : memref<10240x128xf32, #tpu.memory_space<vmem_shared>> -> memref<80x128xf32, #tpu.memory_space<vmem_shared>>
      %dma_start3A_29 = arith.constant 0 : i32
      %dma_start3A_30 = tpu.memref_slice %arg13[%add3A_6, %dma_start3A_29] : memref<10240x128xf32, #tpu.memory_space<vmem_shared>> -> memref<80x128xf32, #tpu.memory_space<vmem_shared>>
      %dma_start3A_31 = arith.constant 0 : i32
      %dma_start3A_32 = arith.constant 0 : i32
      %dma_start3A_33 = tpu.memref_slice %arg9[%dma_start3A_31, %dma_start3A_32] : memref<125x128xf32, #tpu.memory_space<vmem>> -> memref<80x128xf32, #tpu.memory_space<vmem>>
      tpu.enqueue_dma source(%dma_start3A_33 : memref<80x128xf32, #tpu.memory_space<vmem>>) target(%dma_start3A_30 : memref<80x128xf32, #tpu.memory_space<vmem_shared>>) target_semaphore(%run_scoped3A : memref<!tpu.dma_semaphore, #tpu.memory_space<semaphore_mem>>)
      %dma_wait3A = arith.constant 0 : i32
      %dma_wait3A_34 = arith.constant 0 : i32
      %dma_wait3A_35 = tpu.memref_slice %arg9[%dma_wait3A, %dma_wait3A_34] : memref<125x128xf32, #tpu.memory_space<vmem>> -> memref<80x128xf32, #tpu.memory_space<vmem>>
      %dma_wait3A_36 = arith.constant 0 : i32
      %dma_wait3A_37 = tpu.memref_slice %arg13[%add3A_6, %dma_wait3A_36] : memref<10240x128xf32, #tpu.memory_space<vmem_shared>> -> memref<80x128xf32, #tpu.memory_space<vmem_shared>>
      %dma_wait3A_38 = arith.constant 0 : i32
      %dma_wait3A_39 = tpu.memref_slice %arg13[%add3A_6, %dma_wait3A_38] : memref<10240x128xf32, #tpu.memory_space<vmem_shared>> -> memref<80x128xf32, #tpu.memory_space<vmem_shared>>
      %dma_wait3A_40 = arith.constant 0 : i32
      %dma_wait3A_41 = arith.constant 0 : i32
      %dma_wait3A_42 = tpu.memref_slice %arg9[%dma_wait3A_40, %dma_wait3A_41] : memref<125x128xf32, #tpu.memory_space<vmem>> -> memref<80x128xf32, #tpu.memory_space<vmem>>
      tpu.wait_dma2 semaphore(%run_scoped3A : memref<!tpu.dma_semaphore, #tpu.memory_space<semaphore_mem>>) src(%dma_wait3A_42 : memref<80x128xf32, #tpu.memory_space<vmem>>) dst(%dma_wait3A_39 : memref<80x128xf32, #tpu.memory_space<vmem_shared>>)
      tpu.yield
    }) : () -> ()
    %add3A_7 = arith.constant 160 : i32
    %add3A_8 = arith.addi %mul3A_2, %add3A_7 : i32
    "tpu.region"() ({
      %run_scoped3A = tpu.sem_alloc : memref<!tpu.dma_semaphore, #tpu.memory_space<semaphore_mem>>
      %dma_start3A = arith.constant 0 : i32
      %dma_start3A_25 = arith.constant 0 : i32
      %dma_start3A_26 = tpu.memref_slice %arg9[%dma_start3A, %dma_start3A_25] : memref<125x128xf32, #tpu.memory_space<vmem>> -> memref<80x128xf32, #tpu.memory_space<vmem>>
      %dma_start3A_27 = arith.constant 0 : i32
      %dma_start3A_28 = tpu.memref_slice %arg13[%add3A_8, %dma_start3A_27] : memref<10240x128xf32, #tpu.memory_space<vmem_shared>> -> memref<80x128xf32, #tpu.memory_space<vmem_shared>>
      %dma_start3A_29 = arith.constant 0 : i32
      %dma_start3A_30 = tpu.memref_slice %arg13[%add3A_8, %dma_start3A_29] : memref<10240x128xf32, #tpu.memory_space<vmem_shared>> -> memref<80x128xf32, #tpu.memory_space<vmem_shared>>
      %dma_start3A_31 = arith.constant 0 : i32
      %dma_start3A_32 = arith.constant 0 : i32
      %dma_start3A_33 = tpu.memref_slice %arg9[%dma_start3A_31, %dma_start3A_32] : memref<125x128xf32, #tpu.memory_space<vmem>> -> memref<80x128xf32, #tpu.memory_space<vmem>>
      tpu.enqueue_dma source(%dma_start3A_33 : memref<80x128xf32, #tpu.memory_space<vmem>>) target(%dma_start3A_30 : memref<80x128xf32, #tpu.memory_space<vmem_shared>>) target_semaphore(%run_scoped3A : memref<!tpu.dma_semaphore, #tpu.memory_space<semaphore_mem>>)
      %dma_wait3A = arith.constant 0 : i32
      %dma_wait3A_34 = arith.constant 0 : i32
      %dma_wait3A_35 = tpu.memref_slice %arg9[%dma_wait3A, %dma_wait3A_34] : memref<125x128xf32, #tpu.memory_space<vmem>> -> memref<80x128xf32, #tpu.memory_space<vmem>>
      %dma_wait3A_36 = arith.constant 0 : i32
      %dma_wait3A_37 = tpu.memref_slice %arg13[%add3A_8, %dma_wait3A_36] : memref<10240x128xf32, #tpu.memory_space<vmem_shared>> -> memref<80x128xf32, #tpu.memory_space<vmem_shared>>
      %dma_wait3A_38 = arith.constant 0 : i32
      %dma_wait3A_39 = tpu.memref_slice %arg13[%add3A_8, %dma_wait3A_38] : memref<10240x128xf32, #tpu.memory_space<vmem_shared>> -> memref<80x128xf32, #tpu.memory_space<vmem_shared>>
      %dma_wait3A_40 = arith.constant 0 : i32
      %dma_wait3A_41 = arith.constant 0 : i32
      %dma_wait3A_42 = tpu.memref_slice %arg9[%dma_wait3A_40, %dma_wait3A_41] : memref<125x128xf32, #tpu.memory_space<vmem>> -> memref<80x128xf32, #tpu.memory_space<vmem>>
      tpu.wait_dma2 semaphore(%run_scoped3A : memref<!tpu.dma_semaphore, #tpu.memory_space<semaphore_mem>>) src(%dma_wait3A_42 : memref<80x128xf32, #tpu.memory_space<vmem>>) dst(%dma_wait3A_39 : memref<80x128xf32, #tpu.memory_space<vmem_shared>>)
      tpu.yield
    }) : () -> ()
    %add3A_9 = arith.constant 240 : i32
    %add3A_10 = arith.addi %mul3A_2, %add3A_9 : i32
    "tpu.region"() ({
      %run_scoped3A = tpu.sem_alloc : memref<!tpu.dma_semaphore, #tpu.memory_space<semaphore_mem>>
      %dma_start3A = arith.constant 0 : i32
      %dma_start3A_25 = arith.constant 0 : i32
      %dma_start3A_26 = tpu.memref_slice %arg9[%dma_start3A, %dma_start3A_25] : memref<125x128xf32, #tpu.memory_space<vmem>> -> memref<80x128xf32, #tpu.memory_space<vmem>>
      %dma_start3A_27 = arith.constant 0 : i32
      %dma_start3A_28 = tpu.memref_slice %arg13[%add3A_10, %dma_start3A_27] : memref<10240x128xf32, #tpu.memory_space<vmem_shared>> -> memref<80x128xf32, #tpu.memory_space<vmem_shared>>
      %dma_start3A_29 = arith.constant 0 : i32
      %dma_start3A_30 = tpu.memref_slice %arg13[%add3A_10, %dma_start3A_29] : memref<10240x128xf32, #tpu.memory_space<vmem_shared>> -> memref<80x128xf32, #tpu.memory_space<vmem_shared>>
      %dma_start3A_31 = arith.constant 0 : i32
      %dma_start3A_32 = arith.constant 0 : i32
      %dma_start3A_33 = tpu.memref_slice %arg9[%dma_start3A_31, %dma_start3A_32] : memref<125x128xf32, #tpu.memory_space<vmem>> -> memref<80x128xf32, #tpu.memory_space<vmem>>
      tpu.enqueue_dma source(%dma_start3A_33 : memref<80x128xf32, #tpu.memory_space<vmem>>) target(%dma_start3A_30 : memref<80x128xf32, #tpu.memory_space<vmem_shared>>) target_semaphore(%run_scoped3A : memref<!tpu.dma_semaphore, #tpu.memory_space<semaphore_mem>>)
      %dma_wait3A = arith.constant 0 : i32
      %dma_wait3A_34 = arith.constant 0 : i32
      %dma_wait3A_35 = tpu.memref_slice %arg9[%dma_wait3A, %dma_wait3A_34] : memref<125x128xf32, #tpu.memory_space<vmem>> -> memref<80x128xf32, #tpu.memory_space<vmem>>
      %dma_wait3A_36 = arith.constant 0 : i32
      %dma_wait3A_37 = tpu.memref_slice %arg13[%add3A_10, %dma_wait3A_36] : memref<10240x128xf32, #tpu.memory_space<vmem_shared>> -> memref<80x128xf32, #tpu.memory_space<vmem_shared>>
      %dma_wait3A_38 = arith.constant 0 : i32
      %dma_wait3A_39 = tpu.memref_slice %arg13[%add3A_10, %dma_wait3A_38] : memref<10240x128xf32, #tpu.memory_space<vmem_shared>> -> memref<80x128xf32, #tpu.memory_space<vmem_shared>>
      %dma_wait3A_40 = arith.constant 0 : i32
      %dma_wait3A_41 = arith.constant 0 : i32
      %dma_wait3A_42 = tpu.memref_slice %arg9[%dma_wait3A_40, %dma_wait3A_41] : memref<125x128xf32, #tpu.memory_space<vmem>> -> memref<80x128xf32, #tpu.memory_space<vmem>>
      tpu.wait_dma2 semaphore(%run_scoped3A : memref<!tpu.dma_semaphore, #tpu.memory_space<semaphore_mem>>) src(%dma_wait3A_42 : memref<80x128xf32, #tpu.memory_space<vmem>>) dst(%dma_wait3A_39 : memref<80x128xf32, #tpu.memory_space<vmem_shared>>)
      tpu.yield
    }) : () -> ()
    %add3A_11 = arith.constant 320 : i32
    %add3A_12 = arith.addi %mul3A_2, %add3A_11 : i32
    "tpu.region"() ({
      %run_scoped3A = tpu.sem_alloc : memref<!tpu.dma_semaphore, #tpu.memory_space<semaphore_mem>>
      %dma_start3A = arith.constant 0 : i32
      %dma_start3A_25 = arith.constant 0 : i32
      %dma_start3A_26 = tpu.memref_slice %arg9[%dma_start3A, %dma_start3A_25] : memref<125x128xf32, #tpu.memory_space<vmem>> -> memref<80x128xf32, #tpu.memory_space<vmem>>
      %dma_start3A_27 = arith.constant 0 : i32
      %dma_start3A_28 = tpu.memref_slice %arg13[%add3A_12, %dma_start3A_27] : memref<10240x128xf32, #tpu.memory_space<vmem_shared>> -> memref<80x128xf32, #tpu.memory_space<vmem_shared>>
      %dma_start3A_29 = arith.constant 0 : i32
      %dma_start3A_30 = tpu.memref_slice %arg13[%add3A_12, %dma_start3A_29] : memref<10240x128xf32, #tpu.memory_space<vmem_shared>> -> memref<80x128xf32, #tpu.memory_space<vmem_shared>>
      %dma_start3A_31 = arith.constant 0 : i32
      %dma_start3A_32 = arith.constant 0 : i32
      %dma_start3A_33 = tpu.memref_slice %arg9[%dma_start3A_31, %dma_start3A_32] : memref<125x128xf32, #tpu.memory_space<vmem>> -> memref<80x128xf32, #tpu.memory_space<vmem>>
      tpu.enqueue_dma source(%dma_start3A_33 : memref<80x128xf32, #tpu.memory_space<vmem>>) target(%dma_start3A_30 : memref<80x128xf32, #tpu.memory_space<vmem_shared>>) target_semaphore(%run_scoped3A : memref<!tpu.dma_semaphore, #tpu.memory_space<semaphore_mem>>)
      %dma_wait3A = arith.constant 0 : i32
      %dma_wait3A_34 = arith.constant 0 : i32
      %dma_wait3A_35 = tpu.memref_slice %arg9[%dma_wait3A, %dma_wait3A_34] : memref<125x128xf32, #tpu.memory_space<vmem>> -> memref<80x128xf32, #tpu.memory_space<vmem>>
      %dma_wait3A_36 = arith.constant 0 : i32
      %dma_wait3A_37 = tpu.memref_slice %arg13[%add3A_12, %dma_wait3A_36] : memref<10240x128xf32, #tpu.memory_space<vmem_shared>> -> memref<80x128xf32, #tpu.memory_space<vmem_shared>>
      %dma_wait3A_38 = arith.constant 0 : i32
      %dma_wait3A_39 = tpu.memref_slice %arg13[%add3A_12, %dma_wait3A_38] : memref<10240x128xf32, #tpu.memory_space<vmem_shared>> -> memref<80x128xf32, #tpu.memory_space<vmem_shared>>
      %dma_wait3A_40 = arith.constant 0 : i32
      %dma_wait3A_41 = arith.constant 0 : i32
      %dma_wait3A_42 = tpu.memref_slice %arg9[%dma_wait3A_40, %dma_wait3A_41] : memref<125x128xf32, #tpu.memory_space<vmem>> -> memref<80x128xf32, #tpu.memory_space<vmem>>
      tpu.wait_dma2 semaphore(%run_scoped3A : memref<!tpu.dma_semaphore, #tpu.memory_space<semaphore_mem>>) src(%dma_wait3A_42 : memref<80x128xf32, #tpu.memory_space<vmem>>) dst(%dma_wait3A_39 : memref<80x128xf32, #tpu.memory_space<vmem_shared>>)
      tpu.yield
    }) : () -> ()
    %add3A_13 = arith.constant 400 : i32
    %add3A_14 = arith.addi %mul3A_2, %add3A_13 : i32
    "tpu.region"() ({
      %run_scoped3A = tpu.sem_alloc : memref<!tpu.dma_semaphore, #tpu.memory_space<semaphore_mem>>
      %dma_start3A = arith.constant 0 : i32
      %dma_start3A_25 = arith.constant 0 : i32
      %dma_start3A_26 = tpu.memref_slice %arg9[%dma_start3A, %dma_start3A_25] : memref<125x128xf32, #tpu.memory_space<vmem>> -> memref<80x128xf32, #tpu.memory_space<vmem>>
      %dma_start3A_27 = arith.constant 0 : i32
      %dma_start3A_28 = tpu.memref_slice %arg13[%add3A_14, %dma_start3A_27] : memref<10240x128xf32, #tpu.memory_space<vmem_shared>> -> memref<80x128xf32, #tpu.memory_space<vmem_shared>>
      %dma_start3A_29 = arith.constant 0 : i32
      %dma_start3A_30 = tpu.memref_slice %arg13[%add3A_14, %dma_start3A_29] : memref<10240x128xf32, #tpu.memory_space<vmem_shared>> -> memref<80x128xf32, #tpu.memory_space<vmem_shared>>
      %dma_start3A_31 = arith.constant 0 : i32
      %dma_start3A_32 = arith.constant 0 : i32
      %dma_start3A_33 = tpu.memref_slice %arg9[%dma_start3A_31, %dma_start3A_32] : memref<125x128xf32, #tpu.memory_space<vmem>> -> memref<80x128xf32, #tpu.memory_space<vmem>>
      tpu.enqueue_dma source(%dma_start3A_33 : memref<80x128xf32, #tpu.memory_space<vmem>>) target(%dma_start3A_30 : memref<80x128xf32, #tpu.memory_space<vmem_shared>>) target_semaphore(%run_scoped3A : memref<!tpu.dma_semaphore, #tpu.memory_space<semaphore_mem>>)
      %dma_wait3A = arith.constant 0 : i32
      %dma_wait3A_34 = arith.constant 0 : i32
      %dma_wait3A_35 = tpu.memref_slice %arg9[%dma_wait3A, %dma_wait3A_34] : memref<125x128xf32, #tpu.memory_space<vmem>> -> memref<80x128xf32, #tpu.memory_space<vmem>>
      %dma_wait3A_36 = arith.constant 0 : i32
      %dma_wait3A_37 = tpu.memref_slice %arg13[%add3A_14, %dma_wait3A_36] : memref<10240x128xf32, #tpu.memory_space<vmem_shared>> -> memref<80x128xf32, #tpu.memory_space<vmem_shared>>
      %dma_wait3A_38 = arith.constant 0 : i32
      %dma_wait3A_39 = tpu.memref_slice %arg13[%add3A_14, %dma_wait3A_38] : memref<10240x128xf32, #tpu.memory_space<vmem_shared>> -> memref<80x128xf32, #tpu.memory_space<vmem_shared>>
      %dma_wait3A_40 = arith.constant 0 : i32
      %dma_wait3A_41 = arith.constant 0 : i32
      %dma_wait3A_42 = tpu.memref_slice %arg9[%dma_wait3A_40, %dma_wait3A_41] : memref<125x128xf32, #tpu.memory_space<vmem>> -> memref<80x128xf32, #tpu.memory_space<vmem>>
      tpu.wait_dma2 semaphore(%run_scoped3A : memref<!tpu.dma_semaphore, #tpu.memory_space<semaphore_mem>>) src(%dma_wait3A_42 : memref<80x128xf32, #tpu.memory_space<vmem>>) dst(%dma_wait3A_39 : memref<80x128xf32, #tpu.memory_space<vmem_shared>>)
      tpu.yield
    }) : () -> ()
    %add3A_15 = arith.constant 480 : i32
    %add3A_16 = arith.addi %mul3A_2, %add3A_15 : i32
    "tpu.region"() ({
      %run_scoped3A = tpu.sem_alloc : memref<!tpu.dma_semaphore, #tpu.memory_space<semaphore_mem>>
      %dma_start3A = arith.constant 0 : i32
      %dma_start3A_25 = arith.constant 0 : i32
      %dma_start3A_26 = tpu.memref_slice %arg9[%dma_start3A, %dma_start3A_25] : memref<125x128xf32, #tpu.memory_space<vmem>> -> memref<80x128xf32, #tpu.memory_space<vmem>>
      %dma_start3A_27 = arith.constant 0 : i32
      %dma_start3A_28 = tpu.memref_slice %arg13[%add3A_16, %dma_start3A_27] : memref<10240x128xf32, #tpu.memory_space<vmem_shared>> -> memref<80x128xf32, #tpu.memory_space<vmem_shared>>
      %dma_start3A_29 = arith.constant 0 : i32
      %dma_start3A_30 = tpu.memref_slice %arg13[%add3A_16, %dma_start3A_29] : memref<10240x128xf32, #tpu.memory_space<vmem_shared>> -> memref<80x128xf32, #tpu.memory_space<vmem_shared>>
      %dma_start3A_31 = arith.constant 0 : i32
      %dma_start3A_32 = arith.constant 0 : i32
      %dma_start3A_33 = tpu.memref_slice %arg9[%dma_start3A_31, %dma_start3A_32] : memref<125x128xf32, #tpu.memory_space<vmem>> -> memref<80x128xf32, #tpu.memory_space<vmem>>
      tpu.enqueue_dma source(%dma_start3A_33 : memref<80x128xf32, #tpu.memory_space<vmem>>) target(%dma_start3A_30 : memref<80x128xf32, #tpu.memory_space<vmem_shared>>) target_semaphore(%run_scoped3A : memref<!tpu.dma_semaphore, #tpu.memory_space<semaphore_mem>>)
      %dma_wait3A = arith.constant 0 : i32
      %dma_wait3A_34 = arith.constant 0 : i32
      %dma_wait3A_35 = tpu.memref_slice %arg9[%dma_wait3A, %dma_wait3A_34] : memref<125x128xf32, #tpu.memory_space<vmem>> -> memref<80x128xf32, #tpu.memory_space<vmem>>
      %dma_wait3A_36 = arith.constant 0 : i32
      %dma_wait3A_37 = tpu.memref_slice %arg13[%add3A_16, %dma_wait3A_36] : memref<10240x128xf32, #tpu.memory_space<vmem_shared>> -> memref<80x128xf32, #tpu.memory_space<vmem_shared>>
      %dma_wait3A_38 = arith.constant 0 : i32
      %dma_wait3A_39 = tpu.memref_slice %arg13[%add3A_16, %dma_wait3A_38] : memref<10240x128xf32, #tpu.memory_space<vmem_shared>> -> memref<80x128xf32, #tpu.memory_space<vmem_shared>>
      %dma_wait3A_40 = arith.constant 0 : i32
      %dma_wait3A_41 = arith.constant 0 : i32
      %dma_wait3A_42 = tpu.memref_slice %arg9[%dma_wait3A_40, %dma_wait3A_41] : memref<125x128xf32, #tpu.memory_space<vmem>> -> memref<80x128xf32, #tpu.memory_space<vmem>>
      tpu.wait_dma2 semaphore(%run_scoped3A : memref<!tpu.dma_semaphore, #tpu.memory_space<semaphore_mem>>) src(%dma_wait3A_42 : memref<80x128xf32, #tpu.memory_space<vmem>>) dst(%dma_wait3A_39 : memref<80x128xf32, #tpu.memory_space<vmem_shared>>)
      tpu.yield
    }) : () -> ()
    %add3A_17 = arith.constant 560 : i32
    %add3A_18 = arith.addi %mul3A_2, %add3A_17 : i32
    "tpu.region"() ({
      %run_scoped3A = tpu.sem_alloc : memref<!tpu.dma_semaphore, #tpu.memory_space<semaphore_mem>>
      %dma_start3A = arith.constant 0 : i32
      %dma_start3A_25 = arith.constant 0 : i32
      %dma_start3A_26 = tpu.memref_slice %arg9[%dma_start3A, %dma_start3A_25] : memref<125x128xf32, #tpu.memory_space<vmem>> -> memref<80x128xf32, #tpu.memory_space<vmem>>
      %dma_start3A_27 = arith.constant 0 : i32
      %dma_start3A_28 = tpu.memref_slice %arg13[%add3A_18, %dma_start3A_27] : memref<10240x128xf32, #tpu.memory_space<vmem_shared>> -> memref<80x128xf32, #tpu.memory_space<vmem_shared>>
      %dma_start3A_29 = arith.constant 0 : i32
      %dma_start3A_30 = tpu.memref_slice %arg13[%add3A_18, %dma_start3A_29] : memref<10240x128xf32, #tpu.memory_space<vmem_shared>> -> memref<80x128xf32, #tpu.memory_space<vmem_shared>>
      %dma_start3A_31 = arith.constant 0 : i32
      %dma_start3A_32 = arith.constant 0 : i32
      %dma_start3A_33 = tpu.memref_slice %arg9[%dma_start3A_31, %dma_start3A_32] : memref<125x128xf32, #tpu.memory_space<vmem>> -> memref<80x128xf32, #tpu.memory_space<vmem>>
      tpu.enqueue_dma source(%dma_start3A_33 : memref<80x128xf32, #tpu.memory_space<vmem>>) target(%dma_start3A_30 : memref<80x128xf32, #tpu.memory_space<vmem_shared>>) target_semaphore(%run_scoped3A : memref<!tpu.dma_semaphore, #tpu.memory_space<semaphore_mem>>)
      %dma_wait3A = arith.constant 0 : i32
      %dma_wait3A_34 = arith.constant 0 : i32
      %dma_wait3A_35 = tpu.memref_slice %arg9[%dma_wait3A, %dma_wait3A_34] : memref<125x128xf32, #tpu.memory_space<vmem>> -> memref<80x128xf32, #tpu.memory_space<vmem>>
      %dma_wait3A_36 = arith.constant 0 : i32
      %dma_wait3A_37 = tpu.memref_slice %arg13[%add3A_18, %dma_wait3A_36] : memref<10240x128xf32, #tpu.memory_space<vmem_shared>> -> memref<80x128xf32, #tpu.memory_space<vmem_shared>>
      %dma_wait3A_38 = arith.constant 0 : i32
      %dma_wait3A_39 = tpu.memref_slice %arg13[%add3A_18, %dma_wait3A_38] : memref<10240x128xf32, #tpu.memory_space<vmem_shared>> -> memref<80x128xf32, #tpu.memory_space<vmem_shared>>
      %dma_wait3A_40 = arith.constant 0 : i32
      %dma_wait3A_41 = arith.constant 0 : i32
      %dma_wait3A_42 = tpu.memref_slice %arg9[%dma_wait3A_40, %dma_wait3A_41] : memref<125x128xf32, #tpu.memory_space<vmem>> -> memref<80x128xf32, #tpu.memory_space<vmem>>
      tpu.wait_dma2 semaphore(%run_scoped3A : memref<!tpu.dma_semaphore, #tpu.memory_space<semaphore_mem>>) src(%dma_wait3A_42 : memref<80x128xf32, #tpu.memory_space<vmem>>) dst(%dma_wait3A_39 : memref<80x128xf32, #tpu.memory_space<vmem_shared>>)
      tpu.yield
    }) : () -> ()
    %barrier3A = arith.constant 0 : index
    tpu.barrier barrier_id(%barrier3A)
    %scan3A = arith.constant 0 : i32
    %scan3A_19 = arith.constant 0 : i32
    %scan3A_20 = arith.constant 2 : i32
    %scan3A_21 = arith.addi %scan3A_19, %scan3A_20 : i32
    %scan3A_22 = arith.constant 1 : i32
    scf.for %scan3A_25 = %scan3A_19 to %scan3A_21 step %scan3A_22  : i32 {
      %mul3A_26 = arith.constant 40 : i32
      %mul3A_27 = arith.muli %scan3A_25, %mul3A_26 : i32
      "tpu.region"() ({
        %run_scoped3A = tpu.sem_alloc : memref<!tpu.dma_semaphore, #tpu.memory_space<semaphore_mem>>
        %dma_start3A = arith.constant 0 : i32
        %dma_start3A_36 = tpu.memref_slice %arg3[%add3A, %mul3A_27, %dma_start3A] : memref<32x80x125xi32, #tpu.memory_space<hbm>> -> memref<1x40x125xi32, #tpu.memory_space<hbm>>
        %dma_start3A_37 = tpu.memref_squeeze %dma_start3A_36 : memref<1x40x125xi32, #tpu.memory_space<hbm>> -> memref<40x125xi32, #tpu.memory_space<hbm>>
        %dma_start3A_38 = arith.constant 0 : i32
        %dma_start3A_39 = tpu.memref_slice %arg3[%add3A, %mul3A_27, %dma_start3A_38] : memref<32x80x125xi32, #tpu.memory_space<hbm>> -> memref<1x40x125xi32, #tpu.memory_space<hbm>>
        %dma_start3A_40 = tpu.memref_squeeze %dma_start3A_39 : memref<1x40x125xi32, #tpu.memory_space<hbm>> -> memref<40x125xi32, #tpu.memory_space<hbm>>
        tpu.enqueue_dma source(%dma_start3A_40 : memref<40x125xi32, #tpu.memory_space<hbm>>) target(%arg7 : memref<40x125xi32, #tpu.memory_space<vmem>>) target_semaphore(%run_scoped3A : memref<!tpu.dma_semaphore, #tpu.memory_space<semaphore_mem>>)
        %dma_wait3A = arith.constant 0 : i32
        %dma_wait3A_41 = tpu.memref_slice %arg3[%add3A, %mul3A_27, %dma_wait3A] : memref<32x80x125xi32, #tpu.memory_space<hbm>> -> memref<1x40x125xi32, #tpu.memory_space<hbm>>
        %dma_wait3A_42 = tpu.memref_squeeze %dma_wait3A_41 : memref<1x40x125xi32, #tpu.memory_space<hbm>> -> memref<40x125xi32, #tpu.memory_space<hbm>>
        %dma_wait3A_43 = arith.constant 0 : i32
        %dma_wait3A_44 = tpu.memref_slice %arg3[%add3A, %mul3A_27, %dma_wait3A_43] : memref<32x80x125xi32, #tpu.memory_space<hbm>> -> memref<1x40x125xi32, #tpu.memory_space<hbm>>
        %dma_wait3A_45 = tpu.memref_squeeze %dma_wait3A_44 : memref<1x40x125xi32, #tpu.memory_space<hbm>> -> memref<40x125xi32, #tpu.memory_space<hbm>>
        tpu.wait_dma2 semaphore(%run_scoped3A : memref<!tpu.dma_semaphore, #tpu.memory_space<semaphore_mem>>) src(%dma_wait3A_45 : memref<40x125xi32, #tpu.memory_space<hbm>>) dst(%arg7 : memref<40x125xi32, #tpu.memory_space<vmem>>)
        tpu.yield
      }) : () -> ()
      %mul3A_28 = arith.constant 40 : i32
      %mul3A_29 = arith.muli %scan3A_25, %mul3A_28 : i32
      "tpu.region"() ({
        %run_scoped3A = tpu.sem_alloc : memref<!tpu.dma_semaphore, #tpu.memory_space<semaphore_mem>>
        %dma_start3A = arith.constant 0 : i32
        %dma_start3A_36 = tpu.memref_slice %arg4[%add3A, %mul3A_29, %dma_start3A] : memref<32x80x125xi32, #tpu.memory_space<hbm>> -> memref<1x40x125xi32, #tpu.memory_space<hbm>>
        %dma_start3A_37 = tpu.memref_squeeze %dma_start3A_36 : memref<1x40x125xi32, #tpu.memory_space<hbm>> -> memref<40x125xi32, #tpu.memory_space<hbm>>
        %dma_start3A_38 = arith.constant 0 : i32
        %dma_start3A_39 = tpu.memref_slice %arg4[%add3A, %mul3A_29, %dma_start3A_38] : memref<32x80x125xi32, #tpu.memory_space<hbm>> -> memref<1x40x125xi32, #tpu.memory_space<hbm>>
        %dma_start3A_40 = tpu.memref_squeeze %dma_start3A_39 : memref<1x40x125xi32, #tpu.memory_space<hbm>> -> memref<40x125xi32, #tpu.memory_space<hbm>>
        tpu.enqueue_dma source(%dma_start3A_40 : memref<40x125xi32, #tpu.memory_space<hbm>>) target(%arg8 : memref<40x125xi32, #tpu.memory_space<vmem>>) target_semaphore(%run_scoped3A : memref<!tpu.dma_semaphore, #tpu.memory_space<semaphore_mem>>)
        %dma_wait3A = arith.constant 0 : i32
        %dma_wait3A_41 = tpu.memref_slice %arg4[%add3A, %mul3A_29, %dma_wait3A] : memref<32x80x125xi32, #tpu.memory_space<hbm>> -> memref<1x40x125xi32, #tpu.memory_space<hbm>>
        %dma_wait3A_42 = tpu.memref_squeeze %dma_wait3A_41 : memref<1x40x125xi32, #tpu.memory_space<hbm>> -> memref<40x125xi32, #tpu.memory_space<hbm>>
        %dma_wait3A_43 = arith.constant 0 : i32
        %dma_wait3A_44 = tpu.memref_slice %arg4[%add3A, %mul3A_29, %dma_wait3A_43] : memref<32x80x125xi32, #tpu.memory_space<hbm>> -> memref<1x40x125xi32, #tpu.memory_space<hbm>>
        %dma_wait3A_45 = tpu.memref_squeeze %dma_wait3A_44 : memref<1x40x125xi32, #tpu.memory_space<hbm>> -> memref<40x125xi32, #tpu.memory_space<hbm>>
        tpu.wait_dma2 semaphore(%run_scoped3A : memref<!tpu.dma_semaphore, #tpu.memory_space<semaphore_mem>>) src(%dma_wait3A_45 : memref<40x125xi32, #tpu.memory_space<hbm>>) dst(%arg8 : memref<40x125xi32, #tpu.memory_space<vmem>>)
        tpu.yield
      }) : () -> ()
      %scan3A_30 = arith.constant 0 : i32
      %scan3A_31 = arith.constant 0 : i32
      %scan3A_32 = arith.constant 20 : i32
      %scan3A_33 = arith.addi %scan3A_31, %scan3A_32 : i32
      %scan3A_34 = arith.constant 1 : i32
      scf.for %scan3A_36 = %scan3A_31 to %scan3A_33 step %scan3A_34  : i32 {
        %mul3A_37 = arith.constant 2 : i32
        %mul3A_38 = arith.muli %mul3A_37, %scan3A_36 : i32
        %add3A_39 = arith.constant 1 : i32
        %add3A_40 = arith.addi %mul3A_38, %add3A_39 : i32
        %dma_start3A = arith.constant 0 : i32
        %dma_start3A_41 = tpu.memref_slice %arg7[%mul3A_38, %dma_start3A] : memref<40x125xi32, #tpu.memory_space<vmem>> -> memref<1x125xi32, #tpu.memory_space<vmem>>
        %dma_start3A_42 = tpu.memref_squeeze %dma_start3A_41 : memref<1x125xi32, #tpu.memory_space<vmem>> -> memref<125xi32, #tpu.memory_space<vmem>>
        %dma_start3A_43 = arith.constant 0 : i32
        %dma_start3A_44 = arith.constant 0 : i32
        %dma_start3A_45 = tpu.memref_slice %arg2[%dma_start3A_43, %dma_start3A_44] : memref<10240x128xf32, #tpu.memory_space<hbm>> -> memref<10240x128xf32, #tpu.memory_space<hbm>>
        tpu.enqueue_indirect_dma source(%dma_start3A_45 : memref<10240x128xf32, #tpu.memory_space<hbm>>) target(%arg9 : memref<125x128xf32, #tpu.memory_space<vmem>>) offsets(%dma_start3A_42 : memref<125xi32, #tpu.memory_space<vmem>>) semaphore(%arg11 : memref<!tpu.dma_semaphore, #tpu.memory_space<semaphore_mem>>)
        %dma_start3A_46 = arith.constant 0 : i32
        %dma_start3A_47 = tpu.memref_slice %arg7[%add3A_40, %dma_start3A_46] : memref<40x125xi32, #tpu.memory_space<vmem>> -> memref<1x125xi32, #tpu.memory_space<vmem>>
        %dma_start3A_48 = tpu.memref_squeeze %dma_start3A_47 : memref<1x125xi32, #tpu.memory_space<vmem>> -> memref<125xi32, #tpu.memory_space<vmem>>
        %dma_start3A_49 = arith.constant 0 : i32
        %dma_start3A_50 = arith.constant 0 : i32
        %dma_start3A_51 = tpu.memref_slice %arg2[%dma_start3A_49, %dma_start3A_50] : memref<10240x128xf32, #tpu.memory_space<hbm>> -> memref<10240x128xf32, #tpu.memory_space<hbm>>
        tpu.enqueue_indirect_dma source(%dma_start3A_51 : memref<10240x128xf32, #tpu.memory_space<hbm>>) target(%arg10 : memref<125x128xf32, #tpu.memory_space<vmem>>) offsets(%dma_start3A_48 : memref<125xi32, #tpu.memory_space<vmem>>) semaphore(%arg12 : memref<!tpu.dma_semaphore, #tpu.memory_space<semaphore_mem>>)
        %dma_wait3A = arith.constant 0 : i32
        %dma_wait3A_52 = tpu.memref_slice %arg7[%mul3A_38, %dma_wait3A] : memref<40x125xi32, #tpu.memory_space<vmem>> -> memref<1x125xi32, #tpu.memory_space<vmem>>
        %dma_wait3A_53 = tpu.memref_squeeze %dma_wait3A_52 : memref<1x125xi32, #tpu.memory_space<vmem>> -> memref<125xi32, #tpu.memory_space<vmem>>
        %dma_wait3A_54 = arith.constant 0 : i32
        %dma_wait3A_55 = arith.constant 0 : i32
        %dma_wait3A_56 = tpu.memref_slice %arg2[%dma_wait3A_54, %dma_wait3A_55] : memref<10240x128xf32, #tpu.memory_space<hbm>> -> memref<10240x128xf32, #tpu.memory_space<hbm>>
        tpu.wait_indirect_dma semaphore(%arg11 : memref<!tpu.dma_semaphore, #tpu.memory_space<semaphore_mem>>) src(%dma_wait3A_56 : memref<10240x128xf32, #tpu.memory_space<hbm>>) dst(%arg9 : memref<125x128xf32, #tpu.memory_space<vmem>>)
        "tpu.region"() ({
          %run_scoped3A = tpu.sem_alloc : memref<!tpu.dma_semaphore, #tpu.memory_space<semaphore_mem>>
          %dma_start3A_63 = arith.constant 0 : i32
          %dma_start3A_64 = tpu.memref_slice %arg8[%mul3A_38, %dma_start3A_63] : memref<40x125xi32, #tpu.memory_space<vmem>> -> memref<1x125xi32, #tpu.memory_space<vmem>>
          %dma_start3A_65 = tpu.memref_squeeze %dma_start3A_64 : memref<1x125xi32, #tpu.memory_space<vmem>> -> memref<125xi32, #tpu.memory_space<vmem>>
          %dma_start3A_66 = arith.constant 0 : i32
          %dma_start3A_67 = arith.constant 0 : i32
          %dma_start3A_68 = tpu.memref_slice %arg13[%dma_start3A_66, %dma_start3A_67] : memref<10240x128xf32, #tpu.memory_space<vmem_shared>> -> memref<10240x128xf32, #tpu.memory_space<vmem_shared>>
          tpu.enqueue_indirect_dma source(%arg9 : memref<125x128xf32, #tpu.memory_space<vmem>>) target(%dma_start3A_68 : memref<10240x128xf32, #tpu.memory_space<vmem_shared>>) offsets(%dma_start3A_65 : memref<125xi32, #tpu.memory_space<vmem>>) semaphore(%run_scoped3A : memref<!tpu.dma_semaphore, #tpu.memory_space<semaphore_mem>>) {add = true}
          %dma_wait3A_69 = arith.constant 0 : i32
          %dma_wait3A_70 = tpu.memref_slice %arg8[%mul3A_38, %dma_wait3A_69] : memref<40x125xi32, #tpu.memory_space<vmem>> -> memref<1x125xi32, #tpu.memory_space<vmem>>
          %dma_wait3A_71 = tpu.memref_squeeze %dma_wait3A_70 : memref<1x125xi32, #tpu.memory_space<vmem>> -> memref<125xi32, #tpu.memory_space<vmem>>
          %dma_wait3A_72 = arith.constant 0 : i32
          %dma_wait3A_73 = arith.constant 0 : i32
          %dma_wait3A_74 = tpu.memref_slice %arg13[%dma_wait3A_72, %dma_wait3A_73] : memref<10240x128xf32, #tpu.memory_space<vmem_shared>> -> memref<10240x128xf32, #tpu.memory_space<vmem_shared>>
          tpu.wait_indirect_dma semaphore(%run_scoped3A : memref<!tpu.dma_semaphore, #tpu.memory_space<semaphore_mem>>) src(%arg9 : memref<125x128xf32, #tpu.memory_space<vmem>>) dst(%dma_wait3A_74 : memref<10240x128xf32, #tpu.memory_space<vmem_shared>>)
          tpu.yield
        }) : () -> ()
        %dma_wait3A_57 = arith.constant 0 : i32
        %dma_wait3A_58 = tpu.memref_slice %arg7[%add3A_40, %dma_wait3A_57] : memref<40x125xi32, #tpu.memory_space<vmem>> -> memref<1x125xi32, #tpu.memory_space<vmem>>
        %dma_wait3A_59 = tpu.memref_squeeze %dma_wait3A_58 : memref<1x125xi32, #tpu.memory_space<vmem>> -> memref<125xi32, #tpu.memory_space<vmem>>
        %dma_wait3A_60 = arith.constant 0 : i32
        %dma_wait3A_61 = arith.constant 0 : i32
        %dma_wait3A_62 = tpu.memref_slice %arg2[%dma_wait3A_60, %dma_wait3A_61] : memref<10240x128xf32, #tpu.memory_space<hbm>> -> memref<10240x128xf32, #tpu.memory_space<hbm>>
        tpu.wait_indirect_dma semaphore(%arg12 : memref<!tpu.dma_semaphore, #tpu.memory_space<semaphore_mem>>) src(%dma_wait3A_62 : memref<10240x128xf32, #tpu.memory_space<hbm>>) dst(%arg10 : memref<125x128xf32, #tpu.memory_space<vmem>>)
        "tpu.region"() ({
          %run_scoped3A = tpu.sem_alloc : memref<!tpu.dma_semaphore, #tpu.memory_space<semaphore_mem>>
          %dma_start3A_63 = arith.constant 0 : i32
          %dma_start3A_64 = tpu.memref_slice %arg8[%add3A_40, %dma_start3A_63] : memref<40x125xi32, #tpu.memory_space<vmem>> -> memref<1x125xi32, #tpu.memory_space<vmem>>
          %dma_start3A_65 = tpu.memref_squeeze %dma_start3A_64 : memref<1x125xi32, #tpu.memory_space<vmem>> -> memref<125xi32, #tpu.memory_space<vmem>>
          %dma_start3A_66 = arith.constant 0 : i32
          %dma_start3A_67 = arith.constant 0 : i32
          %dma_start3A_68 = tpu.memref_slice %arg13[%dma_start3A_66, %dma_start3A_67] : memref<10240x128xf32, #tpu.memory_space<vmem_shared>> -> memref<10240x128xf32, #tpu.memory_space<vmem_shared>>
          tpu.enqueue_indirect_dma source(%arg10 : memref<125x128xf32, #tpu.memory_space<vmem>>) target(%dma_start3A_68 : memref<10240x128xf32, #tpu.memory_space<vmem_shared>>) offsets(%dma_start3A_65 : memref<125xi32, #tpu.memory_space<vmem>>) semaphore(%run_scoped3A : memref<!tpu.dma_semaphore, #tpu.memory_space<semaphore_mem>>) {add = true}
          %dma_wait3A_69 = arith.constant 0 : i32
          %dma_wait3A_70 = tpu.memref_slice %arg8[%add3A_40, %dma_wait3A_69] : memref<40x125xi32, #tpu.memory_space<vmem>> -> memref<1x125xi32, #tpu.memory_space<vmem>>
          %dma_wait3A_71 = tpu.memref_squeeze %dma_wait3A_70 : memref<1x125xi32, #tpu.memory_space<vmem>> -> memref<125xi32, #tpu.memory_space<vmem>>
          %dma_wait3A_72 = arith.constant 0 : i32
          %dma_wait3A_73 = arith.constant 0 : i32
          %dma_wait3A_74 = tpu.memref_slice %arg13[%dma_wait3A_72, %dma_wait3A_73] : memref<10240x128xf32, #tpu.memory_space<vmem_shared>> -> memref<10240x128xf32, #tpu.memory_space<vmem_shared>>
          tpu.wait_indirect_dma semaphore(%run_scoped3A : memref<!tpu.dma_semaphore, #tpu.memory_space<semaphore_mem>>) src(%arg10 : memref<125x128xf32, #tpu.memory_space<vmem>>) dst(%dma_wait3A_74 : memref<10240x128xf32, #tpu.memory_space<vmem_shared>>)
          tpu.yield
        }) : () -> ()
      }
      %scan3A_35 = arith.constant 20 : i32
    }
    %scan3A_23 = arith.constant 2 : i32
    %barrier3A_24 = arith.constant 0 : index
    tpu.barrier barrier_id(%barrier3A_24)
    "tpu.region"() ({
      %run_scoped3A = tpu.sem_alloc : memref<!tpu.dma_semaphore, #tpu.memory_space<semaphore_mem>>
      %dma_start3A = arith.constant 0 : i32
      %dma_start3A_25 = tpu.memref_slice %arg6[%arg0, %mul3A_2, %dma_start3A] : memref<2x10240x128xf32, #tpu.memory_space<hbm>> -> memref<1x640x128xf32, #tpu.memory_space<hbm>>
      %dma_start3A_26 = tpu.memref_squeeze %dma_start3A_25 : memref<1x640x128xf32, #tpu.memory_space<hbm>> -> memref<640x128xf32, #tpu.memory_space<hbm>>
      %dma_start3A_27 = arith.constant 0 : i32
      %dma_start3A_28 = tpu.memref_slice %arg13[%mul3A_2, %dma_start3A_27] : memref<10240x128xf32, #tpu.memory_space<vmem_shared>> -> memref<640x128xf32, #tpu.memory_space<vmem_shared>>
      tpu.enqueue_dma source(%dma_start3A_28 : memref<640x128xf32, #tpu.memory_space<vmem_shared>>) target(%dma_start3A_26 : memref<640x128xf32, #tpu.memory_space<hbm>>) target_semaphore(%run_scoped3A : memref<!tpu.dma_semaphore, #tpu.memory_space<semaphore_mem>>)
      %dma_wait3A = arith.constant 0 : i32
      %dma_wait3A_29 = tpu.memref_slice %arg6[%arg0, %mul3A_2, %dma_wait3A] : memref<2x10240x128xf32, #tpu.memory_space<hbm>> -> memref<1x640x128xf32, #tpu.memory_space<hbm>>
      %dma_wait3A_30 = tpu.memref_squeeze %dma_wait3A_29 : memref<1x640x128xf32, #tpu.memory_space<hbm>> -> memref<640x128xf32, #tpu.memory_space<hbm>>
      %dma_wait3A_31 = arith.constant 0 : i32
      %dma_wait3A_32 = tpu.memref_slice %arg13[%mul3A_2, %dma_wait3A_31] : memref<10240x128xf32, #tpu.memory_space<vmem_shared>> -> memref<640x128xf32, #tpu.memory_space<vmem_shared>>
      tpu.wait_dma2 semaphore(%run_scoped3A : memref<!tpu.dma_semaphore, #tpu.memory_space<semaphore_mem>>) src(%dma_wait3A_32 : memref<640x128xf32, #tpu.memory_space<vmem_shared>>) dst(%dma_wait3A_30 : memref<640x128xf32, #tpu.memory_space<hbm>>)
      tpu.yield
    }) : () -> ()
    return
  }
}

#map = affine_map<(d0, d1) -> (0, 0)>
#map1 = affine_map<(d0, d1) -> (0, 0, 0)>
module attributes {stable_mosaic.version = 14 : i64} {
  func.func @_sc_scatter(%arg0: i32, %arg1: i32, %arg2: memref<10240x128xf32, #tpu.memory_space<hbm>>, %arg3: memref<32x80x125xi32, #tpu.memory_space<hbm>>, %arg4: memref<32x80x125xi32, #tpu.memory_space<hbm>>, %arg5: memref<125x128xf32, #tpu.memory_space<hbm>>, %arg6: memref<2x10240x128xf32, #tpu.memory_space<hbm>>, %arg7: memref<40x125xi32, #tpu.memory_space<vmem>>, %arg8: memref<40x125xi32, #tpu.memory_space<vmem>>, %arg9: memref<125x128xf32, #tpu.memory_space<vmem>>, %arg10: memref<125x128xf32, #tpu.memory_space<vmem>>, %arg11: memref<!tpu.dma_semaphore, #tpu.memory_space<semaphore_mem>>, %arg12: memref<!tpu.dma_semaphore, #tpu.memory_space<semaphore_mem>>, %arg13: memref<10240x128xf32, #tpu.memory_space<vmem_shared>>) attributes {dimension_semantics = [#tpu.dimension_semantics<core_parallel>, #tpu.dimension_semantics<subcore_parallel>], iteration_bounds = array<i64: 2, 16>, scalar_prefetch = 0 : i64, scratch_operands = 7 : i64, tpu.core_type = #tpu.core_type<sc_vector_subcore>, window_params = [{transform_indices = #map}, {transform_indices = #map1}, {transform_indices = #map1}, {transform_indices = #map}, {transform_indices = #map1}]} {
    %mul3A = arith.constant 16 : i32
    %mul3A_0 = arith.muli %arg0, %mul3A : i32
    %add3A = arith.addi %mul3A_0, %arg1 : i32
    %mul3A_1 = arith.constant 640 : i32
    %mul3A_2 = arith.muli %arg1, %mul3A_1 : i32
    "tpu.region"() ({
      %run_scoped3A = tpu.sem_alloc : memref<!tpu.dma_semaphore, #tpu.memory_space<semaphore_mem>>
      tpu.enqueue_dma source(%arg5 : memref<125x128xf32, #tpu.memory_space<hbm>>) target(%arg9 : memref<125x128xf32, #tpu.memory_space<vmem>>) target_semaphore(%run_scoped3A : memref<!tpu.dma_semaphore, #tpu.memory_space<semaphore_mem>>)
      tpu.wait_dma2 semaphore(%run_scoped3A : memref<!tpu.dma_semaphore, #tpu.memory_space<semaphore_mem>>) src(%arg5 : memref<125x128xf32, #tpu.memory_space<hbm>>) dst(%arg9 : memref<125x128xf32, #tpu.memory_space<vmem>>)
      tpu.yield
    }) : () -> ()
    %add3A_3 = arith.constant 0 : i32
    %add3A_4 = arith.addi %mul3A_2, %add3A_3 : i32
    "tpu.region"() ({
      %run_scoped3A = tpu.sem_alloc : memref<!tpu.dma_semaphore, #tpu.memory_space<semaphore_mem>>
      %dma_start3A = arith.constant 0 : i32
      %dma_start3A_25 = arith.constant 0 : i32
      %dma_start3A_26 = tpu.memref_slice %arg9[%dma_start3A, %dma_start3A_25] : memref<125x128xf32, #tpu.memory_space<vmem>> -> memref<80x128xf32, #tpu.memory_space<vmem>>
      %dma_start3A_27 = arith.constant 0 : i32
      %dma_start3A_28 = tpu.memref_slice %arg13[%add3A_4, %dma_start3A_27] : memref<10240x128xf32, #tpu.memory_space<vmem_shared>> -> memref<80x128xf32, #tpu.memory_space<vmem_shared>>
      %dma_start3A_29 = arith.constant 0 : i32
      %dma_start3A_30 = tpu.memref_slice %arg13[%add3A_4, %dma_start3A_29] : memref<10240x128xf32, #tpu.memory_space<vmem_shared>> -> memref<80x128xf32, #tpu.memory_space<vmem_shared>>
      %dma_start3A_31 = arith.constant 0 : i32
      %dma_start3A_32 = arith.constant 0 : i32
      %dma_start3A_33 = tpu.memref_slice %arg9[%dma_start3A_31, %dma_start3A_32] : memref<125x128xf32, #tpu.memory_space<vmem>> -> memref<80x128xf32, #tpu.memory_space<vmem>>
      tpu.enqueue_dma source(%dma_start3A_33 : memref<80x128xf32, #tpu.memory_space<vmem>>) target(%dma_start3A_30 : memref<80x128xf32, #tpu.memory_space<vmem_shared>>) target_semaphore(%run_scoped3A : memref<!tpu.dma_semaphore, #tpu.memory_space<semaphore_mem>>)
      %dma_wait3A = arith.constant 0 : i32
      %dma_wait3A_34 = arith.constant 0 : i32
      %dma_wait3A_35 = tpu.memref_slice %arg9[%dma_wait3A, %dma_wait3A_34] : memref<125x128xf32, #tpu.memory_space<vmem>> -> memref<80x128xf32, #tpu.memory_space<vmem>>
      %dma_wait3A_36 = arith.constant 0 : i32
      %dma_wait3A_37 = tpu.memref_slice %arg13[%add3A_4, %dma_wait3A_36] : memref<10240x128xf32, #tpu.memory_space<vmem_shared>> -> memref<80x128xf32, #tpu.memory_space<vmem_shared>>
      %dma_wait3A_38 = arith.constant 0 : i32
      %dma_wait3A_39 = tpu.memref_slice %arg13[%add3A_4, %dma_wait3A_38] : memref<10240x128xf32, #tpu.memory_space<vmem_shared>> -> memref<80x128xf32, #tpu.memory_space<vmem_shared>>
      %dma_wait3A_40 = arith.constant 0 : i32
      %dma_wait3A_41 = arith.constant 0 : i32
      %dma_wait3A_42 = tpu.memref_slice %arg9[%dma_wait3A_40, %dma_wait3A_41] : memref<125x128xf32, #tpu.memory_space<vmem>> -> memref<80x128xf32, #tpu.memory_space<vmem>>
      tpu.wait_dma2 semaphore(%run_scoped3A : memref<!tpu.dma_semaphore, #tpu.memory_space<semaphore_mem>>) src(%dma_wait3A_42 : memref<80x128xf32, #tpu.memory_space<vmem>>) dst(%dma_wait3A_39 : memref<80x128xf32, #tpu.memory_space<vmem_shared>>)
      tpu.yield
    }) : () -> ()
    %add3A_5 = arith.constant 80 : i32
    %add3A_6 = arith.addi %mul3A_2, %add3A_5 : i32
    "tpu.region"() ({
      %run_scoped3A = tpu.sem_alloc : memref<!tpu.dma_semaphore, #tpu.memory_space<semaphore_mem>>
      %dma_start3A = arith.constant 0 : i32
      %dma_start3A_25 = arith.constant 0 : i32
      %dma_start3A_26 = tpu.memref_slice %arg9[%dma_start3A, %dma_start3A_25] : memref<125x128xf32, #tpu.memory_space<vmem>> -> memref<80x128xf32, #tpu.memory_space<vmem>>
      %dma_start3A_27 = arith.constant 0 : i32
      %dma_start3A_28 = tpu.memref_slice %arg13[%add3A_6, %dma_start3A_27] : memref<10240x128xf32, #tpu.memory_space<vmem_shared>> -> memref<80x128xf32, #tpu.memory_space<vmem_shared>>
      %dma_start3A_29 = arith.constant 0 : i32
      %dma_start3A_30 = tpu.memref_slice %arg13[%add3A_6, %dma_start3A_29] : memref<10240x128xf32, #tpu.memory_space<vmem_shared>> -> memref<80x128xf32, #tpu.memory_space<vmem_shared>>
      %dma_start3A_31 = arith.constant 0 : i32
      %dma_start3A_32 = arith.constant 0 : i32
      %dma_start3A_33 = tpu.memref_slice %arg9[%dma_start3A_31, %dma_start3A_32] : memref<125x128xf32, #tpu.memory_space<vmem>> -> memref<80x128xf32, #tpu.memory_space<vmem>>
      tpu.enqueue_dma source(%dma_start3A_33 : memref<80x128xf32, #tpu.memory_space<vmem>>) target(%dma_start3A_30 : memref<80x128xf32, #tpu.memory_space<vmem_shared>>) target_semaphore(%run_scoped3A : memref<!tpu.dma_semaphore, #tpu.memory_space<semaphore_mem>>)
      %dma_wait3A = arith.constant 0 : i32
      %dma_wait3A_34 = arith.constant 0 : i32
      %dma_wait3A_35 = tpu.memref_slice %arg9[%dma_wait3A, %dma_wait3A_34] : memref<125x128xf32, #tpu.memory_space<vmem>> -> memref<80x128xf32, #tpu.memory_space<vmem>>
      %dma_wait3A_36 = arith.constant 0 : i32
      %dma_wait3A_37 = tpu.memref_slice %arg13[%add3A_6, %dma_wait3A_36] : memref<10240x128xf32, #tpu.memory_space<vmem_shared>> -> memref<80x128xf32, #tpu.memory_space<vmem_shared>>
      %dma_wait3A_38 = arith.constant 0 : i32
      %dma_wait3A_39 = tpu.memref_slice %arg13[%add3A_6, %dma_wait3A_38] : memref<10240x128xf32, #tpu.memory_space<vmem_shared>> -> memref<80x128xf32, #tpu.memory_space<vmem_shared>>
      %dma_wait3A_40 = arith.constant 0 : i32
      %dma_wait3A_41 = arith.constant 0 : i32
      %dma_wait3A_42 = tpu.memref_slice %arg9[%dma_wait3A_40, %dma_wait3A_41] : memref<125x128xf32, #tpu.memory_space<vmem>> -> memref<80x128xf32, #tpu.memory_space<vmem>>
      tpu.wait_dma2 semaphore(%run_scoped3A : memref<!tpu.dma_semaphore, #tpu.memory_space<semaphore_mem>>) src(%dma_wait3A_42 : memref<80x128xf32, #tpu.memory_space<vmem>>) dst(%dma_wait3A_39 : memref<80x128xf32, #tpu.memory_space<vmem_shared>>)
      tpu.yield
    }) : () -> ()
    %add3A_7 = arith.constant 160 : i32
    %add3A_8 = arith.addi %mul3A_2, %add3A_7 : i32
    "tpu.region"() ({
      %run_scoped3A = tpu.sem_alloc : memref<!tpu.dma_semaphore, #tpu.memory_space<semaphore_mem>>
      %dma_start3A = arith.constant 0 : i32
      %dma_start3A_25 = arith.constant 0 : i32
      %dma_start3A_26 = tpu.memref_slice %arg9[%dma_start3A, %dma_start3A_25] : memref<125x128xf32, #tpu.memory_space<vmem>> -> memref<80x128xf32, #tpu.memory_space<vmem>>
      %dma_start3A_27 = arith.constant 0 : i32
      %dma_start3A_28 = tpu.memref_slice %arg13[%add3A_8, %dma_start3A_27] : memref<10240x128xf32, #tpu.memory_space<vmem_shared>> -> memref<80x128xf32, #tpu.memory_space<vmem_shared>>
      %dma_start3A_29 = arith.constant 0 : i32
      %dma_start3A_30 = tpu.memref_slice %arg13[%add3A_8, %dma_start3A_29] : memref<10240x128xf32, #tpu.memory_space<vmem_shared>> -> memref<80x128xf32, #tpu.memory_space<vmem_shared>>
      %dma_start3A_31 = arith.constant 0 : i32
      %dma_start3A_32 = arith.constant 0 : i32
      %dma_start3A_33 = tpu.memref_slice %arg9[%dma_start3A_31, %dma_start3A_32] : memref<125x128xf32, #tpu.memory_space<vmem>> -> memref<80x128xf32, #tpu.memory_space<vmem>>
      tpu.enqueue_dma source(%dma_start3A_33 : memref<80x128xf32, #tpu.memory_space<vmem>>) target(%dma_start3A_30 : memref<80x128xf32, #tpu.memory_space<vmem_shared>>) target_semaphore(%run_scoped3A : memref<!tpu.dma_semaphore, #tpu.memory_space<semaphore_mem>>)
      %dma_wait3A = arith.constant 0 : i32
      %dma_wait3A_34 = arith.constant 0 : i32
      %dma_wait3A_35 = tpu.memref_slice %arg9[%dma_wait3A, %dma_wait3A_34] : memref<125x128xf32, #tpu.memory_space<vmem>> -> memref<80x128xf32, #tpu.memory_space<vmem>>
      %dma_wait3A_36 = arith.constant 0 : i32
      %dma_wait3A_37 = tpu.memref_slice %arg13[%add3A_8, %dma_wait3A_36] : memref<10240x128xf32, #tpu.memory_space<vmem_shared>> -> memref<80x128xf32, #tpu.memory_space<vmem_shared>>
      %dma_wait3A_38 = arith.constant 0 : i32
      %dma_wait3A_39 = tpu.memref_slice %arg13[%add3A_8, %dma_wait3A_38] : memref<10240x128xf32, #tpu.memory_space<vmem_shared>> -> memref<80x128xf32, #tpu.memory_space<vmem_shared>>
      %dma_wait3A_40 = arith.constant 0 : i32
      %dma_wait3A_41 = arith.constant 0 : i32
      %dma_wait3A_42 = tpu.memref_slice %arg9[%dma_wait3A_40, %dma_wait3A_41] : memref<125x128xf32, #tpu.memory_space<vmem>> -> memref<80x128xf32, #tpu.memory_space<vmem>>
      tpu.wait_dma2 semaphore(%run_scoped3A : memref<!tpu.dma_semaphore, #tpu.memory_space<semaphore_mem>>) src(%dma_wait3A_42 : memref<80x128xf32, #tpu.memory_space<vmem>>) dst(%dma_wait3A_39 : memref<80x128xf32, #tpu.memory_space<vmem_shared>>)
      tpu.yield
    }) : () -> ()
    %add3A_9 = arith.constant 240 : i32
    %add3A_10 = arith.addi %mul3A_2, %add3A_9 : i32
    "tpu.region"() ({
      %run_scoped3A = tpu.sem_alloc : memref<!tpu.dma_semaphore, #tpu.memory_space<semaphore_mem>>
      %dma_start3A = arith.constant 0 : i32
      %dma_start3A_25 = arith.constant 0 : i32
      %dma_start3A_26 = tpu.memref_slice %arg9[%dma_start3A, %dma_start3A_25] : memref<125x128xf32, #tpu.memory_space<vmem>> -> memref<80x128xf32, #tpu.memory_space<vmem>>
      %dma_start3A_27 = arith.constant 0 : i32
      %dma_start3A_28 = tpu.memref_slice %arg13[%add3A_10, %dma_start3A_27] : memref<10240x128xf32, #tpu.memory_space<vmem_shared>> -> memref<80x128xf32, #tpu.memory_space<vmem_shared>>
      %dma_start3A_29 = arith.constant 0 : i32
      %dma_start3A_30 = tpu.memref_slice %arg13[%add3A_10, %dma_start3A_29] : memref<10240x128xf32, #tpu.memory_space<vmem_shared>> -> memref<80x128xf32, #tpu.memory_space<vmem_shared>>
      %dma_start3A_31 = arith.constant 0 : i32
      %dma_start3A_32 = arith.constant 0 : i32
      %dma_start3A_33 = tpu.memref_slice %arg9[%dma_start3A_31, %dma_start3A_32] : memref<125x128xf32, #tpu.memory_space<vmem>> -> memref<80x128xf32, #tpu.memory_space<vmem>>
      tpu.enqueue_dma source(%dma_start3A_33 : memref<80x128xf32, #tpu.memory_space<vmem>>) target(%dma_start3A_30 : memref<80x128xf32, #tpu.memory_space<vmem_shared>>) target_semaphore(%run_scoped3A : memref<!tpu.dma_semaphore, #tpu.memory_space<semaphore_mem>>)
      %dma_wait3A = arith.constant 0 : i32
      %dma_wait3A_34 = arith.constant 0 : i32
      %dma_wait3A_35 = tpu.memref_slice %arg9[%dma_wait3A, %dma_wait3A_34] : memref<125x128xf32, #tpu.memory_space<vmem>> -> memref<80x128xf32, #tpu.memory_space<vmem>>
      %dma_wait3A_36 = arith.constant 0 : i32
      %dma_wait3A_37 = tpu.memref_slice %arg13[%add3A_10, %dma_wait3A_36] : memref<10240x128xf32, #tpu.memory_space<vmem_shared>> -> memref<80x128xf32, #tpu.memory_space<vmem_shared>>
      %dma_wait3A_38 = arith.constant 0 : i32
      %dma_wait3A_39 = tpu.memref_slice %arg13[%add3A_10, %dma_wait3A_38] : memref<10240x128xf32, #tpu.memory_space<vmem_shared>> -> memref<80x128xf32, #tpu.memory_space<vmem_shared>>
      %dma_wait3A_40 = arith.constant 0 : i32
      %dma_wait3A_41 = arith.constant 0 : i32
      %dma_wait3A_42 = tpu.memref_slice %arg9[%dma_wait3A_40, %dma_wait3A_41] : memref<125x128xf32, #tpu.memory_space<vmem>> -> memref<80x128xf32, #tpu.memory_space<vmem>>
      tpu.wait_dma2 semaphore(%run_scoped3A : memref<!tpu.dma_semaphore, #tpu.memory_space<semaphore_mem>>) src(%dma_wait3A_42 : memref<80x128xf32, #tpu.memory_space<vmem>>) dst(%dma_wait3A_39 : memref<80x128xf32, #tpu.memory_space<vmem_shared>>)
      tpu.yield
    }) : () -> ()
    %add3A_11 = arith.constant 320 : i32
    %add3A_12 = arith.addi %mul3A_2, %add3A_11 : i32
    "tpu.region"() ({
      %run_scoped3A = tpu.sem_alloc : memref<!tpu.dma_semaphore, #tpu.memory_space<semaphore_mem>>
      %dma_start3A = arith.constant 0 : i32
      %dma_start3A_25 = arith.constant 0 : i32
      %dma_start3A_26 = tpu.memref_slice %arg9[%dma_start3A, %dma_start3A_25] : memref<125x128xf32, #tpu.memory_space<vmem>> -> memref<80x128xf32, #tpu.memory_space<vmem>>
      %dma_start3A_27 = arith.constant 0 : i32
      %dma_start3A_28 = tpu.memref_slice %arg13[%add3A_12, %dma_start3A_27] : memref<10240x128xf32, #tpu.memory_space<vmem_shared>> -> memref<80x128xf32, #tpu.memory_space<vmem_shared>>
      %dma_start3A_29 = arith.constant 0 : i32
      %dma_start3A_30 = tpu.memref_slice %arg13[%add3A_12, %dma_start3A_29] : memref<10240x128xf32, #tpu.memory_space<vmem_shared>> -> memref<80x128xf32, #tpu.memory_space<vmem_shared>>
      %dma_start3A_31 = arith.constant 0 : i32
      %dma_start3A_32 = arith.constant 0 : i32
      %dma_start3A_33 = tpu.memref_slice %arg9[%dma_start3A_31, %dma_start3A_32] : memref<125x128xf32, #tpu.memory_space<vmem>> -> memref<80x128xf32, #tpu.memory_space<vmem>>
      tpu.enqueue_dma source(%dma_start3A_33 : memref<80x128xf32, #tpu.memory_space<vmem>>) target(%dma_start3A_30 : memref<80x128xf32, #tpu.memory_space<vmem_shared>>) target_semaphore(%run_scoped3A : memref<!tpu.dma_semaphore, #tpu.memory_space<semaphore_mem>>)
      %dma_wait3A = arith.constant 0 : i32
      %dma_wait3A_34 = arith.constant 0 : i32
      %dma_wait3A_35 = tpu.memref_slice %arg9[%dma_wait3A, %dma_wait3A_34] : memref<125x128xf32, #tpu.memory_space<vmem>> -> memref<80x128xf32, #tpu.memory_space<vmem>>
      %dma_wait3A_36 = arith.constant 0 : i32
      %dma_wait3A_37 = tpu.memref_slice %arg13[%add3A_12, %dma_wait3A_36] : memref<10240x128xf32, #tpu.memory_space<vmem_shared>> -> memref<80x128xf32, #tpu.memory_space<vmem_shared>>
      %dma_wait3A_38 = arith.constant 0 : i32
      %dma_wait3A_39 = tpu.memref_slice %arg13[%add3A_12, %dma_wait3A_38] : memref<10240x128xf32, #tpu.memory_space<vmem_shared>> -> memref<80x128xf32, #tpu.memory_space<vmem_shared>>
      %dma_wait3A_40 = arith.constant 0 : i32
      %dma_wait3A_41 = arith.constant 0 : i32
      %dma_wait3A_42 = tpu.memref_slice %arg9[%dma_wait3A_40, %dma_wait3A_41] : memref<125x128xf32, #tpu.memory_space<vmem>> -> memref<80x128xf32, #tpu.memory_space<vmem>>
      tpu.wait_dma2 semaphore(%run_scoped3A : memref<!tpu.dma_semaphore, #tpu.memory_space<semaphore_mem>>) src(%dma_wait3A_42 : memref<80x128xf32, #tpu.memory_space<vmem>>) dst(%dma_wait3A_39 : memref<80x128xf32, #tpu.memory_space<vmem_shared>>)
      tpu.yield
    }) : () -> ()
    %add3A_13 = arith.constant 400 : i32
    %add3A_14 = arith.addi %mul3A_2, %add3A_13 : i32
    "tpu.region"() ({
      %run_scoped3A = tpu.sem_alloc : memref<!tpu.dma_semaphore, #tpu.memory_space<semaphore_mem>>
      %dma_start3A = arith.constant 0 : i32
      %dma_start3A_25 = arith.constant 0 : i32
      %dma_start3A_26 = tpu.memref_slice %arg9[%dma_start3A, %dma_start3A_25] : memref<125x128xf32, #tpu.memory_space<vmem>> -> memref<80x128xf32, #tpu.memory_space<vmem>>
      %dma_start3A_27 = arith.constant 0 : i32
      %dma_start3A_28 = tpu.memref_slice %arg13[%add3A_14, %dma_start3A_27] : memref<10240x128xf32, #tpu.memory_space<vmem_shared>> -> memref<80x128xf32, #tpu.memory_space<vmem_shared>>
      %dma_start3A_29 = arith.constant 0 : i32
      %dma_start3A_30 = tpu.memref_slice %arg13[%add3A_14, %dma_start3A_29] : memref<10240x128xf32, #tpu.memory_space<vmem_shared>> -> memref<80x128xf32, #tpu.memory_space<vmem_shared>>
      %dma_start3A_31 = arith.constant 0 : i32
      %dma_start3A_32 = arith.constant 0 : i32
      %dma_start3A_33 = tpu.memref_slice %arg9[%dma_start3A_31, %dma_start3A_32] : memref<125x128xf32, #tpu.memory_space<vmem>> -> memref<80x128xf32, #tpu.memory_space<vmem>>
      tpu.enqueue_dma source(%dma_start3A_33 : memref<80x128xf32, #tpu.memory_space<vmem>>) target(%dma_start3A_30 : memref<80x128xf32, #tpu.memory_space<vmem_shared>>) target_semaphore(%run_scoped3A : memref<!tpu.dma_semaphore, #tpu.memory_space<semaphore_mem>>)
      %dma_wait3A = arith.constant 0 : i32
      %dma_wait3A_34 = arith.constant 0 : i32
      %dma_wait3A_35 = tpu.memref_slice %arg9[%dma_wait3A, %dma_wait3A_34] : memref<125x128xf32, #tpu.memory_space<vmem>> -> memref<80x128xf32, #tpu.memory_space<vmem>>
      %dma_wait3A_36 = arith.constant 0 : i32
      %dma_wait3A_37 = tpu.memref_slice %arg13[%add3A_14, %dma_wait3A_36] : memref<10240x128xf32, #tpu.memory_space<vmem_shared>> -> memref<80x128xf32, #tpu.memory_space<vmem_shared>>
      %dma_wait3A_38 = arith.constant 0 : i32
      %dma_wait3A_39 = tpu.memref_slice %arg13[%add3A_14, %dma_wait3A_38] : memref<10240x128xf32, #tpu.memory_space<vmem_shared>> -> memref<80x128xf32, #tpu.memory_space<vmem_shared>>
      %dma_wait3A_40 = arith.constant 0 : i32
      %dma_wait3A_41 = arith.constant 0 : i32
      %dma_wait3A_42 = tpu.memref_slice %arg9[%dma_wait3A_40, %dma_wait3A_41] : memref<125x128xf32, #tpu.memory_space<vmem>> -> memref<80x128xf32, #tpu.memory_space<vmem>>
      tpu.wait_dma2 semaphore(%run_scoped3A : memref<!tpu.dma_semaphore, #tpu.memory_space<semaphore_mem>>) src(%dma_wait3A_42 : memref<80x128xf32, #tpu.memory_space<vmem>>) dst(%dma_wait3A_39 : memref<80x128xf32, #tpu.memory_space<vmem_shared>>)
      tpu.yield
    }) : () -> ()
    %add3A_15 = arith.constant 480 : i32
    %add3A_16 = arith.addi %mul3A_2, %add3A_15 : i32
    "tpu.region"() ({
      %run_scoped3A = tpu.sem_alloc : memref<!tpu.dma_semaphore, #tpu.memory_space<semaphore_mem>>
      %dma_start3A = arith.constant 0 : i32
      %dma_start3A_25 = arith.constant 0 : i32
      %dma_start3A_26 = tpu.memref_slice %arg9[%dma_start3A, %dma_start3A_25] : memref<125x128xf32, #tpu.memory_space<vmem>> -> memref<80x128xf32, #tpu.memory_space<vmem>>
      %dma_start3A_27 = arith.constant 0 : i32
      %dma_start3A_28 = tpu.memref_slice %arg13[%add3A_16, %dma_start3A_27] : memref<10240x128xf32, #tpu.memory_space<vmem_shared>> -> memref<80x128xf32, #tpu.memory_space<vmem_shared>>
      %dma_start3A_29 = arith.constant 0 : i32
      %dma_start3A_30 = tpu.memref_slice %arg13[%add3A_16, %dma_start3A_29] : memref<10240x128xf32, #tpu.memory_space<vmem_shared>> -> memref<80x128xf32, #tpu.memory_space<vmem_shared>>
      %dma_start3A_31 = arith.constant 0 : i32
      %dma_start3A_32 = arith.constant 0 : i32
      %dma_start3A_33 = tpu.memref_slice %arg9[%dma_start3A_31, %dma_start3A_32] : memref<125x128xf32, #tpu.memory_space<vmem>> -> memref<80x128xf32, #tpu.memory_space<vmem>>
      tpu.enqueue_dma source(%dma_start3A_33 : memref<80x128xf32, #tpu.memory_space<vmem>>) target(%dma_start3A_30 : memref<80x128xf32, #tpu.memory_space<vmem_shared>>) target_semaphore(%run_scoped3A : memref<!tpu.dma_semaphore, #tpu.memory_space<semaphore_mem>>)
      %dma_wait3A = arith.constant 0 : i32
      %dma_wait3A_34 = arith.constant 0 : i32
      %dma_wait3A_35 = tpu.memref_slice %arg9[%dma_wait3A, %dma_wait3A_34] : memref<125x128xf32, #tpu.memory_space<vmem>> -> memref<80x128xf32, #tpu.memory_space<vmem>>
      %dma_wait3A_36 = arith.constant 0 : i32
      %dma_wait3A_37 = tpu.memref_slice %arg13[%add3A_16, %dma_wait3A_36] : memref<10240x128xf32, #tpu.memory_space<vmem_shared>> -> memref<80x128xf32, #tpu.memory_space<vmem_shared>>
      %dma_wait3A_38 = arith.constant 0 : i32
      %dma_wait3A_39 = tpu.memref_slice %arg13[%add3A_16, %dma_wait3A_38] : memref<10240x128xf32, #tpu.memory_space<vmem_shared>> -> memref<80x128xf32, #tpu.memory_space<vmem_shared>>
      %dma_wait3A_40 = arith.constant 0 : i32
      %dma_wait3A_41 = arith.constant 0 : i32
      %dma_wait3A_42 = tpu.memref_slice %arg9[%dma_wait3A_40, %dma_wait3A_41] : memref<125x128xf32, #tpu.memory_space<vmem>> -> memref<80x128xf32, #tpu.memory_space<vmem>>
      tpu.wait_dma2 semaphore(%run_scoped3A : memref<!tpu.dma_semaphore, #tpu.memory_space<semaphore_mem>>) src(%dma_wait3A_42 : memref<80x128xf32, #tpu.memory_space<vmem>>) dst(%dma_wait3A_39 : memref<80x128xf32, #tpu.memory_space<vmem_shared>>)
      tpu.yield
    }) : () -> ()
    %add3A_17 = arith.constant 560 : i32
    %add3A_18 = arith.addi %mul3A_2, %add3A_17 : i32
    "tpu.region"() ({
      %run_scoped3A = tpu.sem_alloc : memref<!tpu.dma_semaphore, #tpu.memory_space<semaphore_mem>>
      %dma_start3A = arith.constant 0 : i32
      %dma_start3A_25 = arith.constant 0 : i32
      %dma_start3A_26 = tpu.memref_slice %arg9[%dma_start3A, %dma_start3A_25] : memref<125x128xf32, #tpu.memory_space<vmem>> -> memref<80x128xf32, #tpu.memory_space<vmem>>
      %dma_start3A_27 = arith.constant 0 : i32
      %dma_start3A_28 = tpu.memref_slice %arg13[%add3A_18, %dma_start3A_27] : memref<10240x128xf32, #tpu.memory_space<vmem_shared>> -> memref<80x128xf32, #tpu.memory_space<vmem_shared>>
      %dma_start3A_29 = arith.constant 0 : i32
      %dma_start3A_30 = tpu.memref_slice %arg13[%add3A_18, %dma_start3A_29] : memref<10240x128xf32, #tpu.memory_space<vmem_shared>> -> memref<80x128xf32, #tpu.memory_space<vmem_shared>>
      %dma_start3A_31 = arith.constant 0 : i32
      %dma_start3A_32 = arith.constant 0 : i32
      %dma_start3A_33 = tpu.memref_slice %arg9[%dma_start3A_31, %dma_start3A_32] : memref<125x128xf32, #tpu.memory_space<vmem>> -> memref<80x128xf32, #tpu.memory_space<vmem>>
      tpu.enqueue_dma source(%dma_start3A_33 : memref<80x128xf32, #tpu.memory_space<vmem>>) target(%dma_start3A_30 : memref<80x128xf32, #tpu.memory_space<vmem_shared>>) target_semaphore(%run_scoped3A : memref<!tpu.dma_semaphore, #tpu.memory_space<semaphore_mem>>)
      %dma_wait3A = arith.constant 0 : i32
      %dma_wait3A_34 = arith.constant 0 : i32
      %dma_wait3A_35 = tpu.memref_slice %arg9[%dma_wait3A, %dma_wait3A_34] : memref<125x128xf32, #tpu.memory_space<vmem>> -> memref<80x128xf32, #tpu.memory_space<vmem>>
      %dma_wait3A_36 = arith.constant 0 : i32
      %dma_wait3A_37 = tpu.memref_slice %arg13[%add3A_18, %dma_wait3A_36] : memref<10240x128xf32, #tpu.memory_space<vmem_shared>> -> memref<80x128xf32, #tpu.memory_space<vmem_shared>>
      %dma_wait3A_38 = arith.constant 0 : i32
      %dma_wait3A_39 = tpu.memref_slice %arg13[%add3A_18, %dma_wait3A_38] : memref<10240x128xf32, #tpu.memory_space<vmem_shared>> -> memref<80x128xf32, #tpu.memory_space<vmem_shared>>
      %dma_wait3A_40 = arith.constant 0 : i32
      %dma_wait3A_41 = arith.constant 0 : i32
      %dma_wait3A_42 = tpu.memref_slice %arg9[%dma_wait3A_40, %dma_wait3A_41] : memref<125x128xf32, #tpu.memory_space<vmem>> -> memref<80x128xf32, #tpu.memory_space<vmem>>
      tpu.wait_dma2 semaphore(%run_scoped3A : memref<!tpu.dma_semaphore, #tpu.memory_space<semaphore_mem>>) src(%dma_wait3A_42 : memref<80x128xf32, #tpu.memory_space<vmem>>) dst(%dma_wait3A_39 : memref<80x128xf32, #tpu.memory_space<vmem_shared>>)
      tpu.yield
    }) : () -> ()
    %barrier3A = arith.constant 0 : index
    tpu.barrier barrier_id(%barrier3A)
    %scan3A = arith.constant 0 : i32
    %scan3A_19 = arith.constant 0 : i32
    %scan3A_20 = arith.constant 2 : i32
    %scan3A_21 = arith.addi %scan3A_19, %scan3A_20 : i32
    %scan3A_22 = arith.constant 1 : i32
    scf.for %scan3A_25 = %scan3A_19 to %scan3A_21 step %scan3A_22  : i32 {
      %mul3A_26 = arith.constant 40 : i32
      %mul3A_27 = arith.muli %scan3A_25, %mul3A_26 : i32
      "tpu.region"() ({
        %run_scoped3A = tpu.sem_alloc : memref<!tpu.dma_semaphore, #tpu.memory_space<semaphore_mem>>
        %dma_start3A = arith.constant 0 : i32
        %dma_start3A_36 = tpu.memref_slice %arg3[%add3A, %mul3A_27, %dma_start3A] : memref<32x80x125xi32, #tpu.memory_space<hbm>> -> memref<1x40x125xi32, #tpu.memory_space<hbm>>
        %dma_start3A_37 = tpu.memref_squeeze %dma_start3A_36 : memref<1x40x125xi32, #tpu.memory_space<hbm>> -> memref<40x125xi32, #tpu.memory_space<hbm>>
        %dma_start3A_38 = arith.constant 0 : i32
        %dma_start3A_39 = tpu.memref_slice %arg3[%add3A, %mul3A_27, %dma_start3A_38] : memref<32x80x125xi32, #tpu.memory_space<hbm>> -> memref<1x40x125xi32, #tpu.memory_space<hbm>>
        %dma_start3A_40 = tpu.memref_squeeze %dma_start3A_39 : memref<1x40x125xi32, #tpu.memory_space<hbm>> -> memref<40x125xi32, #tpu.memory_space<hbm>>
        tpu.enqueue_dma source(%dma_start3A_40 : memref<40x125xi32, #tpu.memory_space<hbm>>) target(%arg7 : memref<40x125xi32, #tpu.memory_space<vmem>>) target_semaphore(%run_scoped3A : memref<!tpu.dma_semaphore, #tpu.memory_space<semaphore_mem>>)
        %dma_wait3A = arith.constant 0 : i32
        %dma_wait3A_41 = tpu.memref_slice %arg3[%add3A, %mul3A_27, %dma_wait3A] : memref<32x80x125xi32, #tpu.memory_space<hbm>> -> memref<1x40x125xi32, #tpu.memory_space<hbm>>
        %dma_wait3A_42 = tpu.memref_squeeze %dma_wait3A_41 : memref<1x40x125xi32, #tpu.memory_space<hbm>> -> memref<40x125xi32, #tpu.memory_space<hbm>>
        %dma_wait3A_43 = arith.constant 0 : i32
        %dma_wait3A_44 = tpu.memref_slice %arg3[%add3A, %mul3A_27, %dma_wait3A_43] : memref<32x80x125xi32, #tpu.memory_space<hbm>> -> memref<1x40x125xi32, #tpu.memory_space<hbm>>
        %dma_wait3A_45 = tpu.memref_squeeze %dma_wait3A_44 : memref<1x40x125xi32, #tpu.memory_space<hbm>> -> memref<40x125xi32, #tpu.memory_space<hbm>>
        tpu.wait_dma2 semaphore(%run_scoped3A : memref<!tpu.dma_semaphore, #tpu.memory_space<semaphore_mem>>) src(%dma_wait3A_45 : memref<40x125xi32, #tpu.memory_space<hbm>>) dst(%arg7 : memref<40x125xi32, #tpu.memory_space<vmem>>)
        tpu.yield
      }) : () -> ()
      %mul3A_28 = arith.constant 40 : i32
      %mul3A_29 = arith.muli %scan3A_25, %mul3A_28 : i32
      "tpu.region"() ({
        %run_scoped3A = tpu.sem_alloc : memref<!tpu.dma_semaphore, #tpu.memory_space<semaphore_mem>>
        %dma_start3A = arith.constant 0 : i32
        %dma_start3A_36 = tpu.memref_slice %arg4[%add3A, %mul3A_29, %dma_start3A] : memref<32x80x125xi32, #tpu.memory_space<hbm>> -> memref<1x40x125xi32, #tpu.memory_space<hbm>>
        %dma_start3A_37 = tpu.memref_squeeze %dma_start3A_36 : memref<1x40x125xi32, #tpu.memory_space<hbm>> -> memref<40x125xi32, #tpu.memory_space<hbm>>
        %dma_start3A_38 = arith.constant 0 : i32
        %dma_start3A_39 = tpu.memref_slice %arg4[%add3A, %mul3A_29, %dma_start3A_38] : memref<32x80x125xi32, #tpu.memory_space<hbm>> -> memref<1x40x125xi32, #tpu.memory_space<hbm>>
        %dma_start3A_40 = tpu.memref_squeeze %dma_start3A_39 : memref<1x40x125xi32, #tpu.memory_space<hbm>> -> memref<40x125xi32, #tpu.memory_space<hbm>>
        tpu.enqueue_dma source(%dma_start3A_40 : memref<40x125xi32, #tpu.memory_space<hbm>>) target(%arg8 : memref<40x125xi32, #tpu.memory_space<vmem>>) target_semaphore(%run_scoped3A : memref<!tpu.dma_semaphore, #tpu.memory_space<semaphore_mem>>)
        %dma_wait3A = arith.constant 0 : i32
        %dma_wait3A_41 = tpu.memref_slice %arg4[%add3A, %mul3A_29, %dma_wait3A] : memref<32x80x125xi32, #tpu.memory_space<hbm>> -> memref<1x40x125xi32, #tpu.memory_space<hbm>>
        %dma_wait3A_42 = tpu.memref_squeeze %dma_wait3A_41 : memref<1x40x125xi32, #tpu.memory_space<hbm>> -> memref<40x125xi32, #tpu.memory_space<hbm>>
        %dma_wait3A_43 = arith.constant 0 : i32
        %dma_wait3A_44 = tpu.memref_slice %arg4[%add3A, %mul3A_29, %dma_wait3A_43] : memref<32x80x125xi32, #tpu.memory_space<hbm>> -> memref<1x40x125xi32, #tpu.memory_space<hbm>>
        %dma_wait3A_45 = tpu.memref_squeeze %dma_wait3A_44 : memref<1x40x125xi32, #tpu.memory_space<hbm>> -> memref<40x125xi32, #tpu.memory_space<hbm>>
        tpu.wait_dma2 semaphore(%run_scoped3A : memref<!tpu.dma_semaphore, #tpu.memory_space<semaphore_mem>>) src(%dma_wait3A_45 : memref<40x125xi32, #tpu.memory_space<hbm>>) dst(%arg8 : memref<40x125xi32, #tpu.memory_space<vmem>>)
        tpu.yield
      }) : () -> ()
      %scan3A_30 = arith.constant 0 : i32
      %scan3A_31 = arith.constant 0 : i32
      %scan3A_32 = arith.constant 20 : i32
      %scan3A_33 = arith.addi %scan3A_31, %scan3A_32 : i32
      %scan3A_34 = arith.constant 1 : i32
      scf.for %scan3A_36 = %scan3A_31 to %scan3A_33 step %scan3A_34  : i32 {
        %mul3A_37 = arith.constant 2 : i32
        %mul3A_38 = arith.muli %mul3A_37, %scan3A_36 : i32
        %add3A_39 = arith.constant 1 : i32
        %add3A_40 = arith.addi %mul3A_38, %add3A_39 : i32
        %dma_start3A = arith.constant 0 : i32
        %dma_start3A_41 = tpu.memref_slice %arg7[%mul3A_38, %dma_start3A] : memref<40x125xi32, #tpu.memory_space<vmem>> -> memref<1x125xi32, #tpu.memory_space<vmem>>
        %dma_start3A_42 = tpu.memref_squeeze %dma_start3A_41 : memref<1x125xi32, #tpu.memory_space<vmem>> -> memref<125xi32, #tpu.memory_space<vmem>>
        %dma_start3A_43 = arith.constant 0 : i32
        %dma_start3A_44 = arith.constant 0 : i32
        %dma_start3A_45 = tpu.memref_slice %arg2[%dma_start3A_43, %dma_start3A_44] : memref<10240x128xf32, #tpu.memory_space<hbm>> -> memref<10240x128xf32, #tpu.memory_space<hbm>>
        tpu.enqueue_indirect_dma source(%dma_start3A_45 : memref<10240x128xf32, #tpu.memory_space<hbm>>) target(%arg9 : memref<125x128xf32, #tpu.memory_space<vmem>>) offsets(%dma_start3A_42 : memref<125xi32, #tpu.memory_space<vmem>>) semaphore(%arg11 : memref<!tpu.dma_semaphore, #tpu.memory_space<semaphore_mem>>)
        %dma_start3A_46 = arith.constant 0 : i32
        %dma_start3A_47 = tpu.memref_slice %arg7[%add3A_40, %dma_start3A_46] : memref<40x125xi32, #tpu.memory_space<vmem>> -> memref<1x125xi32, #tpu.memory_space<vmem>>
        %dma_start3A_48 = tpu.memref_squeeze %dma_start3A_47 : memref<1x125xi32, #tpu.memory_space<vmem>> -> memref<125xi32, #tpu.memory_space<vmem>>
        %dma_start3A_49 = arith.constant 0 : i32
        %dma_start3A_50 = arith.constant 0 : i32
        %dma_start3A_51 = tpu.memref_slice %arg2[%dma_start3A_49, %dma_start3A_50] : memref<10240x128xf32, #tpu.memory_space<hbm>> -> memref<10240x128xf32, #tpu.memory_space<hbm>>
        tpu.enqueue_indirect_dma source(%dma_start3A_51 : memref<10240x128xf32, #tpu.memory_space<hbm>>) target(%arg10 : memref<125x128xf32, #tpu.memory_space<vmem>>) offsets(%dma_start3A_48 : memref<125xi32, #tpu.memory_space<vmem>>) semaphore(%arg12 : memref<!tpu.dma_semaphore, #tpu.memory_space<semaphore_mem>>)
        %dma_wait3A = arith.constant 0 : i32
        %dma_wait3A_52 = tpu.memref_slice %arg7[%mul3A_38, %dma_wait3A] : memref<40x125xi32, #tpu.memory_space<vmem>> -> memref<1x125xi32, #tpu.memory_space<vmem>>
        %dma_wait3A_53 = tpu.memref_squeeze %dma_wait3A_52 : memref<1x125xi32, #tpu.memory_space<vmem>> -> memref<125xi32, #tpu.memory_space<vmem>>
        %dma_wait3A_54 = arith.constant 0 : i32
        %dma_wait3A_55 = arith.constant 0 : i32
        %dma_wait3A_56 = tpu.memref_slice %arg2[%dma_wait3A_54, %dma_wait3A_55] : memref<10240x128xf32, #tpu.memory_space<hbm>> -> memref<10240x128xf32, #tpu.memory_space<hbm>>
        tpu.wait_indirect_dma semaphore(%arg11 : memref<!tpu.dma_semaphore, #tpu.memory_space<semaphore_mem>>) src(%dma_wait3A_56 : memref<10240x128xf32, #tpu.memory_space<hbm>>) dst(%arg9 : memref<125x128xf32, #tpu.memory_space<vmem>>)
        "tpu.region"() ({
          %run_scoped3A = tpu.sem_alloc : memref<!tpu.dma_semaphore, #tpu.memory_space<semaphore_mem>>
          %dma_start3A_63 = arith.constant 0 : i32
          %dma_start3A_64 = tpu.memref_slice %arg8[%mul3A_38, %dma_start3A_63] : memref<40x125xi32, #tpu.memory_space<vmem>> -> memref<1x125xi32, #tpu.memory_space<vmem>>
          %dma_start3A_65 = tpu.memref_squeeze %dma_start3A_64 : memref<1x125xi32, #tpu.memory_space<vmem>> -> memref<125xi32, #tpu.memory_space<vmem>>
          %dma_start3A_66 = arith.constant 0 : i32
          %dma_start3A_67 = arith.constant 0 : i32
          %dma_start3A_68 = tpu.memref_slice %arg13[%dma_start3A_66, %dma_start3A_67] : memref<10240x128xf32, #tpu.memory_space<vmem_shared>> -> memref<10240x128xf32, #tpu.memory_space<vmem_shared>>
          tpu.enqueue_indirect_dma source(%arg9 : memref<125x128xf32, #tpu.memory_space<vmem>>) target(%dma_start3A_68 : memref<10240x128xf32, #tpu.memory_space<vmem_shared>>) offsets(%dma_start3A_65 : memref<125xi32, #tpu.memory_space<vmem>>) semaphore(%run_scoped3A : memref<!tpu.dma_semaphore, #tpu.memory_space<semaphore_mem>>) {add = true}
          %dma_wait3A_69 = arith.constant 0 : i32
          %dma_wait3A_70 = tpu.memref_slice %arg8[%mul3A_38, %dma_wait3A_69] : memref<40x125xi32, #tpu.memory_space<vmem>> -> memref<1x125xi32, #tpu.memory_space<vmem>>
          %dma_wait3A_71 = tpu.memref_squeeze %dma_wait3A_70 : memref<1x125xi32, #tpu.memory_space<vmem>> -> memref<125xi32, #tpu.memory_space<vmem>>
          %dma_wait3A_72 = arith.constant 0 : i32
          %dma_wait3A_73 = arith.constant 0 : i32
          %dma_wait3A_74 = tpu.memref_slice %arg13[%dma_wait3A_72, %dma_wait3A_73] : memref<10240x128xf32, #tpu.memory_space<vmem_shared>> -> memref<10240x128xf32, #tpu.memory_space<vmem_shared>>
          tpu.wait_indirect_dma semaphore(%run_scoped3A : memref<!tpu.dma_semaphore, #tpu.memory_space<semaphore_mem>>) src(%arg9 : memref<125x128xf32, #tpu.memory_space<vmem>>) dst(%dma_wait3A_74 : memref<10240x128xf32, #tpu.memory_space<vmem_shared>>)
          tpu.yield
        }) : () -> ()
        %dma_wait3A_57 = arith.constant 0 : i32
        %dma_wait3A_58 = tpu.memref_slice %arg7[%add3A_40, %dma_wait3A_57] : memref<40x125xi32, #tpu.memory_space<vmem>> -> memref<1x125xi32, #tpu.memory_space<vmem>>
        %dma_wait3A_59 = tpu.memref_squeeze %dma_wait3A_58 : memref<1x125xi32, #tpu.memory_space<vmem>> -> memref<125xi32, #tpu.memory_space<vmem>>
        %dma_wait3A_60 = arith.constant 0 : i32
        %dma_wait3A_61 = arith.constant 0 : i32
        %dma_wait3A_62 = tpu.memref_slice %arg2[%dma_wait3A_60, %dma_wait3A_61] : memref<10240x128xf32, #tpu.memory_space<hbm>> -> memref<10240x128xf32, #tpu.memory_space<hbm>>
        tpu.wait_indirect_dma semaphore(%arg12 : memref<!tpu.dma_semaphore, #tpu.memory_space<semaphore_mem>>) src(%dma_wait3A_62 : memref<10240x128xf32, #tpu.memory_space<hbm>>) dst(%arg10 : memref<125x128xf32, #tpu.memory_space<vmem>>)
        "tpu.region"() ({
          %run_scoped3A = tpu.sem_alloc : memref<!tpu.dma_semaphore, #tpu.memory_space<semaphore_mem>>
          %dma_start3A_63 = arith.constant 0 : i32
          %dma_start3A_64 = tpu.memref_slice %arg8[%add3A_40, %dma_start3A_63] : memref<40x125xi32, #tpu.memory_space<vmem>> -> memref<1x125xi32, #tpu.memory_space<vmem>>
          %dma_start3A_65 = tpu.memref_squeeze %dma_start3A_64 : memref<1x125xi32, #tpu.memory_space<vmem>> -> memref<125xi32, #tpu.memory_space<vmem>>
          %dma_start3A_66 = arith.constant 0 : i32
          %dma_start3A_67 = arith.constant 0 : i32
          %dma_start3A_68 = tpu.memref_slice %arg13[%dma_start3A_66, %dma_start3A_67] : memref<10240x128xf32, #tpu.memory_space<vmem_shared>> -> memref<10240x128xf32, #tpu.memory_space<vmem_shared>>
          tpu.enqueue_indirect_dma source(%arg10 : memref<125x128xf32, #tpu.memory_space<vmem>>) target(%dma_start3A_68 : memref<10240x128xf32, #tpu.memory_space<vmem_shared>>) offsets(%dma_start3A_65 : memref<125xi32, #tpu.memory_space<vmem>>) semaphore(%run_scoped3A : memref<!tpu.dma_semaphore, #tpu.memory_space<semaphore_mem>>) {add = true}
          %dma_wait3A_69 = arith.constant 0 : i32
          %dma_wait3A_70 = tpu.memref_slice %arg8[%add3A_40, %dma_wait3A_69] : memref<40x125xi32, #tpu.memory_space<vmem>> -> memref<1x125xi32, #tpu.memory_space<vmem>>
          %dma_wait3A_71 = tpu.memref_squeeze %dma_wait3A_70 : memref<1x125xi32, #tpu.memory_space<vmem>> -> memref<125xi32, #tpu.memory_space<vmem>>
          %dma_wait3A_72 = arith.constant 0 : i32
          %dma_wait3A_73 = arith.constant 0 : i32
          %dma_wait3A_74 = tpu.memref_slice %arg13[%dma_wait3A_72, %dma_wait3A_73] : memref<10240x128xf32, #tpu.memory_space<vmem_shared>> -> memref<10240x128xf32, #tpu.memory_space<vmem_shared>>
          tpu.wait_indirect_dma semaphore(%run_scoped3A : memref<!tpu.dma_semaphore, #tpu.memory_space<semaphore_mem>>) src(%arg10 : memref<125x128xf32, #tpu.memory_space<vmem>>) dst(%dma_wait3A_74 : memref<10240x128xf32, #tpu.memory_space<vmem_shared>>)
          tpu.yield
        }) : () -> ()
      }
      %scan3A_35 = arith.constant 20 : i32
    }
    %scan3A_23 = arith.constant 2 : i32
    %barrier3A_24 = arith.constant 0 : index
    tpu.barrier barrier_id(%barrier3A_24)
    "tpu.region"() ({
      %run_scoped3A = tpu.sem_alloc : memref<!tpu.dma_semaphore, #tpu.memory_space<semaphore_mem>>
      %dma_start3A = arith.constant 0 : i32
      %dma_start3A_25 = tpu.memref_slice %arg6[%arg0, %mul3A_2, %dma_start3A] : memref<2x10240x128xf32, #tpu.memory_space<hbm>> -> memref<1x640x128xf32, #tpu.memory_space<hbm>>
      %dma_start3A_26 = tpu.memref_squeeze %dma_start3A_25 : memref<1x640x128xf32, #tpu.memory_space<hbm>> -> memref<640x128xf32, #tpu.memory_space<hbm>>
      %dma_start3A_27 = arith.constant 0 : i32
      %dma_start3A_28 = tpu.memref_slice %arg13[%mul3A_2, %dma_start3A_27] : memref<10240x128xf32, #tpu.memory_space<vmem_shared>> -> memref<640x128xf32, #tpu.memory_space<vmem_shared>>
      tpu.enqueue_dma source(%dma_start3A_28 : memref<640x128xf32, #tpu.memory_space<vmem_shared>>) target(%dma_start3A_26 : memref<640x128xf32, #tpu.memory_space<hbm>>) target_semaphore(%run_scoped3A : memref<!tpu.dma_semaphore, #tpu.memory_space<semaphore_mem>>)
      %dma_wait3A = arith.constant 0 : i32
      %dma_wait3A_29 = tpu.memref_slice %arg6[%arg0, %mul3A_2, %dma_wait3A] : memref<2x10240x128xf32, #tpu.memory_space<hbm>> -> memref<1x640x128xf32, #tpu.memory_space<hbm>>
      %dma_wait3A_30 = tpu.memref_squeeze %dma_wait3A_29 : memref<1x640x128xf32, #tpu.memory_space<hbm>> -> memref<640x128xf32, #tpu.memory_space<hbm>>
      %dma_wait3A_31 = arith.constant 0 : i32
      %dma_wait3A_32 = tpu.memref_slice %arg13[%mul3A_2, %dma_wait3A_31] : memref<10240x128xf32, #tpu.memory_space<vmem_shared>> -> memref<640x128xf32, #tpu.memory_space<vmem_shared>>
      tpu.wait_dma2 semaphore(%run_scoped3A : memref<!tpu.dma_semaphore, #tpu.memory_space<semaphore_mem>>) src(%dma_wait3A_32 : memref<640x128xf32, #tpu.memory_space<vmem_shared>>) dst(%dma_wait3A_30 : memref<640x128xf32, #tpu.memory_space<hbm>>)
      tpu.yield
    }) : () -> ()
    return
  }
}

#map = affine_map<(d0, d1) -> (0, 0, 0)>
#map1 = affine_map<(d0, d1) -> (0, 0)>
module attributes {stable_mosaic.version = 14 : i64} {
  func.func @_sc_degree(%arg0: i32, %arg1: i32, %arg2: memref<32x80x125xi32, #tpu.memory_space<hbm>>, %arg3: memref<125x8xf32, #tpu.memory_space<hbm>>, %arg4: memref<128x8xf32, #tpu.memory_space<hbm>>, %arg5: memref<2x10240x8xf32, #tpu.memory_space<hbm>>, %arg6: memref<80x125xi32, #tpu.memory_space<vmem>>, %arg7: memref<125x8xf32, #tpu.memory_space<vmem>>, %arg8: memref<128x8xf32, #tpu.memory_space<vmem>>, %arg9: memref<10240x8xf32, #tpu.memory_space<vmem_shared>>) attributes {dimension_semantics = [#tpu.dimension_semantics<core_parallel>, #tpu.dimension_semantics<subcore_parallel>], iteration_bounds = array<i64: 2, 16>, scalar_prefetch = 0 : i64, scratch_operands = 4 : i64, tpu.core_type = #tpu.core_type<sc_vector_subcore>, window_params = [{transform_indices = #map}, {transform_indices = #map1}, {transform_indices = #map1}, {transform_indices = #map}]} {
    %mul3A = arith.constant 16 : i32
    %mul3A_0 = arith.muli %arg0, %mul3A : i32
    %add3A = arith.addi %mul3A_0, %arg1 : i32
    %mul3A_1 = arith.constant 640 : i32
    %mul3A_2 = arith.muli %arg1, %mul3A_1 : i32
    "tpu.region"() ({
      %run_scoped3A = tpu.sem_alloc : memref<!tpu.dma_semaphore, #tpu.memory_space<semaphore_mem>>
      tpu.enqueue_dma source(%arg4 : memref<128x8xf32, #tpu.memory_space<hbm>>) target(%arg8 : memref<128x8xf32, #tpu.memory_space<vmem>>) target_semaphore(%run_scoped3A : memref<!tpu.dma_semaphore, #tpu.memory_space<semaphore_mem>>)
      tpu.wait_dma2 semaphore(%run_scoped3A : memref<!tpu.dma_semaphore, #tpu.memory_space<semaphore_mem>>) src(%arg4 : memref<128x8xf32, #tpu.memory_space<hbm>>) dst(%arg8 : memref<128x8xf32, #tpu.memory_space<vmem>>)
      tpu.yield
    }) : () -> ()
    %add3A_3 = arith.constant 0 : i32
    %add3A_4 = arith.addi %mul3A_2, %add3A_3 : i32
    "tpu.region"() ({
      %run_scoped3A = tpu.sem_alloc : memref<!tpu.dma_semaphore, #tpu.memory_space<semaphore_mem>>
      %dma_start3A = arith.constant 0 : i32
      %dma_start3A_19 = tpu.memref_slice %arg9[%add3A_4, %dma_start3A] : memref<10240x8xf32, #tpu.memory_space<vmem_shared>> -> memref<128x8xf32, #tpu.memory_space<vmem_shared>>
      %dma_start3A_20 = arith.constant 0 : i32
      %dma_start3A_21 = tpu.memref_slice %arg9[%add3A_4, %dma_start3A_20] : memref<10240x8xf32, #tpu.memory_space<vmem_shared>> -> memref<128x8xf32, #tpu.memory_space<vmem_shared>>
      tpu.enqueue_dma source(%arg8 : memref<128x8xf32, #tpu.memory_space<vmem>>) target(%dma_start3A_21 : memref<128x8xf32, #tpu.memory_space<vmem_shared>>) target_semaphore(%run_scoped3A : memref<!tpu.dma_semaphore, #tpu.memory_space<semaphore_mem>>)
      %dma_wait3A = arith.constant 0 : i32
      %dma_wait3A_22 = tpu.memref_slice %arg9[%add3A_4, %dma_wait3A] : memref<10240x8xf32, #tpu.memory_space<vmem_shared>> -> memref<128x8xf32, #tpu.memory_space<vmem_shared>>
      %dma_wait3A_23 = arith.constant 0 : i32
      %dma_wait3A_24 = tpu.memref_slice %arg9[%add3A_4, %dma_wait3A_23] : memref<10240x8xf32, #tpu.memory_space<vmem_shared>> -> memref<128x8xf32, #tpu.memory_space<vmem_shared>>
      tpu.wait_dma2 semaphore(%run_scoped3A : memref<!tpu.dma_semaphore, #tpu.memory_space<semaphore_mem>>) src(%arg8 : memref<128x8xf32, #tpu.memory_space<vmem>>) dst(%dma_wait3A_24 : memref<128x8xf32, #tpu.memory_space<vmem_shared>>)
      tpu.yield
    }) : () -> ()
    %add3A_5 = arith.constant 128 : i32
    %add3A_6 = arith.addi %mul3A_2, %add3A_5 : i32
    "tpu.region"() ({
      %run_scoped3A = tpu.sem_alloc : memref<!tpu.dma_semaphore, #tpu.memory_space<semaphore_mem>>
      %dma_start3A = arith.constant 0 : i32
      %dma_start3A_19 = tpu.memref_slice %arg9[%add3A_6, %dma_start3A] : memref<10240x8xf32, #tpu.memory_space<vmem_shared>> -> memref<128x8xf32, #tpu.memory_space<vmem_shared>>
      %dma_start3A_20 = arith.constant 0 : i32
      %dma_start3A_21 = tpu.memref_slice %arg9[%add3A_6, %dma_start3A_20] : memref<10240x8xf32, #tpu.memory_space<vmem_shared>> -> memref<128x8xf32, #tpu.memory_space<vmem_shared>>
      tpu.enqueue_dma source(%arg8 : memref<128x8xf32, #tpu.memory_space<vmem>>) target(%dma_start3A_21 : memref<128x8xf32, #tpu.memory_space<vmem_shared>>) target_semaphore(%run_scoped3A : memref<!tpu.dma_semaphore, #tpu.memory_space<semaphore_mem>>)
      %dma_wait3A = arith.constant 0 : i32
      %dma_wait3A_22 = tpu.memref_slice %arg9[%add3A_6, %dma_wait3A] : memref<10240x8xf32, #tpu.memory_space<vmem_shared>> -> memref<128x8xf32, #tpu.memory_space<vmem_shared>>
      %dma_wait3A_23 = arith.constant 0 : i32
      %dma_wait3A_24 = tpu.memref_slice %arg9[%add3A_6, %dma_wait3A_23] : memref<10240x8xf32, #tpu.memory_space<vmem_shared>> -> memref<128x8xf32, #tpu.memory_space<vmem_shared>>
      tpu.wait_dma2 semaphore(%run_scoped3A : memref<!tpu.dma_semaphore, #tpu.memory_space<semaphore_mem>>) src(%arg8 : memref<128x8xf32, #tpu.memory_space<vmem>>) dst(%dma_wait3A_24 : memref<128x8xf32, #tpu.memory_space<vmem_shared>>)
      tpu.yield
    }) : () -> ()
    %add3A_7 = arith.constant 256 : i32
    %add3A_8 = arith.addi %mul3A_2, %add3A_7 : i32
    "tpu.region"() ({
      %run_scoped3A = tpu.sem_alloc : memref<!tpu.dma_semaphore, #tpu.memory_space<semaphore_mem>>
      %dma_start3A = arith.constant 0 : i32
      %dma_start3A_19 = tpu.memref_slice %arg9[%add3A_8, %dma_start3A] : memref<10240x8xf32, #tpu.memory_space<vmem_shared>> -> memref<128x8xf32, #tpu.memory_space<vmem_shared>>
      %dma_start3A_20 = arith.constant 0 : i32
      %dma_start3A_21 = tpu.memref_slice %arg9[%add3A_8, %dma_start3A_20] : memref<10240x8xf32, #tpu.memory_space<vmem_shared>> -> memref<128x8xf32, #tpu.memory_space<vmem_shared>>
      tpu.enqueue_dma source(%arg8 : memref<128x8xf32, #tpu.memory_space<vmem>>) target(%dma_start3A_21 : memref<128x8xf32, #tpu.memory_space<vmem_shared>>) target_semaphore(%run_scoped3A : memref<!tpu.dma_semaphore, #tpu.memory_space<semaphore_mem>>)
      %dma_wait3A = arith.constant 0 : i32
      %dma_wait3A_22 = tpu.memref_slice %arg9[%add3A_8, %dma_wait3A] : memref<10240x8xf32, #tpu.memory_space<vmem_shared>> -> memref<128x8xf32, #tpu.memory_space<vmem_shared>>
      %dma_wait3A_23 = arith.constant 0 : i32
      %dma_wait3A_24 = tpu.memref_slice %arg9[%add3A_8, %dma_wait3A_23] : memref<10240x8xf32, #tpu.memory_space<vmem_shared>> -> memref<128x8xf32, #tpu.memory_space<vmem_shared>>
      tpu.wait_dma2 semaphore(%run_scoped3A : memref<!tpu.dma_semaphore, #tpu.memory_space<semaphore_mem>>) src(%arg8 : memref<128x8xf32, #tpu.memory_space<vmem>>) dst(%dma_wait3A_24 : memref<128x8xf32, #tpu.memory_space<vmem_shared>>)
      tpu.yield
    }) : () -> ()
    %add3A_9 = arith.constant 384 : i32
    %add3A_10 = arith.addi %mul3A_2, %add3A_9 : i32
    "tpu.region"() ({
      %run_scoped3A = tpu.sem_alloc : memref<!tpu.dma_semaphore, #tpu.memory_space<semaphore_mem>>
      %dma_start3A = arith.constant 0 : i32
      %dma_start3A_19 = tpu.memref_slice %arg9[%add3A_10, %dma_start3A] : memref<10240x8xf32, #tpu.memory_space<vmem_shared>> -> memref<128x8xf32, #tpu.memory_space<vmem_shared>>
      %dma_start3A_20 = arith.constant 0 : i32
      %dma_start3A_21 = tpu.memref_slice %arg9[%add3A_10, %dma_start3A_20] : memref<10240x8xf32, #tpu.memory_space<vmem_shared>> -> memref<128x8xf32, #tpu.memory_space<vmem_shared>>
      tpu.enqueue_dma source(%arg8 : memref<128x8xf32, #tpu.memory_space<vmem>>) target(%dma_start3A_21 : memref<128x8xf32, #tpu.memory_space<vmem_shared>>) target_semaphore(%run_scoped3A : memref<!tpu.dma_semaphore, #tpu.memory_space<semaphore_mem>>)
      %dma_wait3A = arith.constant 0 : i32
      %dma_wait3A_22 = tpu.memref_slice %arg9[%add3A_10, %dma_wait3A] : memref<10240x8xf32, #tpu.memory_space<vmem_shared>> -> memref<128x8xf32, #tpu.memory_space<vmem_shared>>
      %dma_wait3A_23 = arith.constant 0 : i32
      %dma_wait3A_24 = tpu.memref_slice %arg9[%add3A_10, %dma_wait3A_23] : memref<10240x8xf32, #tpu.memory_space<vmem_shared>> -> memref<128x8xf32, #tpu.memory_space<vmem_shared>>
      tpu.wait_dma2 semaphore(%run_scoped3A : memref<!tpu.dma_semaphore, #tpu.memory_space<semaphore_mem>>) src(%arg8 : memref<128x8xf32, #tpu.memory_space<vmem>>) dst(%dma_wait3A_24 : memref<128x8xf32, #tpu.memory_space<vmem_shared>>)
      tpu.yield
    }) : () -> ()
    %add3A_11 = arith.constant 512 : i32
    %add3A_12 = arith.addi %mul3A_2, %add3A_11 : i32
    "tpu.region"() ({
      %run_scoped3A = tpu.sem_alloc : memref<!tpu.dma_semaphore, #tpu.memory_space<semaphore_mem>>
      %dma_start3A = arith.constant 0 : i32
      %dma_start3A_19 = tpu.memref_slice %arg9[%add3A_12, %dma_start3A] : memref<10240x8xf32, #tpu.memory_space<vmem_shared>> -> memref<128x8xf32, #tpu.memory_space<vmem_shared>>
      %dma_start3A_20 = arith.constant 0 : i32
      %dma_start3A_21 = tpu.memref_slice %arg9[%add3A_12, %dma_start3A_20] : memref<10240x8xf32, #tpu.memory_space<vmem_shared>> -> memref<128x8xf32, #tpu.memory_space<vmem_shared>>
      tpu.enqueue_dma source(%arg8 : memref<128x8xf32, #tpu.memory_space<vmem>>) target(%dma_start3A_21 : memref<128x8xf32, #tpu.memory_space<vmem_shared>>) target_semaphore(%run_scoped3A : memref<!tpu.dma_semaphore, #tpu.memory_space<semaphore_mem>>)
      %dma_wait3A = arith.constant 0 : i32
      %dma_wait3A_22 = tpu.memref_slice %arg9[%add3A_12, %dma_wait3A] : memref<10240x8xf32, #tpu.memory_space<vmem_shared>> -> memref<128x8xf32, #tpu.memory_space<vmem_shared>>
      %dma_wait3A_23 = arith.constant 0 : i32
      %dma_wait3A_24 = tpu.memref_slice %arg9[%add3A_12, %dma_wait3A_23] : memref<10240x8xf32, #tpu.memory_space<vmem_shared>> -> memref<128x8xf32, #tpu.memory_space<vmem_shared>>
      tpu.wait_dma2 semaphore(%run_scoped3A : memref<!tpu.dma_semaphore, #tpu.memory_space<semaphore_mem>>) src(%arg8 : memref<128x8xf32, #tpu.memory_space<vmem>>) dst(%dma_wait3A_24 : memref<128x8xf32, #tpu.memory_space<vmem_shared>>)
      tpu.yield
    }) : () -> ()
    "tpu.region"() ({
      %run_scoped3A = tpu.sem_alloc : memref<!tpu.dma_semaphore, #tpu.memory_space<semaphore_mem>>
      tpu.enqueue_dma source(%arg3 : memref<125x8xf32, #tpu.memory_space<hbm>>) target(%arg7 : memref<125x8xf32, #tpu.memory_space<vmem>>) target_semaphore(%run_scoped3A : memref<!tpu.dma_semaphore, #tpu.memory_space<semaphore_mem>>)
      tpu.wait_dma2 semaphore(%run_scoped3A : memref<!tpu.dma_semaphore, #tpu.memory_space<semaphore_mem>>) src(%arg3 : memref<125x8xf32, #tpu.memory_space<hbm>>) dst(%arg7 : memref<125x8xf32, #tpu.memory_space<vmem>>)
      tpu.yield
    }) : () -> ()
    "tpu.region"() ({
      %run_scoped3A = tpu.sem_alloc : memref<!tpu.dma_semaphore, #tpu.memory_space<semaphore_mem>>
      %dma_start3A = arith.constant 0 : i32
      %dma_start3A_19 = arith.constant 0 : i32
      %dma_start3A_20 = tpu.memref_slice %arg2[%add3A, %dma_start3A, %dma_start3A_19] : memref<32x80x125xi32, #tpu.memory_space<hbm>> -> memref<1x80x125xi32, #tpu.memory_space<hbm>>
      %dma_start3A_21 = tpu.memref_squeeze %dma_start3A_20 : memref<1x80x125xi32, #tpu.memory_space<hbm>> -> memref<80x125xi32, #tpu.memory_space<hbm>>
      %dma_start3A_22 = arith.constant 0 : i32
      %dma_start3A_23 = arith.constant 0 : i32
      %dma_start3A_24 = tpu.memref_slice %arg2[%add3A, %dma_start3A_22, %dma_start3A_23] : memref<32x80x125xi32, #tpu.memory_space<hbm>> -> memref<1x80x125xi32, #tpu.memory_space<hbm>>
      %dma_start3A_25 = tpu.memref_squeeze %dma_start3A_24 : memref<1x80x125xi32, #tpu.memory_space<hbm>> -> memref<80x125xi32, #tpu.memory_space<hbm>>
      tpu.enqueue_dma source(%dma_start3A_25 : memref<80x125xi32, #tpu.memory_space<hbm>>) target(%arg6 : memref<80x125xi32, #tpu.memory_space<vmem>>) target_semaphore(%run_scoped3A : memref<!tpu.dma_semaphore, #tpu.memory_space<semaphore_mem>>)
      %dma_wait3A = arith.constant 0 : i32
      %dma_wait3A_26 = arith.constant 0 : i32
      %dma_wait3A_27 = tpu.memref_slice %arg2[%add3A, %dma_wait3A, %dma_wait3A_26] : memref<32x80x125xi32, #tpu.memory_space<hbm>> -> memref<1x80x125xi32, #tpu.memory_space<hbm>>
      %dma_wait3A_28 = tpu.memref_squeeze %dma_wait3A_27 : memref<1x80x125xi32, #tpu.memory_space<hbm>> -> memref<80x125xi32, #tpu.memory_space<hbm>>
      %dma_wait3A_29 = arith.constant 0 : i32
      %dma_wait3A_30 = arith.constant 0 : i32
      %dma_wait3A_31 = tpu.memref_slice %arg2[%add3A, %dma_wait3A_29, %dma_wait3A_30] : memref<32x80x125xi32, #tpu.memory_space<hbm>> -> memref<1x80x125xi32, #tpu.memory_space<hbm>>
      %dma_wait3A_32 = tpu.memref_squeeze %dma_wait3A_31 : memref<1x80x125xi32, #tpu.memory_space<hbm>> -> memref<80x125xi32, #tpu.memory_space<hbm>>
      tpu.wait_dma2 semaphore(%run_scoped3A : memref<!tpu.dma_semaphore, #tpu.memory_space<semaphore_mem>>) src(%dma_wait3A_32 : memref<80x125xi32, #tpu.memory_space<hbm>>) dst(%arg6 : memref<80x125xi32, #tpu.memory_space<vmem>>)
      tpu.yield
    }) : () -> ()
    %barrier3A = arith.constant 0 : index
    tpu.barrier barrier_id(%barrier3A)
    %scan3A = arith.constant 0 : i32
    %scan3A_13 = arith.constant 0 : i32
    %scan3A_14 = arith.constant 80 : i32
    %scan3A_15 = arith.addi %scan3A_13, %scan3A_14 : i32
    %scan3A_16 = arith.constant 1 : i32
    scf.for %scan3A_19 = %scan3A_13 to %scan3A_15 step %scan3A_16  : i32 {
      "tpu.region"() ({
        %run_scoped3A = tpu.sem_alloc : memref<!tpu.dma_semaphore, #tpu.memory_space<semaphore_mem>>
        %dma_start3A = arith.constant 0 : i32
        %dma_start3A_20 = tpu.memref_slice %arg6[%scan3A_19, %dma_start3A] : memref<80x125xi32, #tpu.memory_space<vmem>> -> memref<1x125xi32, #tpu.memory_space<vmem>>
        %dma_start3A_21 = tpu.memref_squeeze %dma_start3A_20 : memref<1x125xi32, #tpu.memory_space<vmem>> -> memref<125xi32, #tpu.memory_space<vmem>>
        %dma_start3A_22 = arith.constant 0 : i32
        %dma_start3A_23 = arith.constant 0 : i32
        %dma_start3A_24 = tpu.memref_slice %arg9[%dma_start3A_22, %dma_start3A_23] : memref<10240x8xf32, #tpu.memory_space<vmem_shared>> -> memref<10240x8xf32, #tpu.memory_space<vmem_shared>>
        tpu.enqueue_indirect_dma source(%arg7 : memref<125x8xf32, #tpu.memory_space<vmem>>) target(%dma_start3A_24 : memref<10240x8xf32, #tpu.memory_space<vmem_shared>>) offsets(%dma_start3A_21 : memref<125xi32, #tpu.memory_space<vmem>>) semaphore(%run_scoped3A : memref<!tpu.dma_semaphore, #tpu.memory_space<semaphore_mem>>) {add = true}
        %dma_wait3A = arith.constant 0 : i32
        %dma_wait3A_25 = tpu.memref_slice %arg6[%scan3A_19, %dma_wait3A] : memref<80x125xi32, #tpu.memory_space<vmem>> -> memref<1x125xi32, #tpu.memory_space<vmem>>
        %dma_wait3A_26 = tpu.memref_squeeze %dma_wait3A_25 : memref<1x125xi32, #tpu.memory_space<vmem>> -> memref<125xi32, #tpu.memory_space<vmem>>
        %dma_wait3A_27 = arith.constant 0 : i32
        %dma_wait3A_28 = arith.constant 0 : i32
        %dma_wait3A_29 = tpu.memref_slice %arg9[%dma_wait3A_27, %dma_wait3A_28] : memref<10240x8xf32, #tpu.memory_space<vmem_shared>> -> memref<10240x8xf32, #tpu.memory_space<vmem_shared>>
        tpu.wait_indirect_dma semaphore(%run_scoped3A : memref<!tpu.dma_semaphore, #tpu.memory_space<semaphore_mem>>) src(%arg7 : memref<125x8xf32, #tpu.memory_space<vmem>>) dst(%dma_wait3A_29 : memref<10240x8xf32, #tpu.memory_space<vmem_shared>>)
        tpu.yield
      }) : () -> ()
    }
    %scan3A_17 = arith.constant 80 : i32
    %barrier3A_18 = arith.constant 0 : index
    tpu.barrier barrier_id(%barrier3A_18)
    "tpu.region"() ({
      %run_scoped3A = tpu.sem_alloc : memref<!tpu.dma_semaphore, #tpu.memory_space<semaphore_mem>>
      %dma_start3A = arith.constant 0 : i32
      %dma_start3A_19 = tpu.memref_slice %arg5[%arg0, %mul3A_2, %dma_start3A] : memref<2x10240x8xf32, #tpu.memory_space<hbm>> -> memref<1x640x8xf32, #tpu.memory_space<hbm>>
      %dma_start3A_20 = tpu.memref_squeeze %dma_start3A_19 : memref<1x640x8xf32, #tpu.memory_space<hbm>> -> memref<640x8xf32, #tpu.memory_space<hbm>>
      %dma_start3A_21 = arith.constant 0 : i32
      %dma_start3A_22 = tpu.memref_slice %arg9[%mul3A_2, %dma_start3A_21] : memref<10240x8xf32, #tpu.memory_space<vmem_shared>> -> memref<640x8xf32, #tpu.memory_space<vmem_shared>>
      tpu.enqueue_dma source(%dma_start3A_22 : memref<640x8xf32, #tpu.memory_space<vmem_shared>>) target(%dma_start3A_20 : memref<640x8xf32, #tpu.memory_space<hbm>>) target_semaphore(%run_scoped3A : memref<!tpu.dma_semaphore, #tpu.memory_space<semaphore_mem>>)
      %dma_wait3A = arith.constant 0 : i32
      %dma_wait3A_23 = tpu.memref_slice %arg5[%arg0, %mul3A_2, %dma_wait3A] : memref<2x10240x8xf32, #tpu.memory_space<hbm>> -> memref<1x640x8xf32, #tpu.memory_space<hbm>>
      %dma_wait3A_24 = tpu.memref_squeeze %dma_wait3A_23 : memref<1x640x8xf32, #tpu.memory_space<hbm>> -> memref<640x8xf32, #tpu.memory_space<hbm>>
      %dma_wait3A_25 = arith.constant 0 : i32
      %dma_wait3A_26 = tpu.memref_slice %arg9[%mul3A_2, %dma_wait3A_25] : memref<10240x8xf32, #tpu.memory_space<vmem_shared>> -> memref<640x8xf32, #tpu.memory_space<vmem_shared>>
      tpu.wait_dma2 semaphore(%run_scoped3A : memref<!tpu.dma_semaphore, #tpu.memory_space<semaphore_mem>>) src(%dma_wait3A_26 : memref<640x8xf32, #tpu.memory_space<vmem_shared>>) dst(%dma_wait3A_24 : memref<640x8xf32, #tpu.memory_space<hbm>>)
      tpu.yield
    }) : () -> ()
    return
  }
}

#map = affine_map<(d0, d1) -> (0, 0)>
#map1 = affine_map<(d0, d1) -> (0, 0, 0)>
module attributes {stable_mosaic.version = 14 : i64} {
  func.func @_sc_scatter(%arg0: i32, %arg1: i32, %arg2: memref<10240x128xf32, #tpu.memory_space<hbm>>, %arg3: memref<32x80x125xi32, #tpu.memory_space<hbm>>, %arg4: memref<32x80x125xi32, #tpu.memory_space<hbm>>, %arg5: memref<125x128xf32, #tpu.memory_space<hbm>>, %arg6: memref<2x10240x128xf32, #tpu.memory_space<hbm>>, %arg7: memref<40x125xi32, #tpu.memory_space<vmem>>, %arg8: memref<40x125xi32, #tpu.memory_space<vmem>>, %arg9: memref<125x128xf32, #tpu.memory_space<vmem>>, %arg10: memref<125x128xf32, #tpu.memory_space<vmem>>, %arg11: memref<!tpu.dma_semaphore, #tpu.memory_space<semaphore_mem>>, %arg12: memref<!tpu.dma_semaphore, #tpu.memory_space<semaphore_mem>>, %arg13: memref<10240x128xf32, #tpu.memory_space<vmem_shared>>) attributes {dimension_semantics = [#tpu.dimension_semantics<core_parallel>, #tpu.dimension_semantics<subcore_parallel>], iteration_bounds = array<i64: 2, 16>, scalar_prefetch = 0 : i64, scratch_operands = 7 : i64, tpu.core_type = #tpu.core_type<sc_vector_subcore>, window_params = [{transform_indices = #map}, {transform_indices = #map1}, {transform_indices = #map1}, {transform_indices = #map}, {transform_indices = #map1}]} {
    %mul3A = arith.constant 16 : i32
    %mul3A_0 = arith.muli %arg0, %mul3A : i32
    %add3A = arith.addi %mul3A_0, %arg1 : i32
    %mul3A_1 = arith.constant 640 : i32
    %mul3A_2 = arith.muli %arg1, %mul3A_1 : i32
    "tpu.region"() ({
      %run_scoped3A = tpu.sem_alloc : memref<!tpu.dma_semaphore, #tpu.memory_space<semaphore_mem>>
      tpu.enqueue_dma source(%arg5 : memref<125x128xf32, #tpu.memory_space<hbm>>) target(%arg9 : memref<125x128xf32, #tpu.memory_space<vmem>>) target_semaphore(%run_scoped3A : memref<!tpu.dma_semaphore, #tpu.memory_space<semaphore_mem>>)
      tpu.wait_dma2 semaphore(%run_scoped3A : memref<!tpu.dma_semaphore, #tpu.memory_space<semaphore_mem>>) src(%arg5 : memref<125x128xf32, #tpu.memory_space<hbm>>) dst(%arg9 : memref<125x128xf32, #tpu.memory_space<vmem>>)
      tpu.yield
    }) : () -> ()
    %add3A_3 = arith.constant 0 : i32
    %add3A_4 = arith.addi %mul3A_2, %add3A_3 : i32
    "tpu.region"() ({
      %run_scoped3A = tpu.sem_alloc : memref<!tpu.dma_semaphore, #tpu.memory_space<semaphore_mem>>
      %dma_start3A = arith.constant 0 : i32
      %dma_start3A_25 = arith.constant 0 : i32
      %dma_start3A_26 = tpu.memref_slice %arg9[%dma_start3A, %dma_start3A_25] : memref<125x128xf32, #tpu.memory_space<vmem>> -> memref<80x128xf32, #tpu.memory_space<vmem>>
      %dma_start3A_27 = arith.constant 0 : i32
      %dma_start3A_28 = tpu.memref_slice %arg13[%add3A_4, %dma_start3A_27] : memref<10240x128xf32, #tpu.memory_space<vmem_shared>> -> memref<80x128xf32, #tpu.memory_space<vmem_shared>>
      %dma_start3A_29 = arith.constant 0 : i32
      %dma_start3A_30 = tpu.memref_slice %arg13[%add3A_4, %dma_start3A_29] : memref<10240x128xf32, #tpu.memory_space<vmem_shared>> -> memref<80x128xf32, #tpu.memory_space<vmem_shared>>
      %dma_start3A_31 = arith.constant 0 : i32
      %dma_start3A_32 = arith.constant 0 : i32
      %dma_start3A_33 = tpu.memref_slice %arg9[%dma_start3A_31, %dma_start3A_32] : memref<125x128xf32, #tpu.memory_space<vmem>> -> memref<80x128xf32, #tpu.memory_space<vmem>>
      tpu.enqueue_dma source(%dma_start3A_33 : memref<80x128xf32, #tpu.memory_space<vmem>>) target(%dma_start3A_30 : memref<80x128xf32, #tpu.memory_space<vmem_shared>>) target_semaphore(%run_scoped3A : memref<!tpu.dma_semaphore, #tpu.memory_space<semaphore_mem>>)
      %dma_wait3A = arith.constant 0 : i32
      %dma_wait3A_34 = arith.constant 0 : i32
      %dma_wait3A_35 = tpu.memref_slice %arg9[%dma_wait3A, %dma_wait3A_34] : memref<125x128xf32, #tpu.memory_space<vmem>> -> memref<80x128xf32, #tpu.memory_space<vmem>>
      %dma_wait3A_36 = arith.constant 0 : i32
      %dma_wait3A_37 = tpu.memref_slice %arg13[%add3A_4, %dma_wait3A_36] : memref<10240x128xf32, #tpu.memory_space<vmem_shared>> -> memref<80x128xf32, #tpu.memory_space<vmem_shared>>
      %dma_wait3A_38 = arith.constant 0 : i32
      %dma_wait3A_39 = tpu.memref_slice %arg13[%add3A_4, %dma_wait3A_38] : memref<10240x128xf32, #tpu.memory_space<vmem_shared>> -> memref<80x128xf32, #tpu.memory_space<vmem_shared>>
      %dma_wait3A_40 = arith.constant 0 : i32
      %dma_wait3A_41 = arith.constant 0 : i32
      %dma_wait3A_42 = tpu.memref_slice %arg9[%dma_wait3A_40, %dma_wait3A_41] : memref<125x128xf32, #tpu.memory_space<vmem>> -> memref<80x128xf32, #tpu.memory_space<vmem>>
      tpu.wait_dma2 semaphore(%run_scoped3A : memref<!tpu.dma_semaphore, #tpu.memory_space<semaphore_mem>>) src(%dma_wait3A_42 : memref<80x128xf32, #tpu.memory_space<vmem>>) dst(%dma_wait3A_39 : memref<80x128xf32, #tpu.memory_space<vmem_shared>>)
      tpu.yield
    }) : () -> ()
    %add3A_5 = arith.constant 80 : i32
    %add3A_6 = arith.addi %mul3A_2, %add3A_5 : i32
    "tpu.region"() ({
      %run_scoped3A = tpu.sem_alloc : memref<!tpu.dma_semaphore, #tpu.memory_space<semaphore_mem>>
      %dma_start3A = arith.constant 0 : i32
      %dma_start3A_25 = arith.constant 0 : i32
      %dma_start3A_26 = tpu.memref_slice %arg9[%dma_start3A, %dma_start3A_25] : memref<125x128xf32, #tpu.memory_space<vmem>> -> memref<80x128xf32, #tpu.memory_space<vmem>>
      %dma_start3A_27 = arith.constant 0 : i32
      %dma_start3A_28 = tpu.memref_slice %arg13[%add3A_6, %dma_start3A_27] : memref<10240x128xf32, #tpu.memory_space<vmem_shared>> -> memref<80x128xf32, #tpu.memory_space<vmem_shared>>
      %dma_start3A_29 = arith.constant 0 : i32
      %dma_start3A_30 = tpu.memref_slice %arg13[%add3A_6, %dma_start3A_29] : memref<10240x128xf32, #tpu.memory_space<vmem_shared>> -> memref<80x128xf32, #tpu.memory_space<vmem_shared>>
      %dma_start3A_31 = arith.constant 0 : i32
      %dma_start3A_32 = arith.constant 0 : i32
      %dma_start3A_33 = tpu.memref_slice %arg9[%dma_start3A_31, %dma_start3A_32] : memref<125x128xf32, #tpu.memory_space<vmem>> -> memref<80x128xf32, #tpu.memory_space<vmem>>
      tpu.enqueue_dma source(%dma_start3A_33 : memref<80x128xf32, #tpu.memory_space<vmem>>) target(%dma_start3A_30 : memref<80x128xf32, #tpu.memory_space<vmem_shared>>) target_semaphore(%run_scoped3A : memref<!tpu.dma_semaphore, #tpu.memory_space<semaphore_mem>>)
      %dma_wait3A = arith.constant 0 : i32
      %dma_wait3A_34 = arith.constant 0 : i32
      %dma_wait3A_35 = tpu.memref_slice %arg9[%dma_wait3A, %dma_wait3A_34] : memref<125x128xf32, #tpu.memory_space<vmem>> -> memref<80x128xf32, #tpu.memory_space<vmem>>
      %dma_wait3A_36 = arith.constant 0 : i32
      %dma_wait3A_37 = tpu.memref_slice %arg13[%add3A_6, %dma_wait3A_36] : memref<10240x128xf32, #tpu.memory_space<vmem_shared>> -> memref<80x128xf32, #tpu.memory_space<vmem_shared>>
      %dma_wait3A_38 = arith.constant 0 : i32
      %dma_wait3A_39 = tpu.memref_slice %arg13[%add3A_6, %dma_wait3A_38] : memref<10240x128xf32, #tpu.memory_space<vmem_shared>> -> memref<80x128xf32, #tpu.memory_space<vmem_shared>>
      %dma_wait3A_40 = arith.constant 0 : i32
      %dma_wait3A_41 = arith.constant 0 : i32
      %dma_wait3A_42 = tpu.memref_slice %arg9[%dma_wait3A_40, %dma_wait3A_41] : memref<125x128xf32, #tpu.memory_space<vmem>> -> memref<80x128xf32, #tpu.memory_space<vmem>>
      tpu.wait_dma2 semaphore(%run_scoped3A : memref<!tpu.dma_semaphore, #tpu.memory_space<semaphore_mem>>) src(%dma_wait3A_42 : memref<80x128xf32, #tpu.memory_space<vmem>>) dst(%dma_wait3A_39 : memref<80x128xf32, #tpu.memory_space<vmem_shared>>)
      tpu.yield
    }) : () -> ()
    %add3A_7 = arith.constant 160 : i32
    %add3A_8 = arith.addi %mul3A_2, %add3A_7 : i32
    "tpu.region"() ({
      %run_scoped3A = tpu.sem_alloc : memref<!tpu.dma_semaphore, #tpu.memory_space<semaphore_mem>>
      %dma_start3A = arith.constant 0 : i32
      %dma_start3A_25 = arith.constant 0 : i32
      %dma_start3A_26 = tpu.memref_slice %arg9[%dma_start3A, %dma_start3A_25] : memref<125x128xf32, #tpu.memory_space<vmem>> -> memref<80x128xf32, #tpu.memory_space<vmem>>
      %dma_start3A_27 = arith.constant 0 : i32
      %dma_start3A_28 = tpu.memref_slice %arg13[%add3A_8, %dma_start3A_27] : memref<10240x128xf32, #tpu.memory_space<vmem_shared>> -> memref<80x128xf32, #tpu.memory_space<vmem_shared>>
      %dma_start3A_29 = arith.constant 0 : i32
      %dma_start3A_30 = tpu.memref_slice %arg13[%add3A_8, %dma_start3A_29] : memref<10240x128xf32, #tpu.memory_space<vmem_shared>> -> memref<80x128xf32, #tpu.memory_space<vmem_shared>>
      %dma_start3A_31 = arith.constant 0 : i32
      %dma_start3A_32 = arith.constant 0 : i32
      %dma_start3A_33 = tpu.memref_slice %arg9[%dma_start3A_31, %dma_start3A_32] : memref<125x128xf32, #tpu.memory_space<vmem>> -> memref<80x128xf32, #tpu.memory_space<vmem>>
      tpu.enqueue_dma source(%dma_start3A_33 : memref<80x128xf32, #tpu.memory_space<vmem>>) target(%dma_start3A_30 : memref<80x128xf32, #tpu.memory_space<vmem_shared>>) target_semaphore(%run_scoped3A : memref<!tpu.dma_semaphore, #tpu.memory_space<semaphore_mem>>)
      %dma_wait3A = arith.constant 0 : i32
      %dma_wait3A_34 = arith.constant 0 : i32
      %dma_wait3A_35 = tpu.memref_slice %arg9[%dma_wait3A, %dma_wait3A_34] : memref<125x128xf32, #tpu.memory_space<vmem>> -> memref<80x128xf32, #tpu.memory_space<vmem>>
      %dma_wait3A_36 = arith.constant 0 : i32
      %dma_wait3A_37 = tpu.memref_slice %arg13[%add3A_8, %dma_wait3A_36] : memref<10240x128xf32, #tpu.memory_space<vmem_shared>> -> memref<80x128xf32, #tpu.memory_space<vmem_shared>>
      %dma_wait3A_38 = arith.constant 0 : i32
      %dma_wait3A_39 = tpu.memref_slice %arg13[%add3A_8, %dma_wait3A_38] : memref<10240x128xf32, #tpu.memory_space<vmem_shared>> -> memref<80x128xf32, #tpu.memory_space<vmem_shared>>
      %dma_wait3A_40 = arith.constant 0 : i32
      %dma_wait3A_41 = arith.constant 0 : i32
      %dma_wait3A_42 = tpu.memref_slice %arg9[%dma_wait3A_40, %dma_wait3A_41] : memref<125x128xf32, #tpu.memory_space<vmem>> -> memref<80x128xf32, #tpu.memory_space<vmem>>
      tpu.wait_dma2 semaphore(%run_scoped3A : memref<!tpu.dma_semaphore, #tpu.memory_space<semaphore_mem>>) src(%dma_wait3A_42 : memref<80x128xf32, #tpu.memory_space<vmem>>) dst(%dma_wait3A_39 : memref<80x128xf32, #tpu.memory_space<vmem_shared>>)
      tpu.yield
    }) : () -> ()
    %add3A_9 = arith.constant 240 : i32
    %add3A_10 = arith.addi %mul3A_2, %add3A_9 : i32
    "tpu.region"() ({
      %run_scoped3A = tpu.sem_alloc : memref<!tpu.dma_semaphore, #tpu.memory_space<semaphore_mem>>
      %dma_start3A = arith.constant 0 : i32
      %dma_start3A_25 = arith.constant 0 : i32
      %dma_start3A_26 = tpu.memref_slice %arg9[%dma_start3A, %dma_start3A_25] : memref<125x128xf32, #tpu.memory_space<vmem>> -> memref<80x128xf32, #tpu.memory_space<vmem>>
      %dma_start3A_27 = arith.constant 0 : i32
      %dma_start3A_28 = tpu.memref_slice %arg13[%add3A_10, %dma_start3A_27] : memref<10240x128xf32, #tpu.memory_space<vmem_shared>> -> memref<80x128xf32, #tpu.memory_space<vmem_shared>>
      %dma_start3A_29 = arith.constant 0 : i32
      %dma_start3A_30 = tpu.memref_slice %arg13[%add3A_10, %dma_start3A_29] : memref<10240x128xf32, #tpu.memory_space<vmem_shared>> -> memref<80x128xf32, #tpu.memory_space<vmem_shared>>
      %dma_start3A_31 = arith.constant 0 : i32
      %dma_start3A_32 = arith.constant 0 : i32
      %dma_start3A_33 = tpu.memref_slice %arg9[%dma_start3A_31, %dma_start3A_32] : memref<125x128xf32, #tpu.memory_space<vmem>> -> memref<80x128xf32, #tpu.memory_space<vmem>>
      tpu.enqueue_dma source(%dma_start3A_33 : memref<80x128xf32, #tpu.memory_space<vmem>>) target(%dma_start3A_30 : memref<80x128xf32, #tpu.memory_space<vmem_shared>>) target_semaphore(%run_scoped3A : memref<!tpu.dma_semaphore, #tpu.memory_space<semaphore_mem>>)
      %dma_wait3A = arith.constant 0 : i32
      %dma_wait3A_34 = arith.constant 0 : i32
      %dma_wait3A_35 = tpu.memref_slice %arg9[%dma_wait3A, %dma_wait3A_34] : memref<125x128xf32, #tpu.memory_space<vmem>> -> memref<80x128xf32, #tpu.memory_space<vmem>>
      %dma_wait3A_36 = arith.constant 0 : i32
      %dma_wait3A_37 = tpu.memref_slice %arg13[%add3A_10, %dma_wait3A_36] : memref<10240x128xf32, #tpu.memory_space<vmem_shared>> -> memref<80x128xf32, #tpu.memory_space<vmem_shared>>
      %dma_wait3A_38 = arith.constant 0 : i32
      %dma_wait3A_39 = tpu.memref_slice %arg13[%add3A_10, %dma_wait3A_38] : memref<10240x128xf32, #tpu.memory_space<vmem_shared>> -> memref<80x128xf32, #tpu.memory_space<vmem_shared>>
      %dma_wait3A_40 = arith.constant 0 : i32
      %dma_wait3A_41 = arith.constant 0 : i32
      %dma_wait3A_42 = tpu.memref_slice %arg9[%dma_wait3A_40, %dma_wait3A_41] : memref<125x128xf32, #tpu.memory_space<vmem>> -> memref<80x128xf32, #tpu.memory_space<vmem>>
      tpu.wait_dma2 semaphore(%run_scoped3A : memref<!tpu.dma_semaphore, #tpu.memory_space<semaphore_mem>>) src(%dma_wait3A_42 : memref<80x128xf32, #tpu.memory_space<vmem>>) dst(%dma_wait3A_39 : memref<80x128xf32, #tpu.memory_space<vmem_shared>>)
      tpu.yield
    }) : () -> ()
    %add3A_11 = arith.constant 320 : i32
    %add3A_12 = arith.addi %mul3A_2, %add3A_11 : i32
    "tpu.region"() ({
      %run_scoped3A = tpu.sem_alloc : memref<!tpu.dma_semaphore, #tpu.memory_space<semaphore_mem>>
      %dma_start3A = arith.constant 0 : i32
      %dma_start3A_25 = arith.constant 0 : i32
      %dma_start3A_26 = tpu.memref_slice %arg9[%dma_start3A, %dma_start3A_25] : memref<125x128xf32, #tpu.memory_space<vmem>> -> memref<80x128xf32, #tpu.memory_space<vmem>>
      %dma_start3A_27 = arith.constant 0 : i32
      %dma_start3A_28 = tpu.memref_slice %arg13[%add3A_12, %dma_start3A_27] : memref<10240x128xf32, #tpu.memory_space<vmem_shared>> -> memref<80x128xf32, #tpu.memory_space<vmem_shared>>
      %dma_start3A_29 = arith.constant 0 : i32
      %dma_start3A_30 = tpu.memref_slice %arg13[%add3A_12, %dma_start3A_29] : memref<10240x128xf32, #tpu.memory_space<vmem_shared>> -> memref<80x128xf32, #tpu.memory_space<vmem_shared>>
      %dma_start3A_31 = arith.constant 0 : i32
      %dma_start3A_32 = arith.constant 0 : i32
      %dma_start3A_33 = tpu.memref_slice %arg9[%dma_start3A_31, %dma_start3A_32] : memref<125x128xf32, #tpu.memory_space<vmem>> -> memref<80x128xf32, #tpu.memory_space<vmem>>
      tpu.enqueue_dma source(%dma_start3A_33 : memref<80x128xf32, #tpu.memory_space<vmem>>) target(%dma_start3A_30 : memref<80x128xf32, #tpu.memory_space<vmem_shared>>) target_semaphore(%run_scoped3A : memref<!tpu.dma_semaphore, #tpu.memory_space<semaphore_mem>>)
      %dma_wait3A = arith.constant 0 : i32
      %dma_wait3A_34 = arith.constant 0 : i32
      %dma_wait3A_35 = tpu.memref_slice %arg9[%dma_wait3A, %dma_wait3A_34] : memref<125x128xf32, #tpu.memory_space<vmem>> -> memref<80x128xf32, #tpu.memory_space<vmem>>
      %dma_wait3A_36 = arith.constant 0 : i32
      %dma_wait3A_37 = tpu.memref_slice %arg13[%add3A_12, %dma_wait3A_36] : memref<10240x128xf32, #tpu.memory_space<vmem_shared>> -> memref<80x128xf32, #tpu.memory_space<vmem_shared>>
      %dma_wait3A_38 = arith.constant 0 : i32
      %dma_wait3A_39 = tpu.memref_slice %arg13[%add3A_12, %dma_wait3A_38] : memref<10240x128xf32, #tpu.memory_space<vmem_shared>> -> memref<80x128xf32, #tpu.memory_space<vmem_shared>>
      %dma_wait3A_40 = arith.constant 0 : i32
      %dma_wait3A_41 = arith.constant 0 : i32
      %dma_wait3A_42 = tpu.memref_slice %arg9[%dma_wait3A_40, %dma_wait3A_41] : memref<125x128xf32, #tpu.memory_space<vmem>> -> memref<80x128xf32, #tpu.memory_space<vmem>>
      tpu.wait_dma2 semaphore(%run_scoped3A : memref<!tpu.dma_semaphore, #tpu.memory_space<semaphore_mem>>) src(%dma_wait3A_42 : memref<80x128xf32, #tpu.memory_space<vmem>>) dst(%dma_wait3A_39 : memref<80x128xf32, #tpu.memory_space<vmem_shared>>)
      tpu.yield
    }) : () -> ()
    %add3A_13 = arith.constant 400 : i32
    %add3A_14 = arith.addi %mul3A_2, %add3A_13 : i32
    "tpu.region"() ({
      %run_scoped3A = tpu.sem_alloc : memref<!tpu.dma_semaphore, #tpu.memory_space<semaphore_mem>>
      %dma_start3A = arith.constant 0 : i32
      %dma_start3A_25 = arith.constant 0 : i32
      %dma_start3A_26 = tpu.memref_slice %arg9[%dma_start3A, %dma_start3A_25] : memref<125x128xf32, #tpu.memory_space<vmem>> -> memref<80x128xf32, #tpu.memory_space<vmem>>
      %dma_start3A_27 = arith.constant 0 : i32
      %dma_start3A_28 = tpu.memref_slice %arg13[%add3A_14, %dma_start3A_27] : memref<10240x128xf32, #tpu.memory_space<vmem_shared>> -> memref<80x128xf32, #tpu.memory_space<vmem_shared>>
      %dma_start3A_29 = arith.constant 0 : i32
      %dma_start3A_30 = tpu.memref_slice %arg13[%add3A_14, %dma_start3A_29] : memref<10240x128xf32, #tpu.memory_space<vmem_shared>> -> memref<80x128xf32, #tpu.memory_space<vmem_shared>>
      %dma_start3A_31 = arith.constant 0 : i32
      %dma_start3A_32 = arith.constant 0 : i32
      %dma_start3A_33 = tpu.memref_slice %arg9[%dma_start3A_31, %dma_start3A_32] : memref<125x128xf32, #tpu.memory_space<vmem>> -> memref<80x128xf32, #tpu.memory_space<vmem>>
      tpu.enqueue_dma source(%dma_start3A_33 : memref<80x128xf32, #tpu.memory_space<vmem>>) target(%dma_start3A_30 : memref<80x128xf32, #tpu.memory_space<vmem_shared>>) target_semaphore(%run_scoped3A : memref<!tpu.dma_semaphore, #tpu.memory_space<semaphore_mem>>)
      %dma_wait3A = arith.constant 0 : i32
      %dma_wait3A_34 = arith.constant 0 : i32
      %dma_wait3A_35 = tpu.memref_slice %arg9[%dma_wait3A, %dma_wait3A_34] : memref<125x128xf32, #tpu.memory_space<vmem>> -> memref<80x128xf32, #tpu.memory_space<vmem>>
      %dma_wait3A_36 = arith.constant 0 : i32
      %dma_wait3A_37 = tpu.memref_slice %arg13[%add3A_14, %dma_wait3A_36] : memref<10240x128xf32, #tpu.memory_space<vmem_shared>> -> memref<80x128xf32, #tpu.memory_space<vmem_shared>>
      %dma_wait3A_38 = arith.constant 0 : i32
      %dma_wait3A_39 = tpu.memref_slice %arg13[%add3A_14, %dma_wait3A_38] : memref<10240x128xf32, #tpu.memory_space<vmem_shared>> -> memref<80x128xf32, #tpu.memory_space<vmem_shared>>
      %dma_wait3A_40 = arith.constant 0 : i32
      %dma_wait3A_41 = arith.constant 0 : i32
      %dma_wait3A_42 = tpu.memref_slice %arg9[%dma_wait3A_40, %dma_wait3A_41] : memref<125x128xf32, #tpu.memory_space<vmem>> -> memref<80x128xf32, #tpu.memory_space<vmem>>
      tpu.wait_dma2 semaphore(%run_scoped3A : memref<!tpu.dma_semaphore, #tpu.memory_space<semaphore_mem>>) src(%dma_wait3A_42 : memref<80x128xf32, #tpu.memory_space<vmem>>) dst(%dma_wait3A_39 : memref<80x128xf32, #tpu.memory_space<vmem_shared>>)
      tpu.yield
    }) : () -> ()
    %add3A_15 = arith.constant 480 : i32
    %add3A_16 = arith.addi %mul3A_2, %add3A_15 : i32
    "tpu.region"() ({
      %run_scoped3A = tpu.sem_alloc : memref<!tpu.dma_semaphore, #tpu.memory_space<semaphore_mem>>
      %dma_start3A = arith.constant 0 : i32
      %dma_start3A_25 = arith.constant 0 : i32
      %dma_start3A_26 = tpu.memref_slice %arg9[%dma_start3A, %dma_start3A_25] : memref<125x128xf32, #tpu.memory_space<vmem>> -> memref<80x128xf32, #tpu.memory_space<vmem>>
      %dma_start3A_27 = arith.constant 0 : i32
      %dma_start3A_28 = tpu.memref_slice %arg13[%add3A_16, %dma_start3A_27] : memref<10240x128xf32, #tpu.memory_space<vmem_shared>> -> memref<80x128xf32, #tpu.memory_space<vmem_shared>>
      %dma_start3A_29 = arith.constant 0 : i32
      %dma_start3A_30 = tpu.memref_slice %arg13[%add3A_16, %dma_start3A_29] : memref<10240x128xf32, #tpu.memory_space<vmem_shared>> -> memref<80x128xf32, #tpu.memory_space<vmem_shared>>
      %dma_start3A_31 = arith.constant 0 : i32
      %dma_start3A_32 = arith.constant 0 : i32
      %dma_start3A_33 = tpu.memref_slice %arg9[%dma_start3A_31, %dma_start3A_32] : memref<125x128xf32, #tpu.memory_space<vmem>> -> memref<80x128xf32, #tpu.memory_space<vmem>>
      tpu.enqueue_dma source(%dma_start3A_33 : memref<80x128xf32, #tpu.memory_space<vmem>>) target(%dma_start3A_30 : memref<80x128xf32, #tpu.memory_space<vmem_shared>>) target_semaphore(%run_scoped3A : memref<!tpu.dma_semaphore, #tpu.memory_space<semaphore_mem>>)
      %dma_wait3A = arith.constant 0 : i32
      %dma_wait3A_34 = arith.constant 0 : i32
      %dma_wait3A_35 = tpu.memref_slice %arg9[%dma_wait3A, %dma_wait3A_34] : memref<125x128xf32, #tpu.memory_space<vmem>> -> memref<80x128xf32, #tpu.memory_space<vmem>>
      %dma_wait3A_36 = arith.constant 0 : i32
      %dma_wait3A_37 = tpu.memref_slice %arg13[%add3A_16, %dma_wait3A_36] : memref<10240x128xf32, #tpu.memory_space<vmem_shared>> -> memref<80x128xf32, #tpu.memory_space<vmem_shared>>
      %dma_wait3A_38 = arith.constant 0 : i32
      %dma_wait3A_39 = tpu.memref_slice %arg13[%add3A_16, %dma_wait3A_38] : memref<10240x128xf32, #tpu.memory_space<vmem_shared>> -> memref<80x128xf32, #tpu.memory_space<vmem_shared>>
      %dma_wait3A_40 = arith.constant 0 : i32
      %dma_wait3A_41 = arith.constant 0 : i32
      %dma_wait3A_42 = tpu.memref_slice %arg9[%dma_wait3A_40, %dma_wait3A_41] : memref<125x128xf32, #tpu.memory_space<vmem>> -> memref<80x128xf32, #tpu.memory_space<vmem>>
      tpu.wait_dma2 semaphore(%run_scoped3A : memref<!tpu.dma_semaphore, #tpu.memory_space<semaphore_mem>>) src(%dma_wait3A_42 : memref<80x128xf32, #tpu.memory_space<vmem>>) dst(%dma_wait3A_39 : memref<80x128xf32, #tpu.memory_space<vmem_shared>>)
      tpu.yield
    }) : () -> ()
    %add3A_17 = arith.constant 560 : i32
    %add3A_18 = arith.addi %mul3A_2, %add3A_17 : i32
    "tpu.region"() ({
      %run_scoped3A = tpu.sem_alloc : memref<!tpu.dma_semaphore, #tpu.memory_space<semaphore_mem>>
      %dma_start3A = arith.constant 0 : i32
      %dma_start3A_25 = arith.constant 0 : i32
      %dma_start3A_26 = tpu.memref_slice %arg9[%dma_start3A, %dma_start3A_25] : memref<125x128xf32, #tpu.memory_space<vmem>> -> memref<80x128xf32, #tpu.memory_space<vmem>>
      %dma_start3A_27 = arith.constant 0 : i32
      %dma_start3A_28 = tpu.memref_slice %arg13[%add3A_18, %dma_start3A_27] : memref<10240x128xf32, #tpu.memory_space<vmem_shared>> -> memref<80x128xf32, #tpu.memory_space<vmem_shared>>
      %dma_start3A_29 = arith.constant 0 : i32
      %dma_start3A_30 = tpu.memref_slice %arg13[%add3A_18, %dma_start3A_29] : memref<10240x128xf32, #tpu.memory_space<vmem_shared>> -> memref<80x128xf32, #tpu.memory_space<vmem_shared>>
      %dma_start3A_31 = arith.constant 0 : i32
      %dma_start3A_32 = arith.constant 0 : i32
      %dma_start3A_33 = tpu.memref_slice %arg9[%dma_start3A_31, %dma_start3A_32] : memref<125x128xf32, #tpu.memory_space<vmem>> -> memref<80x128xf32, #tpu.memory_space<vmem>>
      tpu.enqueue_dma source(%dma_start3A_33 : memref<80x128xf32, #tpu.memory_space<vmem>>) target(%dma_start3A_30 : memref<80x128xf32, #tpu.memory_space<vmem_shared>>) target_semaphore(%run_scoped3A : memref<!tpu.dma_semaphore, #tpu.memory_space<semaphore_mem>>)
      %dma_wait3A = arith.constant 0 : i32
      %dma_wait3A_34 = arith.constant 0 : i32
      %dma_wait3A_35 = tpu.memref_slice %arg9[%dma_wait3A, %dma_wait3A_34] : memref<125x128xf32, #tpu.memory_space<vmem>> -> memref<80x128xf32, #tpu.memory_space<vmem>>
      %dma_wait3A_36 = arith.constant 0 : i32
      %dma_wait3A_37 = tpu.memref_slice %arg13[%add3A_18, %dma_wait3A_36] : memref<10240x128xf32, #tpu.memory_space<vmem_shared>> -> memref<80x128xf32, #tpu.memory_space<vmem_shared>>
      %dma_wait3A_38 = arith.constant 0 : i32
      %dma_wait3A_39 = tpu.memref_slice %arg13[%add3A_18, %dma_wait3A_38] : memref<10240x128xf32, #tpu.memory_space<vmem_shared>> -> memref<80x128xf32, #tpu.memory_space<vmem_shared>>
      %dma_wait3A_40 = arith.constant 0 : i32
      %dma_wait3A_41 = arith.constant 0 : i32
      %dma_wait3A_42 = tpu.memref_slice %arg9[%dma_wait3A_40, %dma_wait3A_41] : memref<125x128xf32, #tpu.memory_space<vmem>> -> memref<80x128xf32, #tpu.memory_space<vmem>>
      tpu.wait_dma2 semaphore(%run_scoped3A : memref<!tpu.dma_semaphore, #tpu.memory_space<semaphore_mem>>) src(%dma_wait3A_42 : memref<80x128xf32, #tpu.memory_space<vmem>>) dst(%dma_wait3A_39 : memref<80x128xf32, #tpu.memory_space<vmem_shared>>)
      tpu.yield
    }) : () -> ()
    %barrier3A = arith.constant 0 : index
    tpu.barrier barrier_id(%barrier3A)
    %scan3A = arith.constant 0 : i32
    %scan3A_19 = arith.constant 0 : i32
    %scan3A_20 = arith.constant 2 : i32
    %scan3A_21 = arith.addi %scan3A_19, %scan3A_20 : i32
    %scan3A_22 = arith.constant 1 : i32
    scf.for %scan3A_25 = %scan3A_19 to %scan3A_21 step %scan3A_22  : i32 {
      %mul3A_26 = arith.constant 40 : i32
      %mul3A_27 = arith.muli %scan3A_25, %mul3A_26 : i32
      "tpu.region"() ({
        %run_scoped3A = tpu.sem_alloc : memref<!tpu.dma_semaphore, #tpu.memory_space<semaphore_mem>>
        %dma_start3A = arith.constant 0 : i32
        %dma_start3A_36 = tpu.memref_slice %arg3[%add3A, %mul3A_27, %dma_start3A] : memref<32x80x125xi32, #tpu.memory_space<hbm>> -> memref<1x40x125xi32, #tpu.memory_space<hbm>>
        %dma_start3A_37 = tpu.memref_squeeze %dma_start3A_36 : memref<1x40x125xi32, #tpu.memory_space<hbm>> -> memref<40x125xi32, #tpu.memory_space<hbm>>
        %dma_start3A_38 = arith.constant 0 : i32
        %dma_start3A_39 = tpu.memref_slice %arg3[%add3A, %mul3A_27, %dma_start3A_38] : memref<32x80x125xi32, #tpu.memory_space<hbm>> -> memref<1x40x125xi32, #tpu.memory_space<hbm>>
        %dma_start3A_40 = tpu.memref_squeeze %dma_start3A_39 : memref<1x40x125xi32, #tpu.memory_space<hbm>> -> memref<40x125xi32, #tpu.memory_space<hbm>>
        tpu.enqueue_dma source(%dma_start3A_40 : memref<40x125xi32, #tpu.memory_space<hbm>>) target(%arg7 : memref<40x125xi32, #tpu.memory_space<vmem>>) target_semaphore(%run_scoped3A : memref<!tpu.dma_semaphore, #tpu.memory_space<semaphore_mem>>)
        %dma_wait3A = arith.constant 0 : i32
        %dma_wait3A_41 = tpu.memref_slice %arg3[%add3A, %mul3A_27, %dma_wait3A] : memref<32x80x125xi32, #tpu.memory_space<hbm>> -> memref<1x40x125xi32, #tpu.memory_space<hbm>>
        %dma_wait3A_42 = tpu.memref_squeeze %dma_wait3A_41 : memref<1x40x125xi32, #tpu.memory_space<hbm>> -> memref<40x125xi32, #tpu.memory_space<hbm>>
        %dma_wait3A_43 = arith.constant 0 : i32
        %dma_wait3A_44 = tpu.memref_slice %arg3[%add3A, %mul3A_27, %dma_wait3A_43] : memref<32x80x125xi32, #tpu.memory_space<hbm>> -> memref<1x40x125xi32, #tpu.memory_space<hbm>>
        %dma_wait3A_45 = tpu.memref_squeeze %dma_wait3A_44 : memref<1x40x125xi32, #tpu.memory_space<hbm>> -> memref<40x125xi32, #tpu.memory_space<hbm>>
        tpu.wait_dma2 semaphore(%run_scoped3A : memref<!tpu.dma_semaphore, #tpu.memory_space<semaphore_mem>>) src(%dma_wait3A_45 : memref<40x125xi32, #tpu.memory_space<hbm>>) dst(%arg7 : memref<40x125xi32, #tpu.memory_space<vmem>>)
        tpu.yield
      }) : () -> ()
      %mul3A_28 = arith.constant 40 : i32
      %mul3A_29 = arith.muli %scan3A_25, %mul3A_28 : i32
      "tpu.region"() ({
        %run_scoped3A = tpu.sem_alloc : memref<!tpu.dma_semaphore, #tpu.memory_space<semaphore_mem>>
        %dma_start3A = arith.constant 0 : i32
        %dma_start3A_36 = tpu.memref_slice %arg4[%add3A, %mul3A_29, %dma_start3A] : memref<32x80x125xi32, #tpu.memory_space<hbm>> -> memref<1x40x125xi32, #tpu.memory_space<hbm>>
        %dma_start3A_37 = tpu.memref_squeeze %dma_start3A_36 : memref<1x40x125xi32, #tpu.memory_space<hbm>> -> memref<40x125xi32, #tpu.memory_space<hbm>>
        %dma_start3A_38 = arith.constant 0 : i32
        %dma_start3A_39 = tpu.memref_slice %arg4[%add3A, %mul3A_29, %dma_start3A_38] : memref<32x80x125xi32, #tpu.memory_space<hbm>> -> memref<1x40x125xi32, #tpu.memory_space<hbm>>
        %dma_start3A_40 = tpu.memref_squeeze %dma_start3A_39 : memref<1x40x125xi32, #tpu.memory_space<hbm>> -> memref<40x125xi32, #tpu.memory_space<hbm>>
        tpu.enqueue_dma source(%dma_start3A_40 : memref<40x125xi32, #tpu.memory_space<hbm>>) target(%arg8 : memref<40x125xi32, #tpu.memory_space<vmem>>) target_semaphore(%run_scoped3A : memref<!tpu.dma_semaphore, #tpu.memory_space<semaphore_mem>>)
        %dma_wait3A = arith.constant 0 : i32
        %dma_wait3A_41 = tpu.memref_slice %arg4[%add3A, %mul3A_29, %dma_wait3A] : memref<32x80x125xi32, #tpu.memory_space<hbm>> -> memref<1x40x125xi32, #tpu.memory_space<hbm>>
        %dma_wait3A_42 = tpu.memref_squeeze %dma_wait3A_41 : memref<1x40x125xi32, #tpu.memory_space<hbm>> -> memref<40x125xi32, #tpu.memory_space<hbm>>
        %dma_wait3A_43 = arith.constant 0 : i32
        %dma_wait3A_44 = tpu.memref_slice %arg4[%add3A, %mul3A_29, %dma_wait3A_43] : memref<32x80x125xi32, #tpu.memory_space<hbm>> -> memref<1x40x125xi32, #tpu.memory_space<hbm>>
        %dma_wait3A_45 = tpu.memref_squeeze %dma_wait3A_44 : memref<1x40x125xi32, #tpu.memory_space<hbm>> -> memref<40x125xi32, #tpu.memory_space<hbm>>
        tpu.wait_dma2 semaphore(%run_scoped3A : memref<!tpu.dma_semaphore, #tpu.memory_space<semaphore_mem>>) src(%dma_wait3A_45 : memref<40x125xi32, #tpu.memory_space<hbm>>) dst(%arg8 : memref<40x125xi32, #tpu.memory_space<vmem>>)
        tpu.yield
      }) : () -> ()
      %scan3A_30 = arith.constant 0 : i32
      %scan3A_31 = arith.constant 0 : i32
      %scan3A_32 = arith.constant 20 : i32
      %scan3A_33 = arith.addi %scan3A_31, %scan3A_32 : i32
      %scan3A_34 = arith.constant 1 : i32
      scf.for %scan3A_36 = %scan3A_31 to %scan3A_33 step %scan3A_34  : i32 {
        %mul3A_37 = arith.constant 2 : i32
        %mul3A_38 = arith.muli %mul3A_37, %scan3A_36 : i32
        %add3A_39 = arith.constant 1 : i32
        %add3A_40 = arith.addi %mul3A_38, %add3A_39 : i32
        %dma_start3A = arith.constant 0 : i32
        %dma_start3A_41 = tpu.memref_slice %arg7[%mul3A_38, %dma_start3A] : memref<40x125xi32, #tpu.memory_space<vmem>> -> memref<1x125xi32, #tpu.memory_space<vmem>>
        %dma_start3A_42 = tpu.memref_squeeze %dma_start3A_41 : memref<1x125xi32, #tpu.memory_space<vmem>> -> memref<125xi32, #tpu.memory_space<vmem>>
        %dma_start3A_43 = arith.constant 0 : i32
        %dma_start3A_44 = arith.constant 0 : i32
        %dma_start3A_45 = tpu.memref_slice %arg2[%dma_start3A_43, %dma_start3A_44] : memref<10240x128xf32, #tpu.memory_space<hbm>> -> memref<10240x128xf32, #tpu.memory_space<hbm>>
        tpu.enqueue_indirect_dma source(%dma_start3A_45 : memref<10240x128xf32, #tpu.memory_space<hbm>>) target(%arg9 : memref<125x128xf32, #tpu.memory_space<vmem>>) offsets(%dma_start3A_42 : memref<125xi32, #tpu.memory_space<vmem>>) semaphore(%arg11 : memref<!tpu.dma_semaphore, #tpu.memory_space<semaphore_mem>>)
        %dma_start3A_46 = arith.constant 0 : i32
        %dma_start3A_47 = tpu.memref_slice %arg7[%add3A_40, %dma_start3A_46] : memref<40x125xi32, #tpu.memory_space<vmem>> -> memref<1x125xi32, #tpu.memory_space<vmem>>
        %dma_start3A_48 = tpu.memref_squeeze %dma_start3A_47 : memref<1x125xi32, #tpu.memory_space<vmem>> -> memref<125xi32, #tpu.memory_space<vmem>>
        %dma_start3A_49 = arith.constant 0 : i32
        %dma_start3A_50 = arith.constant 0 : i32
        %dma_start3A_51 = tpu.memref_slice %arg2[%dma_start3A_49, %dma_start3A_50] : memref<10240x128xf32, #tpu.memory_space<hbm>> -> memref<10240x128xf32, #tpu.memory_space<hbm>>
        tpu.enqueue_indirect_dma source(%dma_start3A_51 : memref<10240x128xf32, #tpu.memory_space<hbm>>) target(%arg10 : memref<125x128xf32, #tpu.memory_space<vmem>>) offsets(%dma_start3A_48 : memref<125xi32, #tpu.memory_space<vmem>>) semaphore(%arg12 : memref<!tpu.dma_semaphore, #tpu.memory_space<semaphore_mem>>)
        %dma_wait3A = arith.constant 0 : i32
        %dma_wait3A_52 = tpu.memref_slice %arg7[%mul3A_38, %dma_wait3A] : memref<40x125xi32, #tpu.memory_space<vmem>> -> memref<1x125xi32, #tpu.memory_space<vmem>>
        %dma_wait3A_53 = tpu.memref_squeeze %dma_wait3A_52 : memref<1x125xi32, #tpu.memory_space<vmem>> -> memref<125xi32, #tpu.memory_space<vmem>>
        %dma_wait3A_54 = arith.constant 0 : i32
        %dma_wait3A_55 = arith.constant 0 : i32
        %dma_wait3A_56 = tpu.memref_slice %arg2[%dma_wait3A_54, %dma_wait3A_55] : memref<10240x128xf32, #tpu.memory_space<hbm>> -> memref<10240x128xf32, #tpu.memory_space<hbm>>
        tpu.wait_indirect_dma semaphore(%arg11 : memref<!tpu.dma_semaphore, #tpu.memory_space<semaphore_mem>>) src(%dma_wait3A_56 : memref<10240x128xf32, #tpu.memory_space<hbm>>) dst(%arg9 : memref<125x128xf32, #tpu.memory_space<vmem>>)
        "tpu.region"() ({
          %run_scoped3A = tpu.sem_alloc : memref<!tpu.dma_semaphore, #tpu.memory_space<semaphore_mem>>
          %dma_start3A_63 = arith.constant 0 : i32
          %dma_start3A_64 = tpu.memref_slice %arg8[%mul3A_38, %dma_start3A_63] : memref<40x125xi32, #tpu.memory_space<vmem>> -> memref<1x125xi32, #tpu.memory_space<vmem>>
          %dma_start3A_65 = tpu.memref_squeeze %dma_start3A_64 : memref<1x125xi32, #tpu.memory_space<vmem>> -> memref<125xi32, #tpu.memory_space<vmem>>
          %dma_start3A_66 = arith.constant 0 : i32
          %dma_start3A_67 = arith.constant 0 : i32
          %dma_start3A_68 = tpu.memref_slice %arg13[%dma_start3A_66, %dma_start3A_67] : memref<10240x128xf32, #tpu.memory_space<vmem_shared>> -> memref<10240x128xf32, #tpu.memory_space<vmem_shared>>
          tpu.enqueue_indirect_dma source(%arg9 : memref<125x128xf32, #tpu.memory_space<vmem>>) target(%dma_start3A_68 : memref<10240x128xf32, #tpu.memory_space<vmem_shared>>) offsets(%dma_start3A_65 : memref<125xi32, #tpu.memory_space<vmem>>) semaphore(%run_scoped3A : memref<!tpu.dma_semaphore, #tpu.memory_space<semaphore_mem>>) {add = true}
          %dma_wait3A_69 = arith.constant 0 : i32
          %dma_wait3A_70 = tpu.memref_slice %arg8[%mul3A_38, %dma_wait3A_69] : memref<40x125xi32, #tpu.memory_space<vmem>> -> memref<1x125xi32, #tpu.memory_space<vmem>>
          %dma_wait3A_71 = tpu.memref_squeeze %dma_wait3A_70 : memref<1x125xi32, #tpu.memory_space<vmem>> -> memref<125xi32, #tpu.memory_space<vmem>>
          %dma_wait3A_72 = arith.constant 0 : i32
          %dma_wait3A_73 = arith.constant 0 : i32
          %dma_wait3A_74 = tpu.memref_slice %arg13[%dma_wait3A_72, %dma_wait3A_73] : memref<10240x128xf32, #tpu.memory_space<vmem_shared>> -> memref<10240x128xf32, #tpu.memory_space<vmem_shared>>
          tpu.wait_indirect_dma semaphore(%run_scoped3A : memref<!tpu.dma_semaphore, #tpu.memory_space<semaphore_mem>>) src(%arg9 : memref<125x128xf32, #tpu.memory_space<vmem>>) dst(%dma_wait3A_74 : memref<10240x128xf32, #tpu.memory_space<vmem_shared>>)
          tpu.yield
        }) : () -> ()
        %dma_wait3A_57 = arith.constant 0 : i32
        %dma_wait3A_58 = tpu.memref_slice %arg7[%add3A_40, %dma_wait3A_57] : memref<40x125xi32, #tpu.memory_space<vmem>> -> memref<1x125xi32, #tpu.memory_space<vmem>>
        %dma_wait3A_59 = tpu.memref_squeeze %dma_wait3A_58 : memref<1x125xi32, #tpu.memory_space<vmem>> -> memref<125xi32, #tpu.memory_space<vmem>>
        %dma_wait3A_60 = arith.constant 0 : i32
        %dma_wait3A_61 = arith.constant 0 : i32
        %dma_wait3A_62 = tpu.memref_slice %arg2[%dma_wait3A_60, %dma_wait3A_61] : memref<10240x128xf32, #tpu.memory_space<hbm>> -> memref<10240x128xf32, #tpu.memory_space<hbm>>
        tpu.wait_indirect_dma semaphore(%arg12 : memref<!tpu.dma_semaphore, #tpu.memory_space<semaphore_mem>>) src(%dma_wait3A_62 : memref<10240x128xf32, #tpu.memory_space<hbm>>) dst(%arg10 : memref<125x128xf32, #tpu.memory_space<vmem>>)
        "tpu.region"() ({
          %run_scoped3A = tpu.sem_alloc : memref<!tpu.dma_semaphore, #tpu.memory_space<semaphore_mem>>
          %dma_start3A_63 = arith.constant 0 : i32
          %dma_start3A_64 = tpu.memref_slice %arg8[%add3A_40, %dma_start3A_63] : memref<40x125xi32, #tpu.memory_space<vmem>> -> memref<1x125xi32, #tpu.memory_space<vmem>>
          %dma_start3A_65 = tpu.memref_squeeze %dma_start3A_64 : memref<1x125xi32, #tpu.memory_space<vmem>> -> memref<125xi32, #tpu.memory_space<vmem>>
          %dma_start3A_66 = arith.constant 0 : i32
          %dma_start3A_67 = arith.constant 0 : i32
          %dma_start3A_68 = tpu.memref_slice %arg13[%dma_start3A_66, %dma_start3A_67] : memref<10240x128xf32, #tpu.memory_space<vmem_shared>> -> memref<10240x128xf32, #tpu.memory_space<vmem_shared>>
          tpu.enqueue_indirect_dma source(%arg10 : memref<125x128xf32, #tpu.memory_space<vmem>>) target(%dma_start3A_68 : memref<10240x128xf32, #tpu.memory_space<vmem_shared>>) offsets(%dma_start3A_65 : memref<125xi32, #tpu.memory_space<vmem>>) semaphore(%run_scoped3A : memref<!tpu.dma_semaphore, #tpu.memory_space<semaphore_mem>>) {add = true}
          %dma_wait3A_69 = arith.constant 0 : i32
          %dma_wait3A_70 = tpu.memref_slice %arg8[%add3A_40, %dma_wait3A_69] : memref<40x125xi32, #tpu.memory_space<vmem>> -> memref<1x125xi32, #tpu.memory_space<vmem>>
          %dma_wait3A_71 = tpu.memref_squeeze %dma_wait3A_70 : memref<1x125xi32, #tpu.memory_space<vmem>> -> memref<125xi32, #tpu.memory_space<vmem>>
          %dma_wait3A_72 = arith.constant 0 : i32
          %dma_wait3A_73 = arith.constant 0 : i32
          %dma_wait3A_74 = tpu.memref_slice %arg13[%dma_wait3A_72, %dma_wait3A_73] : memref<10240x128xf32, #tpu.memory_space<vmem_shared>> -> memref<10240x128xf32, #tpu.memory_space<vmem_shared>>
          tpu.wait_indirect_dma semaphore(%run_scoped3A : memref<!tpu.dma_semaphore, #tpu.memory_space<semaphore_mem>>) src(%arg10 : memref<125x128xf32, #tpu.memory_space<vmem>>) dst(%dma_wait3A_74 : memref<10240x128xf32, #tpu.memory_space<vmem_shared>>)
          tpu.yield
        }) : () -> ()
      }
      %scan3A_35 = arith.constant 20 : i32
    }
    %scan3A_23 = arith.constant 2 : i32
    %barrier3A_24 = arith.constant 0 : index
    tpu.barrier barrier_id(%barrier3A_24)
    "tpu.region"() ({
      %run_scoped3A = tpu.sem_alloc : memref<!tpu.dma_semaphore, #tpu.memory_space<semaphore_mem>>
      %dma_start3A = arith.constant 0 : i32
      %dma_start3A_25 = tpu.memref_slice %arg6[%arg0, %mul3A_2, %dma_start3A] : memref<2x10240x128xf32, #tpu.memory_space<hbm>> -> memref<1x640x128xf32, #tpu.memory_space<hbm>>
      %dma_start3A_26 = tpu.memref_squeeze %dma_start3A_25 : memref<1x640x128xf32, #tpu.memory_space<hbm>> -> memref<640x128xf32, #tpu.memory_space<hbm>>
      %dma_start3A_27 = arith.constant 0 : i32
      %dma_start3A_28 = tpu.memref_slice %arg13[%mul3A_2, %dma_start3A_27] : memref<10240x128xf32, #tpu.memory_space<vmem_shared>> -> memref<640x128xf32, #tpu.memory_space<vmem_shared>>
      tpu.enqueue_dma source(%dma_start3A_28 : memref<640x128xf32, #tpu.memory_space<vmem_shared>>) target(%dma_start3A_26 : memref<640x128xf32, #tpu.memory_space<hbm>>) target_semaphore(%run_scoped3A : memref<!tpu.dma_semaphore, #tpu.memory_space<semaphore_mem>>)
      %dma_wait3A = arith.constant 0 : i32
      %dma_wait3A_29 = tpu.memref_slice %arg6[%arg0, %mul3A_2, %dma_wait3A] : memref<2x10240x128xf32, #tpu.memory_space<hbm>> -> memref<1x640x128xf32, #tpu.memory_space<hbm>>
      %dma_wait3A_30 = tpu.memref_squeeze %dma_wait3A_29 : memref<1x640x128xf32, #tpu.memory_space<hbm>> -> memref<640x128xf32, #tpu.memory_space<hbm>>
      %dma_wait3A_31 = arith.constant 0 : i32
      %dma_wait3A_32 = tpu.memref_slice %arg13[%mul3A_2, %dma_wait3A_31] : memref<10240x128xf32, #tpu.memory_space<vmem_shared>> -> memref<640x128xf32, #tpu.memory_space<vmem_shared>>
      tpu.wait_dma2 semaphore(%run_scoped3A : memref<!tpu.dma_semaphore, #tpu.memory_space<semaphore_mem>>) src(%dma_wait3A_32 : memref<640x128xf32, #tpu.memory_space<vmem_shared>>) dst(%dma_wait3A_30 : memref<640x128xf32, #tpu.memory_space<hbm>>)
      tpu.yield
    }) : () -> ()
    return
  }
}

module attributes {stable_mosaic.version = 14 : i64} {
  func.func @_tc_prep_body(%arg0: i32, %arg1: memref<1024x128xf32, #tpu.memory_space<vmem>>, %arg2: memref<2x1024x1xf32, #tpu.memory_space<vmem>>, %arg3: memref<1024x128xf32, #tpu.memory_space<vmem>>) attributes {dimension_semantics = [#tpu.dimension_semantics<arbitrary>], iteration_bounds = array<i64: 10>, scalar_prefetch = 0 : i64, scratch_operands = 0 : i64, tpu.core_type = #tpu.core_type<tc>, window_params = [{transform_indices = @transform_0, window_bounds = array<i64: 1024, 128>}, {transform_indices = @transform_1, window_bounds = array<i64: 2, 1024, 1>}, {transform_indices = @transform_2, window_bounds = array<i64: 1024, 128>}]} {
    %get3A = arith.constant 0 : index
    %get3A_0 = arith.constant 0 : index
    %get3A_1 = arith.constant 0 : index
    %get3A_2 = vector.load %arg2[%get3A, %get3A_0, %get3A_1] : memref<2x1024x1xf32, #tpu.memory_space<vmem>>, vector<2x1024x1xf32>
    %slice3A = vector.extract_strided_slice %get3A_2 {offsets = [0, 0, 0], sizes = [1, 1024, 1], strides = [1, 1, 1]} : vector<2x1024x1xf32> to vector<1x1024x1xf32>
    %squeeze3A = vector.shape_cast %slice3A : vector<1x1024x1xf32> to vector<1024x1xf32>
    %slice3A_3 = vector.extract_strided_slice %get3A_2 {offsets = [1, 0, 0], sizes = [1, 1024, 1], strides = [1, 1, 1]} : vector<2x1024x1xf32> to vector<1x1024x1xf32>
    %squeeze3A_4 = vector.shape_cast %slice3A_3 : vector<1x1024x1xf32> to vector<1024x1xf32>
    %add3A = arith.addf %squeeze3A, %squeeze3A_4 : vector<1024x1xf32>
    %add3A_5 = arith.constant 1.000000e+00 : f32
    %add3A_6 = vector.broadcast %add3A_5 : f32 to vector<1024x1xf32>
    %add3A_7 = arith.addf %add3A, %add3A_6 : vector<1024x1xf32>
    %rsqrt3A = math.rsqrt %add3A_7 : vector<1024x1xf32>
    %get3A_8 = arith.constant 0 : index
    %get3A_9 = arith.constant 0 : index
    %get3A_10 = vector.load %arg1[%get3A_8, %get3A_9] : memref<1024x128xf32, #tpu.memory_space<vmem>>, vector<1024x128xf32>
    %mul3A = vector.broadcast %rsqrt3A : vector<1024x1xf32> to vector<1024x128xf32>
    %mul3A_11 = arith.mulf %get3A_10, %mul3A : vector<1024x128xf32>
    %swap3A = arith.constant 0 : index
    %swap3A_12 = arith.constant 0 : index
    %swap3A_13 = vector.load %arg3[%swap3A, %swap3A_12] : memref<1024x128xf32, #tpu.memory_space<vmem>>, vector<1024x128xf32>
    tpu.vector_store %arg3[%swap3A, %swap3A_12], %mul3A_11 {strides = array<i32>} : memref<1024x128xf32, #tpu.memory_space<vmem>>, vector<1024x128xf32>,
    return
  }
  func.func @transform_0(%arg0: i32) -> (i32, i32) {
    %c0_i32 = arith.constant 0 : i32
    %c0_i32_0 = arith.constant 0 : i32
    return %arg0, %c0_i32 : i32, i32
  }
  func.func @transform_1(%arg0: i32) -> (i32, i32, i32) {
    %c0_i32 = arith.constant 0 : i32
    %c0_i32_0 = arith.constant 0 : i32
    %c0_i32_1 = arith.constant 0 : i32
    return %c0_i32, %arg0, %c0_i32_0 : i32, i32, i32
  }
  func.func @transform_2(%arg0: i32) -> (i32, i32) {
    %c0_i32 = arith.constant 0 : i32
    %c0_i32_0 = arith.constant 0 : i32
    return %arg0, %c0_i32 : i32, i32
  }
}

module attributes {stable_mosaic.version = 14 : i64} {
  func.func @_tc_layer_body(%arg0: i32, %arg1: memref<2x1024x128xf32, #tpu.memory_space<vmem>>, %arg2: memref<1024x128xf32, #tpu.memory_space<vmem>>, %arg3: memref<2x1024x1xf32, #tpu.memory_space<vmem>>, %arg4: memref<128x128xf32, #tpu.memory_space<vmem>>, %arg5: memref<1x128xf32, #tpu.memory_space<vmem>>, %arg6: memref<1024x128xf32, #tpu.memory_space<vmem>>) attributes {dimension_semantics = [#tpu.dimension_semantics<arbitrary>], iteration_bounds = array<i64: 10>, scalar_prefetch = 0 : i64, scratch_operands = 0 : i64, tpu.core_type = #tpu.core_type<tc>, window_params = [{transform_indices = @transform_0, window_bounds = array<i64: 2, 1024, 128>}, {transform_indices = @transform_1, window_bounds = array<i64: 1024, 128>}, {transform_indices = @transform_2, window_bounds = array<i64: 2, 1024, 1>}, {pipeline_mode = #tpu.pipeline_mode<synchronous>, transform_indices = @transform_3, window_bounds = array<i64: 128, 128>}, {pipeline_mode = #tpu.pipeline_mode<synchronous>, transform_indices = @transform_4, window_bounds = array<i64: 1, 128>}, {transform_indices = @transform_5, window_bounds = array<i64: 1024, 128>}]} {
    %get3A = arith.constant 0 : index
    %get3A_0 = arith.constant 0 : index
    %get3A_1 = arith.constant 0 : index
    %get3A_2 = vector.load %arg3[%get3A, %get3A_0, %get3A_1] : memref<2x1024x1xf32, #tpu.memory_space<vmem>>, vector<2x1024x1xf32>
    %slice3A = vector.extract_strided_slice %get3A_2 {offsets = [0, 0, 0], sizes = [1, 1024, 1], strides = [1, 1, 1]} : vector<2x1024x1xf32> to vector<1x1024x1xf32>
    %squeeze3A = vector.shape_cast %slice3A : vector<1x1024x1xf32> to vector<1024x1xf32>
    %slice3A_3 = vector.extract_strided_slice %get3A_2 {offsets = [1, 0, 0], sizes = [1, 1024, 1], strides = [1, 1, 1]} : vector<2x1024x1xf32> to vector<1x1024x1xf32>
    %squeeze3A_4 = vector.shape_cast %slice3A_3 : vector<1x1024x1xf32> to vector<1024x1xf32>
    %add3A = arith.addf %squeeze3A, %squeeze3A_4 : vector<1024x1xf32>
    %add3A_5 = arith.constant 1.000000e+00 : f32
    %add3A_6 = vector.broadcast %add3A_5 : f32 to vector<1024x1xf32>
    %add3A_7 = arith.addf %add3A, %add3A_6 : vector<1024x1xf32>
    %rsqrt3A = math.rsqrt %add3A_7 : vector<1024x1xf32>
    %get3A_8 = arith.constant 0 : index
    %get3A_9 = arith.constant 0 : index
    %get3A_10 = arith.constant 0 : index
    %get3A_11 = vector.load %arg1[%get3A_8, %get3A_9, %get3A_10] : memref<2x1024x128xf32, #tpu.memory_space<vmem>>, vector<2x1024x128xf32>
    %slice3A_12 = vector.extract_strided_slice %get3A_11 {offsets = [0, 0, 0], sizes = [1, 1024, 128], strides = [1, 1, 1]} : vector<2x1024x128xf32> to vector<1x1024x128xf32>
    %squeeze3A_13 = vector.shape_cast %slice3A_12 : vector<1x1024x128xf32> to vector<1024x128xf32>
    %slice3A_14 = vector.extract_strided_slice %get3A_11 {offsets = [1, 0, 0], sizes = [1, 1024, 128], strides = [1, 1, 1]} : vector<2x1024x128xf32> to vector<1x1024x128xf32>
    %squeeze3A_15 = vector.shape_cast %slice3A_14 : vector<1x1024x128xf32> to vector<1024x128xf32>
    %add3A_16 = arith.addf %squeeze3A_13, %squeeze3A_15 : vector<1024x128xf32>
    %get3A_17 = arith.constant 0 : index
    %get3A_18 = arith.constant 0 : index
    %get3A_19 = vector.load %arg2[%get3A_17, %get3A_18] : memref<1024x128xf32, #tpu.memory_space<vmem>>, vector<1024x128xf32>
    %add3A_20 = arith.addf %add3A_16, %get3A_19 : vector<1024x128xf32>
    %mul3A = vector.broadcast %rsqrt3A : vector<1024x1xf32> to vector<1024x128xf32>
    %mul3A_21 = arith.mulf %add3A_20, %mul3A : vector<1024x128xf32>
    %get3A_22 = arith.constant 0 : index
    %get3A_23 = arith.constant 0 : index
    %get3A_24 = vector.load %arg4[%get3A_22, %get3A_23] : memref<128x128xf32, #tpu.memory_space<vmem>>, vector<128x128xf32>
    %dot_general3A = arith.constant dense<0.000000e+00> : vector<1024x128xf32>
    %dot_general3A_25 = tpu.matmul %mul3A_21, %get3A_24, %dot_general3A {dimension_numbers = #tpu.dot_dimension_numbers<[1], [0], [0], [1], [0, 0, 1, 1], [], []>, transpose_lhs_hint = false} : vector<1024x128xf32>, vector<128x128xf32>, vector<1024x128xf32> -> vector<1024x128xf32>
    %get3A_26 = arith.constant 0 : index
    %get3A_27 = arith.constant 0 : index
    %get3A_28 = vector.load %arg5[%get3A_26, %get3A_27] : memref<1x128xf32, #tpu.memory_space<vmem>>, vector<1x128xf32>
    %add3A_29 = vector.broadcast %get3A_28 : vector<1x128xf32> to vector<1024x128xf32>
    %add3A_30 = arith.addf %dot_general3A_25, %add3A_29 : vector<1024x128xf32>
    %max3A = arith.constant 0.000000e+00 : f32
    %max3A_31 = vector.broadcast %max3A : f32 to vector<1024x128xf32>
    %max3A_32 = arith.maximumf %add3A_30, %max3A_31 : vector<1024x128xf32>
    %mul3A_33 = vector.broadcast %rsqrt3A : vector<1024x1xf32> to vector<1024x128xf32>
    %mul3A_34 = arith.mulf %max3A_32, %mul3A_33 : vector<1024x128xf32>
    %swap3A = arith.constant 0 : index
    %swap3A_35 = arith.constant 0 : index
    %swap3A_36 = vector.load %arg6[%swap3A, %swap3A_35] : memref<1024x128xf32, #tpu.memory_space<vmem>>, vector<1024x128xf32>
    tpu.vector_store %arg6[%swap3A, %swap3A_35], %mul3A_34 {strides = array<i32>} : memref<1024x128xf32, #tpu.memory_space<vmem>>, vector<1024x128xf32>,
    return
  }
  func.func @transform_0(%arg0: i32) -> (i32, i32, i32) {
    %c0_i32 = arith.constant 0 : i32
    %c0_i32_0 = arith.constant 0 : i32
    %c0_i32_1 = arith.constant 0 : i32
    return %c0_i32, %arg0, %c0_i32_0 : i32, i32, i32
  }
  func.func @transform_1(%arg0: i32) -> (i32, i32) {
    %c0_i32 = arith.constant 0 : i32
    %c0_i32_0 = arith.constant 0 : i32
    return %arg0, %c0_i32 : i32, i32
  }
  func.func @transform_2(%arg0: i32) -> (i32, i32, i32) {
    %c0_i32 = arith.constant 0 : i32
    %c0_i32_0 = arith.constant 0 : i32
    %c0_i32_1 = arith.constant 0 : i32
    return %c0_i32, %arg0, %c0_i32_0 : i32, i32, i32
  }
  func.func @transform_3(%arg0: i32) -> (i32, i32) {
    %c0_i32 = arith.constant 0 : i32
    %c0_i32_0 = arith.constant 0 : i32
    %c0_i32_1 = arith.constant 0 : i32
    return %c0_i32, %c0_i32_0 : i32, i32
  }
  func.func @transform_4(%arg0: i32) -> (i32, i32) {
    %c0_i32 = arith.constant 0 : i32
    %c0_i32_0 = arith.constant 0 : i32
    %c0_i32_1 = arith.constant 0 : i32
    return %c0_i32, %c0_i32_0 : i32, i32
  }
  func.func @transform_5(%arg0: i32) -> (i32, i32) {
    %c0_i32 = arith.constant 0 : i32
    %c0_i32_0 = arith.constant 0 : i32
    return %arg0, %c0_i32 : i32, i32
  }
}

module attributes {stable_mosaic.version = 14 : i64} {
  func.func @_tc_final_body(%arg0: i32, %arg1: memref<2x128x128xf32, #tpu.memory_space<vmem>>, %arg2: memref<128x128xf32, #tpu.memory_space<vmem>>, %arg3: memref<2x128x1xf32, #tpu.memory_space<vmem>>, %arg4: memref<128x128xf32, #tpu.memory_space<vmem>>, %arg5: memref<1x128xf32, #tpu.memory_space<vmem>>, %arg6: memref<1x1x128xi32, #tpu.memory_space<vmem>>, %arg7: memref<128x128xf32, #tpu.memory_space<vmem>>, %arg8: memref<1x128xf32, #tpu.memory_space<vmem>>, %arg9: memref<128x128xf32, #tpu.memory_space<vmem>>, %arg10: memref<1x128xf32, #tpu.memory_space<vmem>>, %arg11: memref<128x128xf32, #tpu.memory_space<vmem>>, %arg12: memref<1x128xf32, #tpu.memory_space<vmem>>, %arg13: memref<128x128xf32, #tpu.memory_space<vmem>>, %arg14: memref<1x128xf32, #tpu.memory_space<vmem>>, %arg15: memref<64x128xf32, #tpu.memory_space<vmem>>, %arg16: memref<64x128xf32, #tpu.memory_space<vmem>>, %arg17: memref<64x128xf32, #tpu.memory_space<vmem>>, %arg18: memref<64x128xf32, #tpu.memory_space<vmem>>, %arg19: memref<64x1xf32, #tpu.memory_space<vmem>>) attributes {dimension_semantics = [#tpu.dimension_semantics<arbitrary>], iteration_bounds = array<i64: 80>, scalar_prefetch = 0 : i64, scratch_operands = 2 : i64, tpu.core_type = #tpu.core_type<tc>, window_params = [{transform_indices = @transform_0, window_bounds = array<i64: 2, 128, 128>}, {transform_indices = @transform_1, window_bounds = array<i64: 128, 128>}, {transform_indices = @transform_2, window_bounds = array<i64: 2, 128, 1>}, {pipeline_mode = #tpu.pipeline_mode<synchronous>, transform_indices = @transform_3, window_bounds = array<i64: 128, 128>}, {pipeline_mode = #tpu.pipeline_mode<synchronous>, transform_indices = @transform_4, window_bounds = array<i64: 1, 128>}, {transform_indices = @transform_5, window_bounds = array<i64: 1, 1, 128>}, {pipeline_mode = #tpu.pipeline_mode<synchronous>, transform_indices = @transform_6, window_bounds = array<i64: 128, 128>}, {pipeline_mode = #tpu.pipeline_mode<synchronous>, transform_indices = @transform_7, window_bounds = array<i64: 1, 128>}, {pipeline_mode = #tpu.pipeline_mode<synchronous>, transform_indices = @transform_8, window_bounds = array<i64: 128, 128>}, {pipeline_mode = #tpu.pipeline_mode<synchronous>, transform_indices = @transform_9, window_bounds = array<i64: 1, 128>}, {pipeline_mode = #tpu.pipeline_mode<synchronous>, transform_indices = @transform_10, window_bounds = array<i64: 128, 128>}, {pipeline_mode = #tpu.pipeline_mode<synchronous>, transform_indices = @transform_11, window_bounds = array<i64: 1, 128>}, {pipeline_mode = #tpu.pipeline_mode<synchronous>, transform_indices = @transform_12, window_bounds = array<i64: 128, 128>}, {pipeline_mode = #tpu.pipeline_mode<synchronous>, transform_indices = @transform_13, window_bounds = array<i64: 1, 128>}, {pipeline_mode = #tpu.pipeline_mode<synchronous>, transform_indices = @transform_14, window_bounds = array<i64: 64, 128>}, {pipeline_mode = #tpu.pipeline_mode<synchronous>, transform_indices = @transform_15, window_bounds = array<i64: 64, 128>}, {pipeline_mode = #tpu.pipeline_mode<synchronous>, transform_indices = @transform_16, window_bounds = array<i64: 64, 128>}]} {
    %eq3A = arith.constant 0 : i32
    %eq3A_0 = arith.cmpi eq, %arg0, %eq3A : i32
    %convert_element_type3A = arith.extui %eq3A_0 : i1 to i32
    %cond3A = arith.constant 0 : i32
    %cond3A_1 = arith.cmpi ne, %convert_element_type3A, %cond3A : i32
    scf.if %cond3A_1 {
      %broadcast_in_dim3A_64 = arith.constant 0.000000e+00 : f32
      %broadcast_in_dim3A_65 = vector.broadcast %broadcast_in_dim3A_64 : f32 to vector<64x128xf32>
      %swap3A_66 = arith.constant 0 : index
      %swap3A_67 = arith.constant 0 : index
      %swap3A_68 = vector.load %arg18[%swap3A_66, %swap3A_67] : memref<64x128xf32, #tpu.memory_space<vmem>>, vector<64x128xf32>
      tpu.vector_store %arg18[%swap3A_66, %swap3A_67], %broadcast_in_dim3A_65 {strides = array<i32>} : memref<64x128xf32, #tpu.memory_space<vmem>>, vector<64x128xf32>,
      %broadcast_in_dim3A_69 = arith.constant 0.000000e+00 : f32
      %broadcast_in_dim3A_70 = vector.broadcast %broadcast_in_dim3A_69 : f32 to vector<64x1xf32>
      %swap3A_71 = arith.constant 0 : index
      %swap3A_72 = arith.constant 0 : index
      %swap3A_73 = vector.load %arg19[%swap3A_71, %swap3A_72] : memref<64x1xf32, #tpu.memory_space<vmem>>, vector<64x1xf32>
      tpu.vector_store %arg19[%swap3A_71, %swap3A_72], %broadcast_in_dim3A_70 {strides = array<i32>} : memref<64x1xf32, #tpu.memory_space<vmem>>, vector<64x1xf32>,
    } else {
    }
    %get3A = arith.constant 0 : index
    %get3A_2 = arith.constant 0 : index
    %get3A_3 = arith.constant 0 : index
    %get3A_4 = vector.load %arg3[%get3A, %get3A_2, %get3A_3] : memref<2x128x1xf32, #tpu.memory_space<vmem>>, vector<2x128x1xf32>
    %slice3A = vector.extract_strided_slice %get3A_4 {offsets = [0, 0, 0], sizes = [1, 128, 1], strides = [1, 1, 1]} : vector<2x128x1xf32> to vector<1x128x1xf32>
    %squeeze3A = vector.shape_cast %slice3A : vector<1x128x1xf32> to vector<128x1xf32>
    %slice3A_5 = vector.extract_strided_slice %get3A_4 {offsets = [1, 0, 0], sizes = [1, 128, 1], strides = [1, 1, 1]} : vector<2x128x1xf32> to vector<1x128x1xf32>
    %squeeze3A_6 = vector.shape_cast %slice3A_5 : vector<1x128x1xf32> to vector<128x1xf32>
    %add3A = arith.addf %squeeze3A, %squeeze3A_6 : vector<128x1xf32>
    %add3A_7 = arith.constant 1.000000e+00 : f32
    %add3A_8 = vector.broadcast %add3A_7 : f32 to vector<128x1xf32>
    %add3A_9 = arith.addf %add3A, %add3A_8 : vector<128x1xf32>
    %rsqrt3A = math.rsqrt %add3A_9 : vector<128x1xf32>
    %get3A_10 = arith.constant 0 : index
    %get3A_11 = arith.constant 0 : index
    %get3A_12 = arith.constant 0 : index
    %get3A_13 = vector.load %arg1[%get3A_10, %get3A_11, %get3A_12] : memref<2x128x128xf32, #tpu.memory_space<vmem>>, vector<2x128x128xf32>
    %slice3A_14 = vector.extract_strided_slice %get3A_13 {offsets = [0, 0, 0], sizes = [1, 128, 128], strides = [1, 1, 1]} : vector<2x128x128xf32> to vector<1x128x128xf32>
    %squeeze3A_15 = vector.shape_cast %slice3A_14 : vector<1x128x128xf32> to vector<128x128xf32>
    %slice3A_16 = vector.extract_strided_slice %get3A_13 {offsets = [1, 0, 0], sizes = [1, 128, 128], strides = [1, 1, 1]} : vector<2x128x128xf32> to vector<1x128x128xf32>
    %squeeze3A_17 = vector.shape_cast %slice3A_16 : vector<1x128x128xf32> to vector<128x128xf32>
    %add3A_18 = arith.addf %squeeze3A_15, %squeeze3A_17 : vector<128x128xf32>
    %get3A_19 = arith.constant 0 : index
    %get3A_20 = arith.constant 0 : index
    %get3A_21 = vector.load %arg2[%get3A_19, %get3A_20] : memref<128x128xf32, #tpu.memory_space<vmem>>, vector<128x128xf32>
    %add3A_22 = arith.addf %add3A_18, %get3A_21 : vector<128x128xf32>
    %mul3A = vector.broadcast %rsqrt3A : vector<128x1xf32> to vector<128x128xf32>
    %mul3A_23 = arith.mulf %add3A_22, %mul3A : vector<128x128xf32>
    %get3A_24 = arith.constant 0 : index
    %get3A_25 = arith.constant 0 : index
    %get3A_26 = vector.load %arg4[%get3A_24, %get3A_25] : memref<128x128xf32, #tpu.memory_space<vmem>>, vector<128x128xf32>
    %dot_general3A = arith.constant dense<0.000000e+00> : vector<128x128xf32>
    %dot_general3A_27 = tpu.matmul %mul3A_23, %get3A_26, %dot_general3A {dimension_numbers = #tpu.dot_dimension_numbers<[1], [0], [0], [1], [0, 0, 1, 1], [], []>, transpose_lhs_hint = false} : vector<128x128xf32>, vector<128x128xf32>, vector<128x128xf32> -> vector<128x128xf32>
    %get3A_28 = arith.constant 0 : index
    %get3A_29 = arith.constant 0 : index
    %get3A_30 = vector.load %arg5[%get3A_28, %get3A_29] : memref<1x128xf32, #tpu.memory_space<vmem>>, vector<1x128xf32>
    %add3A_31 = vector.broadcast %get3A_30 : vector<1x128xf32> to vector<128x128xf32>
    %add3A_32 = arith.addf %dot_general3A_27, %add3A_31 : vector<128x128xf32>
    %max3A = arith.constant 0.000000e+00 : f32
    %max3A_33 = vector.broadcast %max3A : f32 to vector<128x128xf32>
    %max3A_34 = arith.maximumf %add3A_32, %max3A_33 : vector<128x128xf32>
    %get3A_35 = arith.constant 0 : index
    %get3A_36 = arith.constant 0 : index
    %get3A_37 = arith.constant 0 : index
    %get3A_38 = vector.load %arg6[%get3A_35, %get3A_36, %get3A_37] : memref<1x1x128xi32, #tpu.memory_space<vmem>>, vector<1x1x128xi32>
    %reshape3A = vector.shape_cast %get3A_38 : vector<1x1x128xi32> to vector<1x128xi32>
    %iota3A = tpu.iota {dimensions = array<i32: 0>} : vector<64x128xi32>
    %eq3A_39 = vector.broadcast %reshape3A : vector<1x128xi32> to vector<64x128xi32>
    %eq3A_40 = arith.cmpi eq, %iota3A, %eq3A_39 : vector<64x128xi32>
    %convert_element_type3A_41 = arith.extui %eq3A_40 : vector<64x128xi1> to vector<64x128xi32>
    %convert_element_type3A_42 = arith.sitofp %convert_element_type3A_41 : vector<64x128xi32> to vector<64x128xf32>
    %get3A_43 = arith.constant 0 : index
    %get3A_44 = arith.constant 0 : index
    %get3A_45 = vector.load %arg18[%get3A_43, %get3A_44] : memref<64x128xf32, #tpu.memory_space<vmem>>, vector<64x128xf32>
    %dot_general3A_46 = arith.constant dense<0.000000e+00> : vector<64x128xf32>
    %dot_general3A_47 = tpu.matmul %convert_element_type3A_42, %max3A_34, %dot_general3A_46 {dimension_numbers = #tpu.dot_dimension_numbers<[1], [0], [0], [1], [0, 0, 1, 1], [], []>, transpose_lhs_hint = false} : vector<64x128xf32>, vector<128x128xf32>, vector<64x128xf32> -> vector<64x128xf32>
    %add3A_48 = arith.addf %get3A_45, %dot_general3A_47 : vector<64x128xf32>
    %swap3A = arith.constant 0 : index
    %swap3A_49 = arith.constant 0 : index
    %swap3A_50 = vector.load %arg18[%swap3A, %swap3A_49] : memref<64x128xf32, #tpu.memory_space<vmem>>, vector<64x128xf32>
    tpu.vector_store %arg18[%swap3A, %swap3A_49], %add3A_48 {strides = array<i32>} : memref<64x128xf32, #tpu.memory_space<vmem>>, vector<64x128xf32>,
    %get3A_51 = arith.constant 0 : index
    %get3A_52 = arith.constant 0 : index
    %get3A_53 = vector.load %arg19[%get3A_51, %get3A_52] : memref<64x1xf32, #tpu.memory_space<vmem>>, vector<64x1xf32>
    %reduce_sum3A = arith.constant dense<0.000000e+00> : vector<64xf32>
    %reduce_sum3A_54 = vector.multi_reduction <add>, %convert_element_type3A_42, %reduce_sum3A [1] : vector<64x128xf32> to vector<64xf32>
    %broadcast_in_dim3A = vector.shape_cast %reduce_sum3A_54 : vector<64xf32> to vector<64x1xf32>
    %add3A_55 = arith.addf %get3A_53, %broadcast_in_dim3A : vector<64x1xf32>
    %swap3A_56 = arith.constant 0 : index
    %swap3A_57 = arith.constant 0 : index
    %swap3A_58 = vector.load %arg19[%swap3A_56, %swap3A_57] : memref<64x1xf32, #tpu.memory_space<vmem>>, vector<64x1xf32>
    tpu.vector_store %arg19[%swap3A_56, %swap3A_57], %add3A_55 {strides = array<i32>} : memref<64x1xf32, #tpu.memory_space<vmem>>, vector<64x1xf32>,
    %eq3A_59 = arith.constant 79 : i32
    %eq3A_60 = arith.cmpi eq, %arg0, %eq3A_59 : i32
    %convert_element_type3A_61 = arith.extui %eq3A_60 : i1 to i32
    %cond3A_62 = arith.constant 0 : i32
    %cond3A_63 = arith.cmpi ne, %convert_element_type3A_61, %cond3A_62 : i32
    scf.if %cond3A_63 {
      %get3A_64 = arith.constant 0 : index
      %get3A_65 = arith.constant 0 : index
      %get3A_66 = vector.load %arg18[%get3A_64, %get3A_65] : memref<64x128xf32, #tpu.memory_space<vmem>>, vector<64x128xf32>
      %get3A_67 = arith.constant 0 : index
      %get3A_68 = arith.constant 0 : index
      %get3A_69 = vector.load %arg19[%get3A_67, %get3A_68] : memref<64x1xf32, #tpu.memory_space<vmem>>, vector<64x1xf32>
      %max3A_70 = arith.constant 1.000000e+00 : f32
      %max3A_71 = vector.broadcast %max3A_70 : f32 to vector<64x1xf32>
      %max3A_72 = arith.maximumf %get3A_69, %max3A_71 : vector<64x1xf32>
      %div3A = vector.broadcast %max3A_72 : vector<64x1xf32> to vector<64x128xf32>
      %div3A_73 = arith.divf %get3A_66, %div3A : vector<64x128xf32>
      %get3A_74 = arith.constant 0 : index
      %get3A_75 = arith.constant 0 : index
      %get3A_76 = vector.load %arg7[%get3A_74, %get3A_75] : memref<128x128xf32, #tpu.memory_space<vmem>>, vector<128x128xf32>
      %dot_general3A_77 = arith.constant dense<0.000000e+00> : vector<64x128xf32>
      %dot_general3A_78 = tpu.matmul %div3A_73, %get3A_76, %dot_general3A_77 {dimension_numbers = #tpu.dot_dimension_numbers<[1], [0], [0], [1], [0, 0, 1, 1], [], []>, transpose_lhs_hint = false} : vector<64x128xf32>, vector<128x128xf32>, vector<64x128xf32> -> vector<64x128xf32>
      %get3A_79 = arith.constant 0 : index
      %get3A_80 = arith.constant 0 : index
      %get3A_81 = vector.load %arg8[%get3A_79, %get3A_80] : memref<1x128xf32, #tpu.memory_space<vmem>>, vector<1x128xf32>
      %add3A_82 = vector.broadcast %get3A_81 : vector<1x128xf32> to vector<64x128xf32>
      %add3A_83 = arith.addf %dot_general3A_78, %add3A_82 : vector<64x128xf32>
      %max3A_84 = arith.constant 0.000000e+00 : f32
      %max3A_85 = vector.broadcast %max3A_84 : f32 to vector<64x128xf32>
      %max3A_86 = arith.maximumf %add3A_83, %max3A_85 : vector<64x128xf32>
      %get3A_87 = arith.constant 0 : index
      %get3A_88 = arith.constant 0 : index
      %get3A_89 = vector.load %arg9[%get3A_87, %get3A_88] : memref<128x128xf32, #tpu.memory_space<vmem>>, vector<128x128xf32>
      %dot_general3A_90 = arith.constant dense<0.000000e+00> : vector<64x128xf32>
      %dot_general3A_91 = tpu.matmul %max3A_86, %get3A_89, %dot_general3A_90 {dimension_numbers = #tpu.dot_dimension_numbers<[1], [0], [0], [1], [0, 0, 1, 1], [], []>, transpose_lhs_hint = false} : vector<64x128xf32>, vector<128x128xf32>, vector<64x128xf32> -> vector<64x128xf32>
      %get3A_92 = arith.constant 0 : index
      %get3A_93 = arith.constant 0 : index
      %get3A_94 = vector.load %arg10[%get3A_92, %get3A_93] : memref<1x128xf32, #tpu.memory_space<vmem>>, vector<1x128xf32>
      %add3A_95 = vector.broadcast %get3A_94 : vector<1x128xf32> to vector<64x128xf32>
      %add3A_96 = arith.addf %dot_general3A_91, %add3A_95 : vector<64x128xf32>
      %swap3A_97 = arith.constant 0 : index
      %swap3A_98 = arith.constant 0 : index
      %swap3A_99 = vector.load %arg15[%swap3A_97, %swap3A_98] : memref<64x128xf32, #tpu.memory_space<vmem>>, vector<64x128xf32>
      tpu.vector_store %arg15[%swap3A_97, %swap3A_98], %add3A_96 {strides = array<i32>} : memref<64x128xf32, #tpu.memory_space<vmem>>, vector<64x128xf32>,
      %get3A_100 = arith.constant 0 : index
      %get3A_101 = arith.constant 0 : index
      %get3A_102 = vector.load %arg11[%get3A_100, %get3A_101] : memref<128x128xf32, #tpu.memory_space<vmem>>, vector<128x128xf32>
      %dot_general3A_103 = arith.constant dense<0.000000e+00> : vector<64x128xf32>
      %dot_general3A_104 = tpu.matmul %div3A_73, %get3A_102, %dot_general3A_103 {dimension_numbers = #tpu.dot_dimension_numbers<[1], [0], [0], [1], [0, 0, 1, 1], [], []>, transpose_lhs_hint = false} : vector<64x128xf32>, vector<128x128xf32>, vector<64x128xf32> -> vector<64x128xf32>
      %get3A_105 = arith.constant 0 : index
      %get3A_106 = arith.constant 0 : index
      %get3A_107 = vector.load %arg12[%get3A_105, %get3A_106] : memref<1x128xf32, #tpu.memory_space<vmem>>, vector<1x128xf32>
      %add3A_108 = vector.broadcast %get3A_107 : vector<1x128xf32> to vector<64x128xf32>
      %add3A_109 = arith.addf %dot_general3A_104, %add3A_108 : vector<64x128xf32>
      %max3A_110 = arith.constant 0.000000e+00 : f32
      %max3A_111 = vector.broadcast %max3A_110 : f32 to vector<64x128xf32>
      %max3A_112 = arith.maximumf %add3A_109, %max3A_111 : vector<64x128xf32>
      %get3A_113 = arith.constant 0 : index
      %get3A_114 = arith.constant 0 : index
      %get3A_115 = vector.load %arg13[%get3A_113, %get3A_114] : memref<128x128xf32, #tpu.memory_space<vmem>>, vector<128x128xf32>
      %dot_general3A_116 = arith.constant dense<0.000000e+00> : vector<64x128xf32>
      %dot_general3A_117 = tpu.matmul %max3A_112, %get3A_115, %dot_general3A_116 {dimension_numbers = #tpu.dot_dimension_numbers<[1], [0], [0], [1], [0, 0, 1, 1], [], []>, transpose_lhs_hint = false} : vector<64x128xf32>, vector<128x128xf32>, vector<64x128xf32> -> vector<64x128xf32>
      %get3A_118 = arith.constant 0 : index
      %get3A_119 = arith.constant 0 : index
      %get3A_120 = vector.load %arg14[%get3A_118, %get3A_119] : memref<1x128xf32, #tpu.memory_space<vmem>>, vector<1x128xf32>
      %add3A_121 = vector.broadcast %get3A_120 : vector<1x128xf32> to vector<64x128xf32>
      %add3A_122 = arith.addf %dot_general3A_117, %add3A_121 : vector<64x128xf32>
      %swap3A_123 = arith.constant 0 : index
      %swap3A_124 = arith.constant 0 : index
      %swap3A_125 = vector.load %arg16[%swap3A_123, %swap3A_124] : memref<64x128xf32, #tpu.memory_space<vmem>>, vector<64x128xf32>
      tpu.vector_store %arg16[%swap3A_123, %swap3A_124], %add3A_122 {strides = array<i32>} : memref<64x128xf32, #tpu.memory_space<vmem>>, vector<64x128xf32>,
      %swap3A_126 = arith.constant 0 : index
      %swap3A_127 = arith.constant 0 : index
      %swap3A_128 = vector.load %arg17[%swap3A_126, %swap3A_127] : memref<64x128xf32, #tpu.memory_space<vmem>>, vector<64x128xf32>
      tpu.vector_store %arg17[%swap3A_126, %swap3A_127], %div3A_73 {strides = array<i32>} : memref<64x128xf32, #tpu.memory_space<vmem>>, vector<64x128xf32>,
    } else {
    }
    return
  }
  func.func @transform_0(%arg0: i32) -> (i32, i32, i32) {
    %c0_i32 = arith.constant 0 : i32
    %c0_i32_0 = arith.constant 0 : i32
    %c0_i32_1 = arith.constant 0 : i32
    return %c0_i32, %arg0, %c0_i32_0 : i32, i32, i32
  }
  func.func @transform_1(%arg0: i32) -> (i32, i32) {
    %c0_i32 = arith.constant 0 : i32
    %c0_i32_0 = arith.constant 0 : i32
    return %arg0, %c0_i32 : i32, i32
  }
  func.func @transform_2(%arg0: i32) -> (i32, i32, i32) {
    %c0_i32 = arith.constant 0 : i32
    %c0_i32_0 = arith.constant 0 : i32
    %c0_i32_1 = arith.constant 0 : i32
    return %c0_i32, %arg0, %c0_i32_0 : i32, i32, i32
  }
  func.func @transform_3(%arg0: i32) -> (i32, i32) {
    %c0_i32 = arith.constant 0 : i32
    %c0_i32_0 = arith.constant 0 : i32
    %c0_i32_1 = arith.constant 0 : i32
    return %c0_i32, %c0_i32_0 : i32, i32
  }
  func.func @transform_4(%arg0: i32) -> (i32, i32) {
    %c0_i32 = arith.constant 0 : i32
    %c0_i32_0 = arith.constant 0 : i32
    %c0_i32_1 = arith.constant 0 : i32
    return %c0_i32, %c0_i32_0 : i32, i32
  }
  func.func @transform_5(%arg0: i32) -> (i32, i32, i32) {
    %c0_i32 = arith.constant 0 : i32
    %c0_i32_0 = arith.constant 0 : i32
    %c0_i32_1 = arith.constant 0 : i32
    return %arg0, %c0_i32, %c0_i32_0 : i32, i32, i32
  }
  func.func @transform_6(%arg0: i32) -> (i32, i32) {
    %c0_i32 = arith.constant 0 : i32
    %c0_i32_0 = arith.constant 0 : i32
    %c0_i32_1 = arith.constant 0 : i32
    return %c0_i32, %c0_i32_0 : i32, i32
  }
  func.func @transform_7(%arg0: i32) -> (i32, i32) {
    %c0_i32 = arith.constant 0 : i32
    %c0_i32_0 = arith.constant 0 : i32
    %c0_i32_1 = arith.constant 0 : i32
    return %c0_i32, %c0_i32_0 : i32, i32
  }
  func.func @transform_8(%arg0: i32) -> (i32, i32) {
    %c0_i32 = arith.constant 0 : i32
    %c0_i32_0 = arith.constant 0 : i32
    %c0_i32_1 = arith.constant 0 : i32
    return %c0_i32, %c0_i32_0 : i32, i32
  }
  func.func @transform_9(%arg0: i32) -> (i32, i32) {
    %c0_i32 = arith.constant 0 : i32
    %c0_i32_0 = arith.constant 0 : i32
    %c0_i32_1 = arith.constant 0 : i32
    return %c0_i32, %c0_i32_0 : i32, i32
  }
  func.func @transform_10(%arg0: i32) -> (i32, i32) {
    %c0_i32 = arith.constant 0 : i32
    %c0_i32_0 = arith.constant 0 : i32
    %c0_i32_1 = arith.constant 0 : i32
    return %c0_i32, %c0_i32_0 : i32, i32
  }
  func.func @transform_11(%arg0: i32) -> (i32, i32) {
    %c0_i32 = arith.constant 0 : i32
    %c0_i32_0 = arith.constant 0 : i32
    %c0_i32_1 = arith.constant 0 : i32
    return %c0_i32, %c0_i32_0 : i32, i32
  }
  func.func @transform_12(%arg0: i32) -> (i32, i32) {
    %c0_i32 = arith.constant 0 : i32
    %c0_i32_0 = arith.constant 0 : i32
    %c0_i32_1 = arith.constant 0 : i32
    return %c0_i32, %c0_i32_0 : i32, i32
  }
  func.func @transform_13(%arg0: i32) -> (i32, i32) {
    %c0_i32 = arith.constant 0 : i32
    %c0_i32_0 = arith.constant 0 : i32
    %c0_i32_1 = arith.constant 0 : i32
    return %c0_i32, %c0_i32_0 : i32, i32
  }
  func.func @transform_14(%arg0: i32) -> (i32, i32) {
    %c0_i32 = arith.constant 0 : i32
    %c0_i32_0 = arith.constant 0 : i32
    %c0_i32_1 = arith.constant 0 : i32
    return %c0_i32, %c0_i32_0 : i32, i32
  }
  func.func @transform_15(%arg0: i32) -> (i32, i32) {
    %c0_i32 = arith.constant 0 : i32
    %c0_i32_0 = arith.constant 0 : i32
    %c0_i32_1 = arith.constant 0 : i32
    return %c0_i32, %c0_i32_0 : i32, i32
  }
  func.func @transform_16(%arg0: i32) -> (i32, i32) {
    %c0_i32 = arith.constant 0 : i32
    %c0_i32_0 = arith.constant 0 : i32
    %c0_i32_1 = arith.constant 0 : i32
    return %c0_i32, %c0_i32_0 : i32, i32
  }
}

</mosaic_0001>

<sc_bundles>
// kernel: kernel.10.cloned.1.call-start
scs
__scs_entry_jumppad:
0x0: {  	(pc) =	sbr.rel $0x88, $3  }
0x1: {  	(tag) =	ssettag $0x0;
	lr =	simm.s32 $0x1  }
0x2: {  	[smem:$0x3F90] =	sst lr;
	_ =	strace $0xD0000000  }
0x3: {  	_ = 	snop  }
0x4: {  	_ = 	snop  }
0x5: {  	_ = 	snop  }
0x6: {  	_ = 	snop  }
0x7: {  	_ = 	snop  }
__scs_overlays_trampoline_lowered:
0x8: {  	[smem:$0x3F9F] =	sst s0  }
0x9: {  	[smem:$0x3FA0] =	sst s1  }
0xa: {  	[smem:$0x3FA1] =	sst s2  }
0xb: {  	[smem:$0x3FA2] =	sst s3  }
0xc: {  	[smem:$0x3FA3] =	sst s4  }
0xd: {  	[smem:$0x3FA4] =	sst s5  }
0xe: {  	[smem:$0x3FA5] =	sst s6  }
0xf: {  	[smem:$0x3FA6] =	sst s7  }
0x10: {  	[smem:$0x3FA7] =	sst s8  }
0x11: {  	[smem:$0x3FA8] =	sst s9;
	s0 =	simm.s32 @!p0 $0x0  }
0x12: {  	s1 =	sld [smem:$0x3F8E];
	s0 =	simm.s32 @p0 $0x1  }
0x13: {  	[smem:$0x3FA9] =	sst s0;
	s0 =	simm.s32 @!p1 $0x0  }
0x14: {  	s2 =	sld [smem:$0x3F8D];
	s0 =	simm.s32 @p1 $0x1  }
0x15: {  	[smem:$0x3FAA] =	sst s0;
	s0 =	simm.s32 @!p2 $0x0  }
0x16: {  	s3 =	sld [smem:$0x3FDB];
	s0 =	simm.s32 @p2 $0x1  }
0x17: {  	s4 =	simm.s32 $0x1BF5;
	[smem:$0x3FAC] =	sst s0  }
0x18: {  	s0 =	sld [smem:$0x3F8F];
	_ =	swait.ge [sflag:s4], $0x0  }
0x19: {  	s7 =	sld [smem:$0x3F90]  }
0x1a: {  	s8 =	sadd.s32 $0xFFFFE003, lr  }
0x1b: {  	s9 =	sadd.s32 $0xFFFFFEF7, lr;
	s5 =	simm.s32 $0xFFFFFFFF;
	p2 =	slt.u32 s8, $0xFFFFF086  }
0x1c: {  	p1 =	slt.u32 s9, $0xF7A;
	s5 =	simm.s32 @!p2 $0x0  }
0x1d: {  	s5 =	simm.s32 @p1 $0x1;
	p0 =	seq.s32 s7, s2  }
0x1e: {  	s7 =	smul.u32 @!p0 $0xF7A, s2;
	p2 =	seq.s32 @!p0 s5, $0x0  }
0x1f: {  	s9 =	smul.u32 $0xF7A, s1;
	s8 =	simm.s32 @!p0 $0x1BF5;
	p2 =	por !p2, p0  }
0x20: {  	[sflag:s8] =	ssyncset.s32 @!p0 $0xFFFFF086;
	s6 =	sadd.s32 @!p0 s3, s7;
	s7 =	simm.s32 @!p0 $0x108  }
0x21: {  	s3 =	sadd.s32 s3, s9;
	s6 =	sadd.s32 @!p0 $0x88, s6;
	s7 =	simm.s32 @p2 $0x1082  }
0x22: {  	[simem:s7], [sflag:s8] =	dma.local @!p0 [hbm:s6], $0xF7A  }
0x23: {  	s9 =	sor.u32 $0xD0000000, s2;
	s6 =	simm.s32 $0x108;
	_ =	swait.ge @!p0 [sflag:s8], $0x0  }
0x24: {  	s3 =	sadd.s32 $0x88, s3;
	s6 =	simm.s32 @!p1 $0x1082;
	[sflag:s4] =	ssyncset.s32 $0xFFFFF086  }
0x25: {  	[simem:s6], [sflag:s4] =	dma.local [hbm:s3], $0xF7A  }
0x26: {  	[smem:$0x3F90] =	sst s1;
	(tag) =	ssettag s2;
	_ =	strace s9  }
0x27: {  	s1 =	sld [smem:$0x3FA0]  }
0x28: {  	s2 =	sld [smem:$0x3FA1]  }
0x29: {  	s4 =	sld [smem:$0x3FA3]  }
0x2a: {  	p0 =	seq.s32 s5, $0x0;
	s5 =	sld [smem:$0x3FA4]  }
0x2b: {  	s6 =	sld [smem:$0x3FA5]  }
0x2c: {  	s7 =	sld [smem:$0x3FA6]  }
0x2d: {  	s3 =	simm.s32 $0x108;
	s8 =	sld [smem:$0x3FA7]  }
0x2e: {  	s3 =	simm.s32 @!p0 $0x1082;
	s9 =	sld [smem:$0x3FA8]  }
0x2f: {  	lr =	sadd.s32 s0, s3;
	s0 =	sld [smem:$0x3F9F]  }
0x30: {  	s3 =	sld [smem:$0x3FA2]  }
0x31: {  	[smem:$0x3FAB] =	sst s10  }
0x32: {  	s10 =	sld [smem:$0x3FA9];
	_ =	sdelay $0x3  }
0x33: {  	p0 =	seq.s32 s10, $0x1;
	s10 =	sld [smem:$0x3FAB];
	_ =	sdelay $0x3  }
0x34: {  	[smem:$0x3FAB] =	sst s10  }
0x35: {  	s10 =	sld [smem:$0x3FAA];
	_ =	sdelay $0x3  }
0x36: {  	p1 =	seq.s32 s10, $0x1;
	s10 =	sld [smem:$0x3FAB];
	_ =	sdelay $0x3  }
0x37: {  	[smem:$0x3FAB] =	sst s10  }
0x38: {  	s10 =	sld [smem:$0x3FAC]  }
0x39: {  	_ = 	snop;
	(pc) =	sbr.ind lr, $3  }
0x3a: {  	_ = 	snop  }
0x3b: {  	_ = 	snop  }
0x3c: {  	p2 =	seq.s32 s10, $0x1;
	s10 =	sld [smem:$0x3FAB]  }
0x3d: {  	_ =	shalt  }
0x3e: {  	_ =	shalt  }
0x3f: {  	_ =	shalt  }
0x40: {  	_ =	shalt  }
0x41: {  	_ =	shalt  }
0x42: {  	_ =	shalt  }
0x43: {  	_ =	shalt  }
0x44: {  	_ =	shalt  }
0x45: {  	_ =	shalt  }
0x46: {  	_ =	shalt  }
0x47: {  	_ =	shalt  }
0x48: {  	_ =	shalt  }
0x49: {  	_ =	shalt  }
0x4a: {  	_ =	shalt  }
0x4b: {  	_ =	shalt  }
0x4c: {  	_ =	shalt  }
0x4d: {  	_ =	shalt  }
0x4e: {  	_ =	shalt  }
0x4f: {  	_ =	shalt  }
0x50: {  	_ =	shalt  }
0x51: {  	_ =	shalt  }
0x52: {  	_ =	shalt  }
0x53: {  	_ =	shalt  }
0x54: {  	_ =	shalt  }
0x55: {  	_ =	shalt  }
0x56: {  	_ =	shalt  }
0x57: {  	_ =	shalt  }
0x58: {  	_ =	shalt  }
0x59: {  	_ =	shalt  }
0x5a: {  	_ =	shalt  }
0x5b: {  	_ =	shalt  }
0x5c: {  	_ =	shalt  }
0x5d: {  	_ =	shalt  }
0x5e: {  	_ =	shalt  }
0x5f: {  	_ =	shalt  }
0x60: {  	_ =	shalt  }
0x61: {  	_ =	shalt  }
0x62: {  	_ =	shalt  }
0x63: {  	_ =	shalt  }
0x64: {  	_ =	shalt  }
0x65: {  	_ =	shalt  }
0x66: {  	_ =	shalt  }
0x67: {  	_ =	shalt  }
0x68: {  	_ =	shalt  }
0x69: {  	_ =	shalt  }
0x6a: {  	_ =	shalt  }
0x6b: {  	_ =	shalt  }
0x6c: {  	_ =	shalt  }
0x6d: {  	_ =	shalt  }
0x6e: {  	_ =	shalt  }
0x6f: {  	_ =	shalt  }
0x70: {  	_ =	shalt  }
0x71: {  	_ =	shalt  }
0x72: {  	_ =	shalt  }
0x73: {  	_ =	shalt  }
0x74: {  	_ =	shalt  }
0x75: {  	_ =	shalt  }
0x76: {  	_ =	shalt  }
0x77: {  	_ =	shalt  }
0x78: {  	_ =	shalt  }
0x79: {  	_ =	shalt  }
0x7a: {  	_ =	shalt  }
0x7b: {  	_ =	shalt  }
0x7c: {  	_ =	shalt  }
0x7d: {  	_ =	shalt  }
0x7e: {  	_ =	shalt  }
0x7f: {  	_ =	shalt  }
0x80: {  	_ =	shalt  }
0x81: {  	_ =	shalt  }
0x82: {  	_ =	shalt  }
0x83: {  	_ =	shalt  }
0x84: {  	_ =	shalt  }
0x85: {  	_ =	shalt  }
0x86: {  	_ =	shalt  }
0x87: {  	_ =	shalt  }
.Lfunc_end0:
.L_simem_size_0:
called_computation_lowered:
.L_overlay_start_0:
0x88: {  	s2 =	sld [smem:$0x3FD9]  }
0x89: {  	s3 =	sld [smem:$0x3FFE];
	_ =	sdelay $0x1  }
0x8a: {  	s1 =	srdreg.scid  }
0x8b: {  	s0 =	sand.u32 $0x1, s1  }
0x8c: {  	s16 =	sshll.u32 s0, $0xA;
	s2 =	sadd.s32 s3, s2  }
0x8d: {  	s2 =	sadd.s32 s2, s16  }
0x8e: {  	[smem:$0x3FB7] =	sst s2  }
0x8f: {  	_ = 	snop  }
0x90: {  	(tm) =	ssettm $0x1  }
0x91: {  	s17 =	sld [smem:$0x3FFB];
	_ =	sdelay $0x3  }
0x92: {  	_ =	strace s17  }
0x93: {  	s2 =	sld [smem:$0x3FFC];
	_ =	sdelay $0x3  }
0x94: {  	_ =	strace s2  }
0x95: {  	s2 =	sld [smem:$0x3FFD];
	_ =	sdelay $0x3  }
0x96: {  	_ =	strace s2  }
0x97: {  	_ =	strace $0x8FFFFFFF  }
0x98: {  	s18 =	sld [smem:$0x3FDB];
	_ =	sdelay $0x1  }
0x99: {  	s19 =	simm.s32 $_scs_section_size  }
0x9a: {  	s4 =	simm.s32 $_size__tile_overlayer_lowered;
	s5 =	simm.s32 $_tile_overlayer_lowered  }
0x9b: {  	s22 =	simm.s32 $0x1BFF;
	s21 =	sshll.u32 s5, $0x1;
	s2 =	sadd.s32 s19, s18  }
0x9c: {  	s6 =	simm.s32 $0x0;
	s20 =	sshll.u32 s4, $0x1;
	s4 =	sadd.s32 s21, s2  }
0x9d: {  	[timem:s6], [sflag:s22] =	dma.local [hbm:s4], s20  }
0x9e: {  	_ =	swait.ge [sflag:s22], s20  }
0x9f: {  	s3 =	ssub.s32 $0x0, s20;
	[sflag:s22] =	ssyncset.done $0x0  }
0xa0: {  	[sflag:s22] =	ssyncadd.s32 s3;
	_ =	sdelay $0x1  }
0xa1: {  	s23 =	simm.s32 $0x1B8B  }
0xa2: {  	_ =	swait.ge [sflag:s23], $0x1  }
0xa3: {  	[sflag:s23] =	ssyncset.done $0x0  }
0xa4: {  	s25 =	simm.s32 $0x1B8E;
	s24 =	sld [smem:$0x3FFE];
	[sflag:s23] =	ssyncadd.s32 $0xFFFFFFFF  }
0xa5: {  	s26 =	simm.s32 $execute0_lowered;
	[smem:$0x3FD2] =	sst s25  }
0xa6: {  	s4 =	sshll.u32 s26, $0x1;
	_ =	strace $0x80000046;
	[dreg:$0x1] =	wrdreg $0xFFFFFFFF  }
0xa7: {  	s28 =	simm.s32 $_size_execute0_lowered;
	s2 =	sadd.s32 s2, s4;
	[dreg:$0x0] =	wrdreg $0x0  }
0xa8: {  	s4 =	sshll.u32 s28, $0x1;
	[dreg:$0x2] =	wrdreg s2  }
0xa9: {  	[dreg:$0x3] =	wrdreg s4  }
0xaa: {  	[dreg:$0x4] =	wrdreg $0xC0  }
0xab: {  	_ =	task [dreg:s6], $0x5FFFF  }
0xac: {  	[dreg:$0x1] =	wrdreg $0xFFFFFFFF  }
0xad: {  	[dreg:$0x0] =	wrdreg $0x60  }
0xae: {  	[dreg:$0x2] =	wrdreg s24  }
0xaf: {  	[dreg:$0x3] =	wrdreg $0xA8000  }
0xb0: {  	[dreg:$0x4] =	wrdreg $0x9  }
0xb1: {  	_ =	task.clear_ibuf [dreg:s6], $0x5FFFF;
	_ =	strace $0x90000046  }
0xb2: {  	s29 =	simm.s32 $0x9;
	_ =	strace $0x80000048  }
0xb3: {  	_ =	swait.ge [sflag:s29], $0x1  }
0xb4: {  	[sflag:s29] =	ssyncadd.s32 $0xFFFFFFFF  }
0xb5: {  	_ =	strace $0x90000048  }
0xb6: {  	_ =	sfence  }
0xb7: {  	s30 =	sld [smem:$0x0];
	_ =	sdelay $0x2  }
0xb8: {  	s31 =	sshll.u32 s1, $0xD;
	s1 =	sshrl.u32 s1, $0x2  }
0xb9: {  	s3 =	sand.u32 $0x4000, s31;
	s1 =	sadd.s32 s1, s30  }
0xba: {  	s0 =	sor.u32 s3, s0;
	s1 =	sshll.u32 s1, $0x11  }
0xbb: {  	s0 =	sor.u32 s1, s0  }
0xbc: {  	s0 =	sadd.s32 $0x8F2B, s0  }
0xbd: {  	[sflag:s0] =	ssyncadd.remote.s32 $0x1  }
0xbe: {  	_ =	sfence.sel $0xFFFF  }
0xbf: {  	[dreg:$0x0] =	wrdreg $0xFFFFFFFF;
	(pc) =	sbr.abs _section_cstart, $3  }
0xc0: {  	[dreg:$0x1] =	wrdreg $0xFFFFFFFF  }
0xc1: {  	_ =	task.clear_ibuf [dreg:s6], $0x2FFFF;
	_ =	strace $0x9FFFFFFF  }
0xc2: {  	(tm) =	ssettm $0x7FFFFFFF  }
0xc3: {  	_ =	shalt  }
tec
execute0_lowered:
.L_overlay_start_1:
0x0: {  	(tag) =	ssettag $0x1  }
0x1: {  	s0 =	srdreg.scid;
	s7 =	rddreg [dreg:$0x0]  }
0x2: {  	s2 =	rddreg [dreg:$0x1];
	s3 =	simm.s32 $0x0;
	s14 =	simm.s32 $0x6800  }
0x3: {  	s15 =	simm.s32 $0x1;
	s16 =	simm.s32 $0x2800;
	s6 =	sand.u32 $0x1, s0  }
0x4: {  	s17 =	simm.s32 $0x7D;
	s0 =	stileid.u32;
	s8 =	smul.u32 $0x140000, s6  }
0x5: {  	s20 =	simm.s32 $0x0;
	[smem:$0x7FF] =	sst s3;
	s9 =	smul.u32 $0x14000, s0  }
0x6: {  	s5 =	sadd.s32 $0xF000, s7;
	s1 =	sshll.u32 s6, $0x4;
	s10 =	smul.u32 $0x50000, s0  }
0x7: {  	s6 =	ssub.s32 $0x2, s6;
	s18 =	sshll.u32 s0, $0x6;
	s4 =	sor.u32 s0, s1  }
0x8: {  	s1 =	rddreg [dreg:$0x2];
	_ =	strace $0x80000047;
	s31 =	sshrl.u32 s6, $0x1  }
0x9: {  	s18 =	sor.u32 $0x1C01, s18;
	s4 =	smul.u32 $0x500, s4;
	s8 =	sadd.s32 s9, s8  }
0xa: {  	s10 =	sshrl.u32 s10, $0x2;
	s13 =	ssub.s32 s6, s31;
	s8 =	sshrl.u32 s8, $0x3  }
0xb: {  	s6 =	sadd.s32 s10, s2;
	s13 =	smax.u32 s13, $0x1;
	s11 =	sadd.s32 s4, s7  }
0xc: {  	s4 =	sadd.s32 $0xE800, s7;
	s12 =	sadd.s32 s8, s7;
	s7 =	sadd.s32 $0x4000, s6  }
0xd: {  	s8 =	sadd.s32 $0x8000, s6;
	s9 =	sadd.s32 $0xC000, s6;
	s10 =	sadd.s32 $0x10000, s6  }
0xe: {  	s19 =	sshrl.u32 s6, $0x3;
	s11 =	sadd.s32 $0x4800, s11;
	s12 =	sadd.s32 $0xF800, s12  }
.LBB2_1:
0xf: {  	[tilespmem:s14], [sflag:$0x1] =	stream.linear.gather [hbm4b:s5+s3], $0x4000, $0x38;
	[tilespmem:$0xBC00] =	vst v63  }
0x10: {  	_ =	swait.ge [sflag:s15], $0x4000  }
0x11: {  	[sflag:s15] =	ssyncset.done $0x0  }
0x12: {  	[sflag:s15] =	ssyncadd.s32 $0xFFFFC000  }
0x13: {  	[spmem:s6] =	stream.linear.scatter [tilespmem:s14], [sflag:$0x1], $0x4000, $0x38;
	[tilespmem:$0xBC00] =	vst v63  }
0x14: {  	_ =	swait.ge [sflag:s15], $0x4000  }
0x15: {  	[sflag:s15] =	ssyncset.done $0x0  }
0x16: {  	[sflag:s15] =	ssyncadd.s32 $0xFFFFC000  }
0x17: {  	[spmem:s7] =	stream.linear.scatter [tilespmem:s14], [sflag:$0x1], $0x4000, $0x38;
	[tilespmem:$0xBC00] =	vst v63  }
0x18: {  	_ =	swait.ge [sflag:s15], $0x4000  }
0x19: {  	[sflag:s15] =	ssyncset.done $0x0  }
0x1a: {  	[sflag:s15] =	ssyncadd.s32 $0xFFFFC000  }
0x1b: {  	[spmem:s8] =	stream.linear.scatter [tilespmem:s14], [sflag:$0x1], $0x4000, $0x38;
	[tilespmem:$0xBC00] =	vst v63  }
0x1c: {  	_ =	swait.ge [sflag:s15], $0x4000  }
0x1d: {  	[sflag:s15] =	ssyncset.done $0x0  }
0x1e: {  	[sflag:s15] =	ssyncadd.s32 $0xFFFFC000  }
0x1f: {  	[spmem:s9] =	stream.linear.scatter [tilespmem:s14], [sflag:$0x1], $0x4000, $0x38;
	[tilespmem:$0xBC00] =	vst v63  }
0x20: {  	_ =	swait.ge [sflag:s15], $0x4000  }
0x21: {  	[sflag:s15] =	ssyncset.done $0x0  }
0x22: {  	[sflag:s15] =	ssyncadd.s32 $0xFFFFC000  }
0x23: {  	[spmem:s10] =	stream.linear.scatter [tilespmem:s14], [sflag:$0x1], $0x4000, $0x38;
	[tilespmem:$0xBC00] =	vst v63  }
0x24: {  	_ =	swait.ge [sflag:s15], $0x4000  }
0x25: {  	[sflag:s15] =	ssyncset.done $0x0  }
0x26: {  	[sflag:s15] =	ssyncadd.s32 $0xFFFFC000  }
0x27: {  	[tilespmem:s16], [sflag:$0x1] =	stream.linear.gather [hbm4b:s4+s3], $0x3E80, $0x38;
	[tilespmem:$0xBC00] =	vst v63  }
0x28: {  	_ =	swait.ge [sflag:s15], $0x3E80  }
0x29: {  	[sflag:s15] =	ssyncset.done $0x0  }
0x2a: {  	[sflag:s15] =	ssyncadd.s32 $0xFFFFC180  }
0x2b: {  	[tilespmem:s3], [sflag:$0x1] =	stream.linear.gather [hbm4b:s11+s3], $0x2800, $0x38;
	[tilespmem:$0xBC00] =	vst v63  }
0x2c: {  	_ =	swait.ge [sflag:s15], $0x2800  }
0x2d: {  	[sflag:s15] =	ssyncset.done $0x0  }
0x2e: {  	[sflag:s15] =	ssyncadd.s32 $0xFFFFD800  }
0x2f: {  	s21 =	simm.s32 $0x0;
	[bflag:$0x0] =	sbarrier.arrive $0xFFFF  }
0x30: {  	[spmem:s2] =	stream.indirect.scatter.add.f32 [tilespmem:s16], [sflag:$0x1], $0x8, s21, s17, $0xb8;
	[tilespmem:$0xBC00] =	vst v63  }
0x31: {  	_ =	swait.ge [sflag:s15], $0x3E8  }
0x32: {  	s21 =	simm.s32 $0x200;
	[sflag:s15] =	ssyncset.done $0x0  }
.LBB2_2:
0x33: {  	s22 =	sshra.s32 s21, $0x2;
	[sflag:s15] =	ssyncadd.s32 $0xFFFFFC18;
	p0 =	sne.s32 s21, $0x9E00  }
0x34: {  	[spmem:s2] =	stream.indirect.scatter.add.f32 [tilespmem:s16], [sflag:$0x1], $0x8, s22, s17, $0xb8;
	[tilespmem:$0xBC00] =	vst v63  }
.Ltmp0:
0x35: {  	_ = 	snop;
	(pc) =	sbr.rel @p0 .LBB2_2-.Ltmp0, $4  }
0x36: {  	_ = 	snop  }
0x37: {  	s21 =	sadd.s32 $0x200, s21  }
0x38: {  	_ =	swait.ge [sflag:s15], $0x3E8  }
0x39: {  	[sflag:s15] =	ssyncset.done $0x0  }
0x3a: {  	s20 =	sadd.s32 $0x1, s20  }
0x3b: {  	[sflag:s15] =	ssyncadd.s32 $0xFFFFFC18;
	p0 =	sne.s32 s20, s13  }
.Ltmp1:
0x3c: {  	[bflag:$0x0] =	sbarrier.arrive $0xFFFF;
	(pc) =	sbr.rel @p0 .LBB2_1-.Ltmp1, $4  }
0x3d: {  	[hbm:s12], [sflag:s18] =	dma.local [spmem:s19], $0x2800  }
0x3e: {  	_ =	swait.ge [sflag:s15], $0x2800  }
0x3f: {  	[sflag:s15] =	ssyncset.done $0x0  }
0x40: {  	[sflag:s15] =	ssyncadd.s32 $0xFFFFD800  }
0x41: {  	_ =	sfence.sel $0x180000  }
0x42: {  	[bflag:$0x0] =	sbarrier.arrive $0xFFFF  }
0x43: {  	p0 =	sne.s32 s0, $0x0;
	_ =	strace $0x90000047  }
0x44: {  	s0 =	sadd.s32 @!p0 $0x100000, s1;
	[bflag:$0x2] =	sbarrier.arrive $0xFFFF  }
0x45: {  	[sflag:s0] =	ssyncadd.tile.s32 @!p0 $0x1;
	_ =	shalt  }
.Lfunc_end2:
_tile_overlayer_lowered:
.L_overlay_start_2:
0x46: {  	(tag) =	ssettag $0x2  }
0x47: {  	s0 =	rddreg [dreg:$0x0];
	s2 =	stileid.u32  }
0x48: {  	s1 =	rddreg [dreg:$0x1];
	p0 =	sne.s32 s2, $0x0  }
0x49: {  	s3 =	rddreg [dreg:$0x2];
	[bflag:$0x3] =	sbarrier.arrive $0xFFFF;
	s2 =	simm.s32 @!p0 $0x1C01  }
0x4a: {  	[timem:s3], [sflag:s2] =	dma.local @!p0 [hbm:s0], s1  }
0x4b: {  	s0 =	simm.s32 @!p0 $0x1  }
0x4c: {  	_ =	swait.ge @!p0 [sflag:s0], s1  }
0x4d: {  	s1 =	ssub.s32 @!p0 $0x0, s1;
	[sflag:s0] =	ssyncset.done @!p0 $0x0  }
0x4e: {  	[sflag:s0] =	ssyncadd.s32 @!p0 s1  }
0x4f: {  	[bflag:$0x3] =	sbarrier.arrive $0xFFFF  }
0x50: {  	_ =	shalt  }

// kernel: kernel.13.cloned.1.call-start
scs
__scs_entry_jumppad:
0x0: {  	(pc) =	sbr.rel $0x88, $3  }
0x1: {  	(tag) =	ssettag $0x0;
	lr =	simm.s32 $0x1  }
0x2: {  	[smem:$0x3F90] =	sst lr;
	_ =	strace $0xD0000000  }
0x3: {  	_ = 	snop  }
0x4: {  	_ = 	snop  }
0x5: {  	_ = 	snop  }
0x6: {  	_ = 	snop  }
0x7: {  	_ = 	snop  }
__scs_overlays_trampoline_lowered:
0x8: {  	[smem:$0x3F9F] =	sst s0  }
0x9: {  	[smem:$0x3FA0] =	sst s1  }
0xa: {  	[smem:$0x3FA1] =	sst s2  }
0xb: {  	[smem:$0x3FA2] =	sst s3  }
0xc: {  	[smem:$0x3FA3] =	sst s4  }
0xd: {  	[smem:$0x3FA4] =	sst s5  }
0xe: {  	[smem:$0x3FA5] =	sst s6  }
0xf: {  	[smem:$0x3FA6] =	sst s7  }
0x10: {  	[smem:$0x3FA7] =	sst s8  }
0x11: {  	[smem:$0x3FA8] =	sst s9;
	s0 =	simm.s32 @!p0 $0x0  }
0x12: {  	s1 =	sld [smem:$0x3F8E];
	s0 =	simm.s32 @p0 $0x1  }
0x13: {  	[smem:$0x3FA9] =	sst s0;
	s0 =	simm.s32 @!p1 $0x0  }
0x14: {  	s2 =	sld [smem:$0x3F8D];
	s0 =	simm.s32 @p1 $0x1  }
0x15: {  	[smem:$0x3FAA] =	sst s0;
	s0 =	simm.s32 @!p2 $0x0  }
0x16: {  	s3 =	sld [smem:$0x3FDB];
	s0 =	simm.s32 @p2 $0x1  }
0x17: {  	s4 =	simm.s32 $0x1BF5;
	[smem:$0x3FAC] =	sst s0  }
0x18: {  	s0 =	sld [smem:$0x3F8F];
	_ =	swait.ge [sflag:s4], $0x0  }
0x19: {  	s7 =	sld [smem:$0x3F90]  }
0x1a: {  	s8 =	sadd.s32 $0xFFFFE003, lr  }
0x1b: {  	s9 =	sadd.s32 $0xFFFFFEF7, lr;
	s5 =	simm.s32 $0xFFFFFFFF;
	p2 =	slt.u32 s8, $0xFFFFF086  }
0x1c: {  	p1 =	slt.u32 s9, $0xF7A;
	s5 =	simm.s32 @!p2 $0x0  }
0x1d: {  	s5 =	simm.s32 @p1 $0x1;
	p0 =	seq.s32 s7, s2  }
0x1e: {  	s7 =	smul.u32 @!p0 $0xF7A, s2;
	p2 =	seq.s32 @!p0 s5, $0x0  }
0x1f: {  	s9 =	smul.u32 $0xF7A, s1;
	s8 =	simm.s32 @!p0 $0x1BF5;
	p2 =	por !p2, p0  }
0x20: {  	[sflag:s8] =	ssyncset.s32 @!p0 $0xFFFFF086;
	s6 =	sadd.s32 @!p0 s3, s7;
	s7 =	simm.s32 @!p0 $0x108  }
0x21: {  	s3 =	sadd.s32 s3, s9;
	s6 =	sadd.s32 @!p0 $0x88, s6;
	s7 =	simm.s32 @p2 $0x1082  }
0x22: {  	[simem:s7], [sflag:s8] =	dma.local @!p0 [hbm:s6], $0xF7A  }
0x23: {  	s9 =	sor.u32 $0xD0000000, s2;
	s6 =	simm.s32 $0x108;
	_ =	swait.ge @!p0 [sflag:s8], $0x0  }
0x24: {  	s3 =	sadd.s32 $0x88, s3;
	s6 =	simm.s32 @!p1 $0x1082;
	[sflag:s4] =	ssyncset.s32 $0xFFFFF086  }
0x25: {  	[simem:s6], [sflag:s4] =	dma.local [hbm:s3], $0xF7A  }
0x26: {  	[smem:$0x3F90] =	sst s1;
	(tag) =	ssettag s2;
	_ =	strace s9  }
0x27: {  	s1 =	sld [smem:$0x3FA0]  }
0x28: {  	s2 =	sld [smem:$0x3FA1]  }
0x29: {  	s4 =	sld [smem:$0x3FA3]  }
0x2a: {  	p0 =	seq.s32 s5, $0x0;
	s5 =	sld [smem:$0x3FA4]  }
0x2b: {  	s6 =	sld [smem:$0x3FA5]  }
0x2c: {  	s7 =	sld [smem:$0x3FA6]  }
0x2d: {  	s3 =	simm.s32 $0x108;
	s8 =	sld [smem:$0x3FA7]  }
0x2e: {  	s3 =	simm.s32 @!p0 $0x1082;
	s9 =	sld [smem:$0x3FA8]  }
0x2f: {  	lr =	sadd.s32 s0, s3;
	s0 =	sld [smem:$0x3F9F]  }
0x30: {  	s3 =	sld [smem:$0x3FA2]  }
0x31: {  	[smem:$0x3FAB] =	sst s10  }
0x32: {  	s10 =	sld [smem:$0x3FA9];
	_ =	sdelay $0x3  }
0x33: {  	p0 =	seq.s32 s10, $0x1;
	s10 =	sld [smem:$0x3FAB];
	_ =	sdelay $0x3  }
0x34: {  	[smem:$0x3FAB] =	sst s10  }
0x35: {  	s10 =	sld [smem:$0x3FAA];
	_ =	sdelay $0x3  }
0x36: {  	p1 =	seq.s32 s10, $0x1;
	s10 =	sld [smem:$0x3FAB];
	_ =	sdelay $0x3  }
0x37: {  	[smem:$0x3FAB] =	sst s10  }
0x38: {  	s10 =	sld [smem:$0x3FAC]  }
0x39: {  	_ = 	snop;
	(pc) =	sbr.ind lr, $3  }
0x3a: {  	_ = 	snop  }
0x3b: {  	_ = 	snop  }
0x3c: {  	p2 =	seq.s32 s10, $0x1;
	s10 =	sld [smem:$0x3FAB]  }
0x3d: {  	_ =	shalt  }
0x3e: {  	_ =	shalt  }
0x3f: {  	_ =	shalt  }
0x40: {  	_ =	shalt  }
0x41: {  	_ =	shalt  }
0x42: {  	_ =	shalt  }
0x43: {  	_ =	shalt  }
0x44: {  	_ =	shalt  }
0x45: {  	_ =	shalt  }
0x46: {  	_ =	shalt  }
0x47: {  	_ =	shalt  }
0x48: {  	_ =	shalt  }
0x49: {  	_ =	shalt  }
0x4a: {  	_ =	shalt  }
0x4b: {  	_ =	shalt  }
0x4c: {  	_ =	shalt  }
0x4d: {  	_ =	shalt  }
0x4e: {  	_ =	shalt  }
0x4f: {  	_ =	shalt  }
0x50: {  	_ =	shalt  }
0x51: {  	_ =	shalt  }
0x52: {  	_ =	shalt  }
0x53: {  	_ =	shalt  }
0x54: {  	_ =	shalt  }
0x55: {  	_ =	shalt  }
0x56: {  	_ =	shalt  }
0x57: {  	_ =	shalt  }
0x58: {  	_ =	shalt  }
0x59: {  	_ =	shalt  }
0x5a: {  	_ =	shalt  }
0x5b: {  	_ =	shalt  }
0x5c: {  	_ =	shalt  }
0x5d: {  	_ =	shalt  }
0x5e: {  	_ =	shalt  }
0x5f: {  	_ =	shalt  }
0x60: {  	_ =	shalt  }
0x61: {  	_ =	shalt  }
0x62: {  	_ =	shalt  }
0x63: {  	_ =	shalt  }
0x64: {  	_ =	shalt  }
0x65: {  	_ =	shalt  }
0x66: {  	_ =	shalt  }
0x67: {  	_ =	shalt  }
0x68: {  	_ =	shalt  }
0x69: {  	_ =	shalt  }
0x6a: {  	_ =	shalt  }
0x6b: {  	_ =	shalt  }
0x6c: {  	_ =	shalt  }
0x6d: {  	_ =	shalt  }
0x6e: {  	_ =	shalt  }
0x6f: {  	_ =	shalt  }
0x70: {  	_ =	shalt  }
0x71: {  	_ =	shalt  }
0x72: {  	_ =	shalt  }
0x73: {  	_ =	shalt  }
0x74: {  	_ =	shalt  }
0x75: {  	_ =	shalt  }
0x76: {  	_ =	shalt  }
0x77: {  	_ =	shalt  }
0x78: {  	_ =	shalt  }
0x79: {  	_ =	shalt  }
0x7a: {  	_ =	shalt  }
0x7b: {  	_ =	shalt  }
0x7c: {  	_ =	shalt  }
0x7d: {  	_ =	shalt  }
0x7e: {  	_ =	shalt  }
0x7f: {  	_ =	shalt  }
0x80: {  	_ =	shalt  }
0x81: {  	_ =	shalt  }
0x82: {  	_ =	shalt  }
0x83: {  	_ =	shalt  }
0x84: {  	_ =	shalt  }
0x85: {  	_ =	shalt  }
0x86: {  	_ =	shalt  }
0x87: {  	_ =	shalt  }
.Lfunc_end0:
.L_simem_size_0:
called_computation.1_lowered:
.L_overlay_start_0:
0x88: {  	s2 =	sld [smem:$0x3FD9]  }
0x89: {  	s3 =	sld [smem:$0x3FFE];
	_ =	sdelay $0x1  }
0x8a: {  	s1 =	srdreg.scid  }
0x8b: {  	s0 =	sand.u32 $0x1, s1  }
0x8c: {  	s16 =	sshll.u32 s0, $0xA;
	s2 =	sadd.s32 s3, s2  }
0x8d: {  	s2 =	sadd.s32 s2, s16  }
0x8e: {  	[smem:$0x3FB7] =	sst s2  }
0x8f: {  	_ = 	snop  }
0x90: {  	(tm) =	ssettm $0x1  }
0x91: {  	s17 =	sld [smem:$0x3FFB];
	_ =	sdelay $0x3  }
0x92: {  	_ =	strace s17  }
0x93: {  	s2 =	sld [smem:$0x3FFC];
	_ =	sdelay $0x3  }
0x94: {  	_ =	strace s2  }
0x95: {  	s2 =	sld [smem:$0x3FFD];
	_ =	sdelay $0x3  }
0x96: {  	_ =	strace s2  }
0x97: {  	_ =	strace $0x8FFFFFFF  }
0x98: {  	s18 =	sld [smem:$0x3FDB];
	_ =	sdelay $0x1  }
0x99: {  	s19 =	simm.s32 $_scs_section_size  }
0x9a: {  	s4 =	simm.s32 $_size__tile_overlayer_lowered;
	s5 =	simm.s32 $_tile_overlayer_lowered  }
0x9b: {  	s22 =	simm.s32 $0x1BFF;
	s21 =	sshll.u32 s5, $0x1;
	s2 =	sadd.s32 s19, s18  }
0x9c: {  	s6 =	simm.s32 $0x0;
	s20 =	sshll.u32 s4, $0x1;
	s4 =	sadd.s32 s21, s2  }
0x9d: {  	[timem:s6], [sflag:s22] =	dma.local [hbm:s4], s20  }
0x9e: {  	_ =	swait.ge [sflag:s22], s20  }
0x9f: {  	s3 =	ssub.s32 $0x0, s20;
	[sflag:s22] =	ssyncset.done $0x0  }
0xa0: {  	[sflag:s22] =	ssyncadd.s32 s3;
	_ =	sdelay $0x1  }
0xa1: {  	s23 =	simm.s32 $0x1B8B  }
0xa2: {  	_ =	swait.ge [sflag:s23], $0x1  }
0xa3: {  	[sflag:s23] =	ssyncset.done $0x0  }
0xa4: {  	s25 =	simm.s32 $0x1B8E;
	s24 =	sld [smem:$0x3FFE];
	[sflag:s23] =	ssyncadd.s32 $0xFFFFFFFF  }
0xa5: {  	s26 =	simm.s32 $execute0_lowered;
	[smem:$0x3FD2] =	sst s25  }
0xa6: {  	s4 =	sshll.u32 s26, $0x1;
	_ =	strace $0x80000049;
	[dreg:$0x1] =	wrdreg $0xFFFFFFFF  }
0xa7: {  	s28 =	simm.s32 $_size_execute0_lowered;
	s2 =	sadd.s32 s2, s4;
	[dreg:$0x0] =	wrdreg $0x0  }
0xa8: {  	s4 =	sshll.u32 s28, $0x1;
	[dreg:$0x2] =	wrdreg s2  }
0xa9: {  	[dreg:$0x3] =	wrdreg s4  }
0xaa: {  	[dreg:$0x4] =	wrdreg $0xC0  }
0xab: {  	_ =	task [dreg:s6], $0x5FFFF  }
0xac: {  	[dreg:$0x1] =	wrdreg $0xFFFFFFFF  }
0xad: {  	[dreg:$0x0] =	wrdreg $0x60  }
0xae: {  	[dreg:$0x2] =	wrdreg s24  }
0xaf: {  	[dreg:$0x3] =	wrdreg $0xA8000  }
0xb0: {  	[dreg:$0x4] =	wrdreg $0x9  }
0xb1: {  	_ =	task.clear_ibuf [dreg:s6], $0x5FFFF;
	_ =	strace $0x90000049  }
0xb2: {  	s29 =	simm.s32 $0x9;
	_ =	strace $0x8000004B  }
0xb3: {  	_ =	swait.ge [sflag:s29], $0x1  }
0xb4: {  	[sflag:s29] =	ssyncadd.s32 $0xFFFFFFFF  }
0xb5: {  	_ =	strace $0x9000004B  }
0xb6: {  	_ =	sfence  }
0xb7: {  	s30 =	sld [smem:$0x0];
	_ =	sdelay $0x2  }
0xb8: {  	s31 =	sshll.u32 s1, $0xD;
	s1 =	sshrl.u32 s1, $0x2  }
0xb9: {  	s3 =	sand.u32 $0x4000, s31;
	s1 =	sadd.s32 s1, s30  }
0xba: {  	s0 =	sor.u32 s3, s0;
	s1 =	sshll.u32 s1, $0x11  }
0xbb: {  	s0 =	sor.u32 s1, s0  }
0xbc: {  	s0 =	sadd.s32 $0x8F2B, s0  }
0xbd: {  	[sflag:s0] =	ssyncadd.remote.s32 $0x1  }
0xbe: {  	_ =	sfence.sel $0xFFFF  }
0xbf: {  	[dreg:$0x0] =	wrdreg $0xFFFFFFFF;
	(pc) =	sbr.abs _section_cstart, $3  }
0xc0: {  	[dreg:$0x1] =	wrdreg $0xFFFFFFFF  }
0xc1: {  	_ =	task.clear_ibuf [dreg:s6], $0x2FFFF;
	_ =	strace $0x9FFFFFFF  }
0xc2: {  	(tm) =	ssettm $0x7FFFFFFF  }
0xc3: {  	_ =	shalt  }
tec
execute0_lowered:
.L_overlay_start_1:
0x0: {  	(tag) =	ssettag $0x1  }
0x1: {  	s6 =	rddreg [dreg:$0x0]  }
0x2: {  	s1 =	rddreg [dreg:$0x1];
	s2 =	srdreg.scid;
	s3 =	simm.s32 $0x0  }
0x3: {  	s21 =	simm.s32 $0x3;
	s22 =	simm.s32 $0x1400;
	s23 =	simm.s32 $0x7D  }
0x4: {  	s24 =	simm.s32 $0x6800;
	s25 =	simm.s32 $0x1;
	s26 =	simm.s32 $0x2  }
0x5: {  	s28 =	simm.s32 $0x0;
	s7 =	sand.u32 $0x1, s2;
	s2 =	stileid.u32  }
0x6: {  	[smem:$0x7FF] =	sst s3;
	s4 =	sadd.s32 $0x69800, s6;
	s5 =	smul.u32 $0x140000, s7  }
0x7: {  	s18 =	sadd.s32 $0x5F800, s6;
	s19 =	sadd.s32 $0x4800, s6;
	s8 =	smul.u32 $0x14000, s2  }
0x8: {  	s9 =	smul.u32 $0x50000, s2;
	s30 =	ssub.s32 $0x2, s7;
	s7 =	sshll.u32 s7, $0x4  }
0x9: {  	_ =	strace $0x8000004A;
	s31 =	sshrl.u32 s30, $0x1;
	s10 =	sor.u32 s2, s7  }
0xa: {  	s5 =	sadd.s32 s8, s5;
	s9 =	sshrl.u32 s9, $0x2;
	s15 =	ssub.s32 s30, s31  }
0xb: {  	s16 =	smul.u32 $0x2800, s10;
	s8 =	sshrl.u32 s5, $0x3;
	s5 =	sadd.s32 $0xE800, s6  }
0xc: {  	s15 =	smax.u32 s15, $0x1;
	s14 =	sadd.s32 s8, s6;
	s6 =	sadd.s32 s9, s1  }
0xd: {  	s17 =	sshrl.u32 s16, $0x3;
	s7 =	sadd.s32 $0x2800, s6;
	s8 =	sadd.s32 $0x5000, s6  }
0xe: {  	s9 =	sadd.s32 $0x7800, s6;
	s10 =	sadd.s32 $0xA000, s6;
	s11 =	sadd.s32 $0xC800, s6  }
0xf: {  	s12 =	sadd.s32 $0xF000, s6;
	s13 =	sadd.s32 $0x11800, s6;
	s14 =	sadd.s32 $0x91800, s14  }
0x10: {  	s20 =	sadd.s32 $0x280, s17;
	s16 =	sadd.s32 s18, s17;
	s17 =	sadd.s32 s19, s17  }
0x11: {  	s18 =	sadd.s32 s18, s20;
	s19 =	sadd.s32 s19, s20;
	s20 =	simm.s32 $0x2800  }
.LBB2_1:
0x12: {  	[tilespmem:s20], [sflag:$0x3] =	stream.linear.gather [hbm4b:s5+s3], $0x3E80, $0x38;
	[tilespmem:$0x1E800] =	vst v63  }
0x13: {  	_ =	swait.ge [sflag:s21], $0x3E80  }
0x14: {  	[sflag:s21] =	ssyncset.done $0x0  }
0x15: {  	[sflag:s21] =	ssyncadd.s32 $0xFFFFC180  }
0x16: {  	[spmem:s6] =	stream.linear.scatter [tilespmem:s20], [sflag:$0x3], $0x2800, $0x38;
	[tilespmem:$0x1E800] =	vst v63  }
0x17: {  	_ =	swait.ge [sflag:s21], $0x2800  }
0x18: {  	[sflag:s21] =	ssyncset.done $0x0  }
0x19: {  	[sflag:s21] =	ssyncadd.s32 $0xFFFFD800  }
0x1a: {  	[spmem:s7] =	stream.linear.scatter [tilespmem:s20], [sflag:$0x3], $0x2800, $0x38;
	[tilespmem:$0x1E800] =	vst v63  }
0x1b: {  	_ =	swait.ge [sflag:s21], $0x2800  }
0x1c: {  	[sflag:s21] =	ssyncset.done $0x0  }
0x1d: {  	[sflag:s21] =	ssyncadd.s32 $0xFFFFD800  }
0x1e: {  	[spmem:s8] =	stream.linear.scatter [tilespmem:s20], [sflag:$0x3], $0x2800, $0x38;
	[tilespmem:$0x1E800] =	vst v63  }
0x1f: {  	_ =	swait.ge [sflag:s21], $0x2800  }
0x20: {  	[sflag:s21] =	ssyncset.done $0x0  }
0x21: {  	[sflag:s21] =	ssyncadd.s32 $0xFFFFD800  }
0x22: {  	[spmem:s9] =	stream.linear.scatter [tilespmem:s20], [sflag:$0x3], $0x2800, $0x38;
	[tilespmem:$0x1E800] =	vst v63  }
0x23: {  	_ =	swait.ge [sflag:s21], $0x2800  }
0x24: {  	[sflag:s21] =	ssyncset.done $0x0  }
0x25: {  	[sflag:s21] =	ssyncadd.s32 $0xFFFFD800  }
0x26: {  	[spmem:s10] =	stream.linear.scatter [tilespmem:s20], [sflag:$0x3], $0x2800, $0x38;
	[tilespmem:$0x1E800] =	vst v63  }
0x27: {  	_ =	swait.ge [sflag:s21], $0x2800  }
0x28: {  	[sflag:s21] =	ssyncset.done $0x0  }
0x29: {  	[sflag:s21] =	ssyncadd.s32 $0xFFFFD800  }
0x2a: {  	[spmem:s11] =	stream.linear.scatter [tilespmem:s20], [sflag:$0x3], $0x2800, $0x38;
	[tilespmem:$0x1E800] =	vst v63  }
0x2b: {  	_ =	swait.ge [sflag:s21], $0x2800  }
0x2c: {  	[sflag:s21] =	ssyncset.done $0x0  }
0x2d: {  	[sflag:s21] =	ssyncadd.s32 $0xFFFFD800  }
0x2e: {  	[spmem:s12] =	stream.linear.scatter [tilespmem:s20], [sflag:$0x3], $0x2800, $0x38;
	[tilespmem:$0x1E800] =	vst v63  }
0x2f: {  	_ =	swait.ge [sflag:s21], $0x2800  }
0x30: {  	[sflag:s21] =	ssyncset.done $0x0  }
0x31: {  	[sflag:s21] =	ssyncadd.s32 $0xFFFFD800  }
0x32: {  	[spmem:s13] =	stream.linear.scatter [tilespmem:s20], [sflag:$0x3], $0x2800, $0x38;
	[tilespmem:$0x1E800] =	vst v63  }
0x33: {  	_ =	swait.ge [sflag:s21], $0x2800  }
0x34: {  	[sflag:s21] =	ssyncset.done $0x0  }
0x35: {  	[sflag:s21] =	ssyncadd.s32 $0xFFFFD800  }
0x36: {  	[bflag:$0x0] =	sbarrier.arrive $0xFFFF  }
0x37: {  	[tilespmem:s3], [sflag:$0x3] =	stream.linear.gather [hbm4b:s16+s3], $0x1400, $0x38;
	[tilespmem:$0x1E800] =	vst v63  }
0x38: {  	_ =	swait.ge [sflag:s21], $0x1400  }
0x39: {  	[sflag:s21] =	ssyncset.done $0x0  }
0x3a: {  	[sflag:s21] =	ssyncadd.s32 $0xFFFFEC00  }
0x3b: {  	[tilespmem:s22], [sflag:$0x3] =	stream.linear.gather [hbm4b:s17+s3], $0x1400, $0x38;
	[tilespmem:$0x1E800] =	vst v63  }
0x3c: {  	_ =	swait.ge [sflag:s21], $0x1400  }
0x3d: {  	[sflag:s21] =	ssyncset.done $0x0  }
0x3e: {  	s29 =	simm.s32 $0x0;
	[sflag:s21] =	ssyncadd.s32 $0xFFFFEC00  }
0x3f: {  	[tilespmem:s20], [sflag:$0x1] =	stream.indirect.gather [hbm4b:s4+s23], $0x80, s29, s23, $0xb8;
	[tilespmem:$0x1E800] =	vst v63  }
0x40: {  	s29 =	simm.s32 $0x80  }
0x41: {  	[tilespmem:s24], [sflag:$0x2] =	stream.indirect.gather [hbm4b:s4+s23], $0x80, s29, s23, $0xb8;
	[tilespmem:$0x1E800] =	vst v63  }
0x42: {  	_ =	swait.ge [sflag:s25], $0x3E80  }
0x43: {  	[sflag:s25] =	ssyncset.done $0x0  }
0x44: {  	s29 =	simm.s32 $0x1400;
	[sflag:s25] =	ssyncadd.s32 $0xFFFFC180  }
0x45: {  	[spmem:s1] =	stream.indirect.scatter.add.f32 [tilespmem:s20], [sflag:$0x3], $0x80, s29, s23, $0xb8;
	[tilespmem:$0x1E800] =	vst v63  }
0x46: {  	_ =	swait.ge [sflag:s21], $0x3E80  }
0x47: {  	[sflag:s21] =	ssyncset.done $0x0  }
0x48: {  	[sflag:s21] =	ssyncadd.s32 $0xFFFFC180  }
0x49: {  	_ =	swait.ge [sflag:s26], $0x3E80  }
0x4a: {  	[sflag:s26] =	ssyncset.done $0x0  }
0x4b: {  	s29 =	simm.s32 $0x1480;
	[sflag:s26] =	ssyncadd.s32 $0xFFFFC180  }
0x4c: {  	[spmem:s1] =	stream.indirect.scatter.add.f32 [tilespmem:s24], [sflag:$0x3], $0x80, s29, s23, $0xb8;
	[tilespmem:$0x1E800] =	vst v63  }
0x4d: {  	_ =	swait.ge [sflag:s21], $0x3E80  }
0x4e: {  	s30 =	simm.s32 $0x800;
	s29 =	simm.s32 $0x400;
	[sflag:s21] =	ssyncset.done $0x0  }
.LBB2_2:
0x4f: {  	s31 =	sshra.s32 s29, $0x2  }
0x50: {  	[sflag:s21] =	ssyncadd.s32 $0xFFFFC180;
	s29 =	smov.u32 s30;
	s0 =	sadd.s32 $0x400, s30  }
0x51: {  	[tilespmem:s20], [sflag:$0x1] =	stream.indirect.gather [hbm4b:s4+s23], $0x80, s31, s23, $0xb8;
	[tilespmem:$0x1E800] =	vst v63  }
0x52: {  	p0 =	sne.s32 s30, $0x4C00;
	s30 =	sadd.s32 $0x80, s31  }
0x53: {  	[tilespmem:s24], [sflag:$0x2] =	stream.indirect.gather [hbm4b:s4+s23], $0x80, s30, s23, $0xb8;
	[tilespmem:$0x1E800] =	vst v63  }
0x54: {  	_ =	swait.ge [sflag:s25], $0x3E80  }
0x55: {  	[sflag:s25] =	ssyncset.done $0x0  }
0x56: {  	s30 =	sadd.s32 $0x1400, s31;
	[sflag:s25] =	ssyncadd.s32 $0xFFFFC180  }
0x57: {  	[spmem:s1] =	stream.indirect.scatter.add.f32 [tilespmem:s20], [sflag:$0x3], $0x80, s30, s23, $0xb8;
	[tilespmem:$0x1E800] =	vst v63  }
0x58: {  	_ =	swait.ge [sflag:s21], $0x3E80  }
0x59: {  	[sflag:s21] =	ssyncset.done $0x0  }
0x5a: {  	[sflag:s21] =	ssyncadd.s32 $0xFFFFC180  }
0x5b: {  	_ =	swait.ge [sflag:s26], $0x3E80  }
.Ltmp0:
0x5c: {  	[sflag:s26] =	ssyncset.done $0x0;
	(pc) =	sbr.rel @p0 .LBB2_2-.Ltmp0, $4  }
0x5d: {  	s30 =	sadd.s32 $0x1480, s31;
	[sflag:s26] =	ssyncadd.s32 $0xFFFFC180  }
0x5e: {  	[spmem:s1] =	stream.indirect.scatter.add.f32 [tilespmem:s24], [sflag:$0x3], $0x80, s30, s23, $0xb8;
	[tilespmem:$0x1E800] =	vst v63  }
0x5f: {  	_ =	swait.ge [sflag:s21], $0x3E80  }
0x60: {  	s30 =	smov.u32 s0;
	[sflag:s21] =	ssyncset.done $0x0  }
0x61: {  	s0 =	sshra.s32 s29, $0x2;
	[sflag:s21] =	ssyncadd.s32 $0xFFFFC180  }
0x62: {  	[tilespmem:s20], [sflag:$0x1] =	stream.indirect.gather [hbm4b:s4+s23], $0x80, s0, s23, $0xb8;
	[tilespmem:$0x1E800] =	vst v63  }
0x63: {  	s29 =	sadd.s32 $0x80, s0  }
0x64: {  	[tilespmem:s24], [sflag:$0x2] =	stream.indirect.gather [hbm4b:s4+s23], $0x80, s29, s23, $0xb8;
	[tilespmem:$0x1E800] =	vst v63  }
0x65: {  	_ =	swait.ge [sflag:s25], $0x3E80  }
0x66: {  	[sflag:s25] =	ssyncset.done $0x0  }
0x67: {  	s29 =	sadd.s32 $0x1400, s0;
	[sflag:s25] =	ssyncadd.s32 $0xFFFFC180  }
0x68: {  	[spmem:s1] =	stream.indirect.scatter.add.f32 [tilespmem:s20], [sflag:$0x3], $0x80, s29, s23, $0xb8;
	[tilespmem:$0x1E800] =	vst v63  }
0x69: {  	_ =	swait.ge [sflag:s21], $0x3E80  }
0x6a: {  	[sflag:s21] =	ssyncset.done $0x0  }
0x6b: {  	[sflag:s21] =	ssyncadd.s32 $0xFFFFC180  }
0x6c: {  	_ =	swait.ge [sflag:s26], $0x3E80  }
0x6d: {  	[sflag:s26] =	ssyncset.done $0x0  }
0x6e: {  	s0 =	sadd.s32 $0x1480, s0;
	[sflag:s26] =	ssyncadd.s32 $0xFFFFC180  }
0x6f: {  	[spmem:s1] =	stream.indirect.scatter.add.f32 [tilespmem:s24], [sflag:$0x3], $0x80, s0, s23, $0xb8;
	[tilespmem:$0x1E800] =	vst v63  }
0x70: {  	_ =	swait.ge [sflag:s21], $0x3E80  }
0x71: {  	[sflag:s21] =	ssyncset.done $0x0  }
0x72: {  	s31 =	simm.s32 $0x0;
	[sflag:s21] =	ssyncadd.s32 $0xFFFFC180  }
0x73: {  	[tilespmem:s31], [sflag:$0x3] =	stream.linear.gather [hbm4b:s18+s31], $0x1400, $0x38;
	[tilespmem:$0x1E800] =	vst v63  }
0x74: {  	_ =	swait.ge [sflag:s21], $0x1400  }
0x75: {  	[sflag:s21] =	ssyncset.done $0x0  }
0x76: {  	[sflag:s21] =	ssyncadd.s32 $0xFFFFEC00  }
0x77: {  	[tilespmem:s22], [sflag:$0x3] =	stream.linear.gather [hbm4b:s19+s31], $0x1400, $0x38;
	[tilespmem:$0x1E800] =	vst v63  }
0x78: {  	_ =	swait.ge [sflag:s21], $0x1400  }
0x79: {  	[sflag:s21] =	ssyncset.done $0x0  }
0x7a: {  	s31 =	simm.s32 $0x0;
	[sflag:s21] =	ssyncadd.s32 $0xFFFFEC00  }
0x7b: {  	[tilespmem:s20], [sflag:$0x1] =	stream.indirect.gather [hbm4b:s4+s23], $0x80, s31, s23, $0xb8;
	[tilespmem:$0x1E800] =	vst v63  }
0x7c: {  	s31 =	simm.s32 $0x80  }
0x7d: {  	[tilespmem:s24], [sflag:$0x2] =	stream.indirect.gather [hbm4b:s4+s23], $0x80, s31, s23, $0xb8;
	[tilespmem:$0x1E800] =	vst v63  }
0x7e: {  	_ =	swait.ge [sflag:s25], $0x3E80  }
0x7f: {  	[sflag:s25] =	ssyncset.done $0x0  }
0x80: {  	s31 =	simm.s32 $0x1400;
	[sflag:s25] =	ssyncadd.s32 $0xFFFFC180  }
0x81: {  	[spmem:s1] =	stream.indirect.scatter.add.f32 [tilespmem:s20], [sflag:$0x3], $0x80, s31, s23, $0xb8;
	[tilespmem:$0x1E800] =	vst v63  }
0x82: {  	_ =	swait.ge [sflag:s21], $0x3E80  }
0x83: {  	[sflag:s21] =	ssyncset.done $0x0  }
0x84: {  	[sflag:s21] =	ssyncadd.s32 $0xFFFFC180  }
0x85: {  	_ =	swait.ge [sflag:s26], $0x3E80  }
0x86: {  	[sflag:s26] =	ssyncset.done $0x0  }
0x87: {  	s31 =	simm.s32 $0x1480;
	[sflag:s26] =	ssyncadd.s32 $0xFFFFC180  }
0x88: {  	[spmem:s1] =	stream.indirect.scatter.add.f32 [tilespmem:s24], [sflag:$0x3], $0x80, s31, s23, $0xb8;
	[tilespmem:$0x1E800] =	vst v63  }
0x89: {  	_ =	swait.ge [sflag:s21], $0x3E80  }
0x8a: {  	s30 =	simm.s32 $0x800;
	s29 =	simm.s32 $0x400;
	[sflag:s21] =	ssyncset.done $0x0  }
.LBB2_4:
0x8b: {  	s0 =	sshra.s32 s29, $0x2  }
0x8c: {  	[sflag:s21] =	ssyncadd.s32 $0xFFFFC180;
	s29 =	smov.u32 s30;
	s31 =	sadd.s32 $0x400, s30  }
0x8d: {  	[tilespmem:s20], [sflag:$0x1] =	stream.indirect.gather [hbm4b:s4+s23], $0x80, s0, s23, $0xb8;
	[tilespmem:$0x1E800] =	vst v63  }
0x8e: {  	p0 =	sne.s32 s30, $0x4C00;
	s30 =	sadd.s32 $0x80, s0  }
0x8f: {  	[tilespmem:s24], [sflag:$0x2] =	stream.indirect.gather [hbm4b:s4+s23], $0x80, s30, s23, $0xb8;
	[tilespmem:$0x1E800] =	vst v63  }
0x90: {  	_ =	swait.ge [sflag:s25], $0x3E80  }
0x91: {  	[sflag:s25] =	ssyncset.done $0x0  }
0x92: {  	s30 =	sadd.s32 $0x1400, s0;
	[sflag:s25] =	ssyncadd.s32 $0xFFFFC180  }
0x93: {  	[spmem:s1] =	stream.indirect.scatter.add.f32 [tilespmem:s20], [sflag:$0x3], $0x80, s30, s23, $0xb8;
	[tilespmem:$0x1E800] =	vst v63  }
0x94: {  	_ =	swait.ge [sflag:s21], $0x3E80  }
0x95: {  	[sflag:s21] =	ssyncset.done $0x0  }
0x96: {  	[sflag:s21] =	ssyncadd.s32 $0xFFFFC180  }
0x97: {  	_ =	swait.ge [sflag:s26], $0x3E80  }
.Ltmp1:
0x98: {  	[sflag:s26] =	ssyncset.done $0x0;
	(pc) =	sbr.rel @p0 .LBB2_4-.Ltmp1, $4  }
0x99: {  	s0 =	sadd.s32 $0x1480, s0;
	[sflag:s26] =	ssyncadd.s32 $0xFFFFC180  }
0x9a: {  	[spmem:s1] =	stream.indirect.scatter.add.f32 [tilespmem:s24], [sflag:$0x3], $0x80, s0, s23, $0xb8;
	[tilespmem:$0x1E800] =	vst v63  }
0x9b: {  	_ =	swait.ge [sflag:s21], $0x3E80  }
0x9c: {  	s30 =	smov.u32 s31;
	[sflag:s21] =	ssyncset.done $0x0  }
0x9d: {  	s0 =	sshra.s32 s29, $0x2;
	[sflag:s21] =	ssyncadd.s32 $0xFFFFC180  }
0x9e: {  	[tilespmem:s20], [sflag:$0x1] =	stream.indirect.gather [hbm4b:s4+s23], $0x80, s0, s23, $0xb8;
	[tilespmem:$0x1E800] =	vst v63  }
0x9f: {  	s29 =	sadd.s32 $0x80, s0  }
0xa0: {  	[tilespmem:s24], [sflag:$0x2] =	stream.indirect.gather [hbm4b:s4+s23], $0x80, s29, s23, $0xb8;
	[tilespmem:$0x1E800] =	vst v63  }
0xa1: {  	_ =	swait.ge [sflag:s25], $0x3E80  }
0xa2: {  	[sflag:s25] =	ssyncset.done $0x0  }
0xa3: {  	s31 =	sadd.s32 $0x1400, s0;
	[sflag:s25] =	ssyncadd.s32 $0xFFFFC180  }
0xa4: {  	[spmem:s1] =	stream.indirect.scatter.add.f32 [tilespmem:s20], [sflag:$0x3], $0x80, s31, s23, $0xb8;
	[tilespmem:$0x1E800] =	vst v63  }
0xa5: {  	_ =	swait.ge [sflag:s21], $0x3E80  }
0xa6: {  	[sflag:s21] =	ssyncset.done $0x0  }
0xa7: {  	[sflag:s21] =	ssyncadd.s32 $0xFFFFC180  }
0xa8: {  	_ =	swait.ge [sflag:s26], $0x3E80  }
0xa9: {  	[sflag:s26] =	ssyncset.done $0x0  }
0xaa: {  	s0 =	sadd.s32 $0x1480, s0;
	[sflag:s26] =	ssyncadd.s32 $0xFFFFC180  }
0xab: {  	[spmem:s1] =	stream.indirect.scatter.add.f32 [tilespmem:s24], [sflag:$0x3], $0x80, s0, s23, $0xb8;
	[tilespmem:$0x1E800] =	vst v63  }
0xac: {  	_ =	swait.ge [sflag:s21], $0x3E80  }
0xad: {  	s30 =	sshll.u32 s2, $0x6;
	s28 =	sadd.s32 $0x1, s28;
	[sflag:s21] =	ssyncset.done $0x0  }
0xae: {  	p0 =	sne.s32 s28, s15;
	s31 =	sshrl.u32 s6, $0x3;
	[sflag:s21] =	ssyncadd.s32 $0xFFFFC180  }
.Ltmp2:
0xaf: {  	s0 =	sor.u32 $0x1C03, s30;
	[bflag:$0x0] =	sbarrier.arrive $0xFFFF;
	(pc) =	sbr.rel @p0 .LBB2_1-.Ltmp2, $4  }
0xb0: {  	[hbm:s14], [sflag:s0] =	dma.local [spmem:s31], $0x2800  }
0xb1: {  	_ =	swait.ge [sflag:s21], $0x2800  }
0xb2: {  	[sflag:s21] =	ssyncset.done $0x0  }
0xb3: {  	[sflag:s21] =	ssyncadd.s32 $0xFFFFD800  }
0xb4: {  	_ =	sfence.sel $0x180000  }
0xb5: {  	[bflag:$0x0] =	sbarrier.arrive $0xFFFF  }
0xb6: {  	_ =	strace $0x9000004A  }
0xb7: {  	[bflag:$0x2] =	sbarrier.arrive $0xFFFF  }
0xb8: {  	p0 =	sne.s32 s2, $0x0;
	s0 =	rddreg [dreg:$0x2]  }
0xb9: {  	s0 =	sadd.s32 @!p0 $0x100000, s0  }
0xba: {  	[sflag:s0] =	ssyncadd.tile.s32 @!p0 $0x1;
	_ =	shalt  }
.Lfunc_end2:
_tile_overlayer_lowered:
.L_overlay_start_2:
0xbb: {  	(tag) =	ssettag $0x2  }
0xbc: {  	s0 =	rddreg [dreg:$0x0];
	s2 =	stileid.u32  }
0xbd: {  	s1 =	rddreg [dreg:$0x1];
	p0 =	sne.s32 s2, $0x0  }
0xbe: {  	s3 =	rddreg [dreg:$0x2];
	[bflag:$0x3] =	sbarrier.arrive $0xFFFF;
	s2 =	simm.s32 @!p0 $0x1C03  }
0xbf: {  	[timem:s3], [sflag:s2] =	dma.local @!p0 [hbm:s0], s1  }
0xc0: {  	s0 =	simm.s32 @!p0 $0x3  }
0xc1: {  	_ =	swait.ge @!p0 [sflag:s0], s1  }
0xc2: {  	s1 =	ssub.s32 @!p0 $0x0, s1;
	[sflag:s0] =	ssyncset.done @!p0 $0x0  }
0xc3: {  	[sflag:s0] =	ssyncadd.s32 @!p0 s1  }
0xc4: {  	[bflag:$0x3] =	sbarrier.arrive $0xFFFF  }
0xc5: {  	_ =	shalt  }

// kernel: kernel.16.cloned.1.call-start
scs
__scs_entry_jumppad:
0x0: {  	(pc) =	sbr.rel $0x88, $3  }
0x1: {  	(tag) =	ssettag $0x0;
	lr =	simm.s32 $0x1  }
0x2: {  	[smem:$0x3F90] =	sst lr;
	_ =	strace $0xD0000000  }
0x3: {  	_ = 	snop  }
0x4: {  	_ = 	snop  }
0x5: {  	_ = 	snop  }
0x6: {  	_ = 	snop  }
0x7: {  	_ = 	snop  }
__scs_overlays_trampoline_lowered:
0x8: {  	[smem:$0x3F9F] =	sst s0  }
0x9: {  	[smem:$0x3FA0] =	sst s1  }
0xa: {  	[smem:$0x3FA1] =	sst s2  }
0xb: {  	[smem:$0x3FA2] =	sst s3  }
0xc: {  	[smem:$0x3FA3] =	sst s4  }
0xd: {  	[smem:$0x3FA4] =	sst s5  }
0xe: {  	[smem:$0x3FA5] =	sst s6  }
0xf: {  	[smem:$0x3FA6] =	sst s7  }
0x10: {  	[smem:$0x3FA7] =	sst s8  }
0x11: {  	[smem:$0x3FA8] =	sst s9;
	s0 =	simm.s32 @!p0 $0x0  }
0x12: {  	s1 =	sld [smem:$0x3F8E];
	s0 =	simm.s32 @p0 $0x1  }
0x13: {  	[smem:$0x3FA9] =	sst s0;
	s0 =	simm.s32 @!p1 $0x0  }
0x14: {  	s2 =	sld [smem:$0x3F8D];
	s0 =	simm.s32 @p1 $0x1  }
0x15: {  	[smem:$0x3FAA] =	sst s0;
	s0 =	simm.s32 @!p2 $0x0  }
0x16: {  	s3 =	sld [smem:$0x3FDB];
	s0 =	simm.s32 @p2 $0x1  }
0x17: {  	s4 =	simm.s32 $0x1BF5;
	[smem:$0x3FAC] =	sst s0  }
0x18: {  	s0 =	sld [smem:$0x3F8F];
	_ =	swait.ge [sflag:s4], $0x0  }
0x19: {  	s7 =	sld [smem:$0x3F90]  }
0x1a: {  	s8 =	sadd.s32 $0xFFFFE003, lr  }
0x1b: {  	s9 =	sadd.s32 $0xFFFFFEF7, lr;
	s5 =	simm.s32 $0xFFFFFFFF;
	p2 =	slt.u32 s8, $0xFFFFF086  }
0x1c: {  	p1 =	slt.u32 s9, $0xF7A;
	s5 =	simm.s32 @!p2 $0x0  }
0x1d: {  	s5 =	simm.s32 @p1 $0x1;
	p0 =	seq.s32 s7, s2  }
0x1e: {  	s7 =	smul.u32 @!p0 $0xF7A, s2;
	p2 =	seq.s32 @!p0 s5, $0x0  }
0x1f: {  	s9 =	smul.u32 $0xF7A, s1;
	s8 =	simm.s32 @!p0 $0x1BF5;
	p2 =	por !p2, p0  }
0x20: {  	[sflag:s8] =	ssyncset.s32 @!p0 $0xFFFFF086;
	s6 =	sadd.s32 @!p0 s3, s7;
	s7 =	simm.s32 @!p0 $0x108  }
0x21: {  	s3 =	sadd.s32 s3, s9;
	s6 =	sadd.s32 @!p0 $0x88, s6;
	s7 =	simm.s32 @p2 $0x1082  }
0x22: {  	[simem:s7], [sflag:s8] =	dma.local @!p0 [hbm:s6], $0xF7A  }
0x23: {  	s9 =	sor.u32 $0xD0000000, s2;
	s6 =	simm.s32 $0x108;
	_ =	swait.ge @!p0 [sflag:s8], $0x0  }
0x24: {  	s3 =	sadd.s32 $0x88, s3;
	s6 =	simm.s32 @!p1 $0x1082;
	[sflag:s4] =	ssyncset.s32 $0xFFFFF086  }
0x25: {  	[simem:s6], [sflag:s4] =	dma.local [hbm:s3], $0xF7A  }
0x26: {  	[smem:$0x3F90] =	sst s1;
	(tag) =	ssettag s2;
	_ =	strace s9  }
0x27: {  	s1 =	sld [smem:$0x3FA0]  }
0x28: {  	s2 =	sld [smem:$0x3FA1]  }
0x29: {  	s4 =	sld [smem:$0x3FA3]  }
0x2a: {  	p0 =	seq.s32 s5, $0x0;
	s5 =	sld [smem:$0x3FA4]  }
0x2b: {  	s6 =	sld [smem:$0x3FA5]  }
0x2c: {  	s7 =	sld [smem:$0x3FA6]  }
0x2d: {  	s3 =	simm.s32 $0x108;
	s8 =	sld [smem:$0x3FA7]  }
0x2e: {  	s3 =	simm.s32 @!p0 $0x1082;
	s9 =	sld [smem:$0x3FA8]  }
0x2f: {  	lr =	sadd.s32 s0, s3;
	s0 =	sld [smem:$0x3F9F]  }
0x30: {  	s3 =	sld [smem:$0x3FA2]  }
0x31: {  	[smem:$0x3FAB] =	sst s10  }
0x32: {  	s10 =	sld [smem:$0x3FA9];
	_ =	sdelay $0x3  }
0x33: {  	p0 =	seq.s32 s10, $0x1;
	s10 =	sld [smem:$0x3FAB];
	_ =	sdelay $0x3  }
0x34: {  	[smem:$0x3FAB] =	sst s10  }
0x35: {  	s10 =	sld [smem:$0x3FAA];
	_ =	sdelay $0x3  }
0x36: {  	p1 =	seq.s32 s10, $0x1;
	s10 =	sld [smem:$0x3FAB];
	_ =	sdelay $0x3  }
0x37: {  	[smem:$0x3FAB] =	sst s10  }
0x38: {  	s10 =	sld [smem:$0x3FAC]  }
0x39: {  	_ = 	snop;
	(pc) =	sbr.ind lr, $3  }
0x3a: {  	_ = 	snop  }
0x3b: {  	_ = 	snop  }
0x3c: {  	p2 =	seq.s32 s10, $0x1;
	s10 =	sld [smem:$0x3FAB]  }
0x3d: {  	_ =	shalt  }
0x3e: {  	_ =	shalt  }
0x3f: {  	_ =	shalt  }
0x40: {  	_ =	shalt  }
0x41: {  	_ =	shalt  }
0x42: {  	_ =	shalt  }
0x43: {  	_ =	shalt  }
0x44: {  	_ =	shalt  }
0x45: {  	_ =	shalt  }
0x46: {  	_ =	shalt  }
0x47: {  	_ =	shalt  }
0x48: {  	_ =	shalt  }
0x49: {  	_ =	shalt  }
0x4a: {  	_ =	shalt  }
0x4b: {  	_ =	shalt  }
0x4c: {  	_ =	shalt  }
0x4d: {  	_ =	shalt  }
0x4e: {  	_ =	shalt  }
0x4f: {  	_ =	shalt  }
0x50: {  	_ =	shalt  }
0x51: {  	_ =	shalt  }
0x52: {  	_ =	shalt  }
0x53: {  	_ =	shalt  }
0x54: {  	_ =	shalt  }
0x55: {  	_ =	shalt  }
0x56: {  	_ =	shalt  }
0x57: {  	_ =	shalt  }
0x58: {  	_ =	shalt  }
0x59: {  	_ =	shalt  }
0x5a: {  	_ =	shalt  }
0x5b: {  	_ =	shalt  }
0x5c: {  	_ =	shalt  }
0x5d: {  	_ =	shalt  }
0x5e: {  	_ =	shalt  }
0x5f: {  	_ =	shalt  }
0x60: {  	_ =	shalt  }
0x61: {  	_ =	shalt  }
0x62: {  	_ =	shalt  }
0x63: {  	_ =	shalt  }
0x64: {  	_ =	shalt  }
0x65: {  	_ =	shalt  }
0x66: {  	_ =	shalt  }
0x67: {  	_ =	shalt  }
0x68: {  	_ =	shalt  }
0x69: {  	_ =	shalt  }
0x6a: {  	_ =	shalt  }
0x6b: {  	_ =	shalt  }
0x6c: {  	_ =	shalt  }
0x6d: {  	_ =	shalt  }
0x6e: {  	_ =	shalt  }
0x6f: {  	_ =	shalt  }
0x70: {  	_ =	shalt  }
0x71: {  	_ =	shalt  }
0x72: {  	_ =	shalt  }
0x73: {  	_ =	shalt  }
0x74: {  	_ =	shalt  }
0x75: {  	_ =	shalt  }
0x76: {  	_ =	shalt  }
0x77: {  	_ =	shalt  }
0x78: {  	_ =	shalt  }
0x79: {  	_ =	shalt  }
0x7a: {  	_ =	shalt  }
0x7b: {  	_ =	shalt  }
0x7c: {  	_ =	shalt  }
0x7d: {  	_ =	shalt  }
0x7e: {  	_ =	shalt  }
0x7f: {  	_ =	shalt  }
0x80: {  	_ =	shalt  }
0x81: {  	_ =	shalt  }
0x82: {  	_ =	shalt  }
0x83: {  	_ =	shalt  }
0x84: {  	_ =	shalt  }
0x85: {  	_ =	shalt  }
0x86: {  	_ =	shalt  }
0x87: {  	_ =	shalt  }
.Lfunc_end0:
.L_simem_size_0:
called_computation.2_lowered:
.L_overlay_start_0:
0x88: {  	s2 =	sld [smem:$0x3FD9]  }
0x89: {  	s3 =	sld [smem:$0x3FFE];
	_ =	sdelay $0x1  }
0x8a: {  	s1 =	srdreg.scid  }
0x8b: {  	s0 =	sand.u32 $0x1, s1  }
0x8c: {  	s16 =	sshll.u32 s0, $0xA;
	s2 =	sadd.s32 s3, s2  }
0x8d: {  	s2 =	sadd.s32 s2, s16  }
0x8e: {  	[smem:$0x3FB7] =	sst s2  }
0x8f: {  	_ = 	snop  }
0x90: {  	(tm) =	ssettm $0x1  }
0x91: {  	s17 =	sld [smem:$0x3FFB];
	_ =	sdelay $0x3  }
0x92: {  	_ =	strace s17  }
0x93: {  	s2 =	sld [smem:$0x3FFC];
	_ =	sdelay $0x3  }
0x94: {  	_ =	strace s2  }
0x95: {  	s2 =	sld [smem:$0x3FFD];
	_ =	sdelay $0x3  }
0x96: {  	_ =	strace s2  }
0x97: {  	_ =	strace $0x8FFFFFFF  }
0x98: {  	s18 =	sld [smem:$0x3FDB];
	_ =	sdelay $0x1  }
0x99: {  	s19 =	simm.s32 $_scs_section_size  }
0x9a: {  	s4 =	simm.s32 $_size__tile_overlayer_lowered;
	s5 =	simm.s32 $_tile_overlayer_lowered  }
0x9b: {  	s22 =	simm.s32 $0x1BFF;
	s21 =	sshll.u32 s5, $0x1;
	s2 =	sadd.s32 s19, s18  }
0x9c: {  	s6 =	simm.s32 $0x0;
	s20 =	sshll.u32 s4, $0x1;
	s4 =	sadd.s32 s21, s2  }
0x9d: {  	[timem:s6], [sflag:s22] =	dma.local [hbm:s4], s20  }
0x9e: {  	_ =	swait.ge [sflag:s22], s20  }
0x9f: {  	s3 =	ssub.s32 $0x0, s20;
	[sflag:s22] =	ssyncset.done $0x0  }
0xa0: {  	[sflag:s22] =	ssyncadd.s32 s3;
	_ =	sdelay $0x1  }
0xa1: {  	s23 =	simm.s32 $0x1B8B  }
0xa2: {  	_ =	swait.ge [sflag:s23], $0x1  }
0xa3: {  	[sflag:s23] =	ssyncset.done $0x0  }
0xa4: {  	s25 =	simm.s32 $0x1B8E;
	s24 =	sld [smem:$0x3FFE];
	[sflag:s23] =	ssyncadd.s32 $0xFFFFFFFF  }
0xa5: {  	s26 =	simm.s32 $execute0_lowered;
	[smem:$0x3FD2] =	sst s25  }
0xa6: {  	s4 =	sshll.u32 s26, $0x1;
	_ =	strace $0x8000004C;
	[dreg:$0x1] =	wrdreg $0xFFFFFFFF  }
0xa7: {  	s28 =	simm.s32 $_size_execute0_lowered;
	s2 =	sadd.s32 s2, s4;
	[dreg:$0x0] =	wrdreg $0x0  }
0xa8: {  	s4 =	sshll.u32 s28, $0x1;
	[dreg:$0x2] =	wrdreg s2  }
0xa9: {  	[dreg:$0x3] =	wrdreg s4  }
0xaa: {  	[dreg:$0x4] =	wrdreg $0xC0  }
0xab: {  	_ =	task [dreg:s6], $0x5FFFF  }
0xac: {  	[dreg:$0x1] =	wrdreg $0xFFFFFFFF  }
0xad: {  	[dreg:$0x0] =	wrdreg $0x60  }
0xae: {  	[dreg:$0x2] =	wrdreg s24  }
0xaf: {  	[dreg:$0x3] =	wrdreg $0xA8000  }
0xb0: {  	[dreg:$0x4] =	wrdreg $0x9  }
0xb1: {  	_ =	task.clear_ibuf [dreg:s6], $0x5FFFF;
	_ =	strace $0x9000004C  }
0xb2: {  	s29 =	simm.s32 $0x9;
	_ =	strace $0x8000004E  }
0xb3: {  	_ =	swait.ge [sflag:s29], $0x1  }
0xb4: {  	[sflag:s29] =	ssyncadd.s32 $0xFFFFFFFF  }
0xb5: {  	_ =	strace $0x9000004E  }
0xb6: {  	_ =	sfence  }
0xb7: {  	s30 =	sld [smem:$0x0];
	_ =	sdelay $0x2  }
0xb8: {  	s31 =	sshll.u32 s1, $0xD;
	s1 =	sshrl.u32 s1, $0x2  }
0xb9: {  	s3 =	sand.u32 $0x4000, s31;
	s1 =	sadd.s32 s1, s30  }
0xba: {  	s0 =	sor.u32 s3, s0;
	s1 =	sshll.u32 s1, $0x11  }
0xbb: {  	s0 =	sor.u32 s1, s0  }
0xbc: {  	s0 =	sadd.s32 $0x8F2B, s0  }
0xbd: {  	[sflag:s0] =	ssyncadd.remote.s32 $0x1  }
0xbe: {  	_ =	sfence.sel $0xFFFF  }
0xbf: {  	[dreg:$0x0] =	wrdreg $0xFFFFFFFF;
	(pc) =	sbr.abs _section_cstart, $3  }
0xc0: {  	[dreg:$0x1] =	wrdreg $0xFFFFFFFF  }
0xc1: {  	_ =	task.clear_ibuf [dreg:s6], $0x2FFFF;
	_ =	strace $0x9FFFFFFF  }
0xc2: {  	(tm) =	ssettm $0x7FFFFFFF  }
0xc3: {  	_ =	shalt  }
tec
execute0_lowered:
.L_overlay_start_1:
0x0: {  	(tag) =	ssettag $0x1  }
0x1: {  	s6 =	rddreg [dreg:$0x0]  }
0x2: {  	s1 =	rddreg [dreg:$0x1];
	s2 =	srdreg.scid;
	s3 =	simm.s32 $0x0  }
0x3: {  	s21 =	simm.s32 $0x3;
	s22 =	simm.s32 $0x1400;
	s23 =	simm.s32 $0x7D  }
0x4: {  	s24 =	simm.s32 $0x6800;
	s25 =	simm.s32 $0x1;
	s26 =	simm.s32 $0x2  }
0x5: {  	s28 =	simm.s32 $0x0;
	s7 =	sand.u32 $0x1, s2;
	s2 =	stileid.u32  }
0x6: {  	[smem:$0x7FF] =	sst s3;
	s4 =	sadd.s32 $0x69800, s6;
	s5 =	smul.u32 $0x140000, s7  }
0x7: {  	s18 =	sadd.s32 $0x5F800, s6;
	s19 =	sadd.s32 $0x4800, s6;
	s8 =	smul.u32 $0x14000, s2  }
0x8: {  	s9 =	smul.u32 $0x50000, s2;
	s30 =	ssub.s32 $0x2, s7;
	s7 =	sshll.u32 s7, $0x4  }
0x9: {  	_ =	strace $0x8000004D;
	s31 =	sshrl.u32 s30, $0x1;
	s10 =	sor.u32 s2, s7  }
0xa: {  	s5 =	sadd.s32 s8, s5;
	s9 =	sshrl.u32 s9, $0x2;
	s15 =	ssub.s32 s30, s31  }
0xb: {  	s16 =	smul.u32 $0x2800, s10;
	s8 =	sshrl.u32 s5, $0x3;
	s5 =	sadd.s32 $0xE800, s6  }
0xc: {  	s15 =	smax.u32 s15, $0x1;
	s14 =	sadd.s32 s8, s6;
	s6 =	sadd.s32 s9, s1  }
0xd: {  	s17 =	sshrl.u32 s16, $0x3;
	s7 =	sadd.s32 $0x2800, s6;
	s8 =	sadd.s32 $0x5000, s6  }
0xe: {  	s9 =	sadd.s32 $0x7800, s6;
	s10 =	sadd.s32 $0xA000, s6;
	s11 =	sadd.s32 $0xC800, s6  }
0xf: {  	s12 =	sadd.s32 $0xF000, s6;
	s13 =	sadd.s32 $0x11800, s6;
	s14 =	sadd.s32 $0x91800, s14  }
0x10: {  	s20 =	sadd.s32 $0x280, s17;
	s16 =	sadd.s32 s18, s17;
	s17 =	sadd.s32 s19, s17  }
0x11: {  	s18 =	sadd.s32 s18, s20;
	s19 =	sadd.s32 s19, s20;
	s20 =	simm.s32 $0x2800  }
.LBB2_1:
0x12: {  	[tilespmem:s20], [sflag:$0x3] =	stream.linear.gather [hbm4b:s5+s3], $0x3E80, $0x38;
	[tilespmem:$0x1E800] =	vst v63  }
0x13: {  	_ =	swait.ge [sflag:s21], $0x3E80  }
0x14: {  	[sflag:s21] =	ssyncset.done $0x0  }
0x15: {  	[sflag:s21] =	ssyncadd.s32 $0xFFFFC180  }
0x16: {  	[spmem:s6] =	stream.linear.scatter [tilespmem:s20], [sflag:$0x3], $0x2800, $0x38;
	[tilespmem:$0x1E800] =	vst v63  }
0x17: {  	_ =	swait.ge [sflag:s21], $0x2800  }
0x18: {  	[sflag:s21] =	ssyncset.done $0x0  }
0x19: {  	[sflag:s21] =	ssyncadd.s32 $0xFFFFD800  }
0x1a: {  	[spmem:s7] =	stream.linear.scatter [tilespmem:s20], [sflag:$0x3], $0x2800, $0x38;
	[tilespmem:$0x1E800] =	vst v63  }
0x1b: {  	_ =	swait.ge [sflag:s21], $0x2800  }
0x1c: {  	[sflag:s21] =	ssyncset.done $0x0  }
0x1d: {  	[sflag:s21] =	ssyncadd.s32 $0xFFFFD800  }
0x1e: {  	[spmem:s8] =	stream.linear.scatter [tilespmem:s20], [sflag:$0x3], $0x2800, $0x38;
	[tilespmem:$0x1E800] =	vst v63  }
0x1f: {  	_ =	swait.ge [sflag:s21], $0x2800  }
0x20: {  	[sflag:s21] =	ssyncset.done $0x0  }
0x21: {  	[sflag:s21] =	ssyncadd.s32 $0xFFFFD800  }
0x22: {  	[spmem:s9] =	stream.linear.scatter [tilespmem:s20], [sflag:$0x3], $0x2800, $0x38;
	[tilespmem:$0x1E800] =	vst v63  }
0x23: {  	_ =	swait.ge [sflag:s21], $0x2800  }
0x24: {  	[sflag:s21] =	ssyncset.done $0x0  }
0x25: {  	[sflag:s21] =	ssyncadd.s32 $0xFFFFD800  }
0x26: {  	[spmem:s10] =	stream.linear.scatter [tilespmem:s20], [sflag:$0x3], $0x2800, $0x38;
	[tilespmem:$0x1E800] =	vst v63  }
0x27: {  	_ =	swait.ge [sflag:s21], $0x2800  }
0x28: {  	[sflag:s21] =	ssyncset.done $0x0  }
0x29: {  	[sflag:s21] =	ssyncadd.s32 $0xFFFFD800  }
0x2a: {  	[spmem:s11] =	stream.linear.scatter [tilespmem:s20], [sflag:$0x3], $0x2800, $0x38;
	[tilespmem:$0x1E800] =	vst v63  }
0x2b: {  	_ =	swait.ge [sflag:s21], $0x2800  }
0x2c: {  	[sflag:s21] =	ssyncset.done $0x0  }
0x2d: {  	[sflag:s21] =	ssyncadd.s32 $0xFFFFD800  }
0x2e: {  	[spmem:s12] =	stream.linear.scatter [tilespmem:s20], [sflag:$0x3], $0x2800, $0x38;
	[tilespmem:$0x1E800] =	vst v63  }
0x2f: {  	_ =	swait.ge [sflag:s21], $0x2800  }
0x30: {  	[sflag:s21] =	ssyncset.done $0x0  }
0x31: {  	[sflag:s21] =	ssyncadd.s32 $0xFFFFD800  }
0x32: {  	[spmem:s13] =	stream.linear.scatter [tilespmem:s20], [sflag:$0x3], $0x2800, $0x38;
	[tilespmem:$0x1E800] =	vst v63  }
0x33: {  	_ =	swait.ge [sflag:s21], $0x2800  }
0x34: {  	[sflag:s21] =	ssyncset.done $0x0  }
0x35: {  	[sflag:s21] =	ssyncadd.s32 $0xFFFFD800  }
0x36: {  	[bflag:$0x0] =	sbarrier.arrive $0xFFFF  }
0x37: {  	[tilespmem:s3], [sflag:$0x3] =	stream.linear.gather [hbm4b:s16+s3], $0x1400, $0x38;
	[tilespmem:$0x1E800] =	vst v63  }
0x38: {  	_ =	swait.ge [sflag:s21], $0x1400  }
0x39: {  	[sflag:s21] =	ssyncset.done $0x0  }
0x3a: {  	[sflag:s21] =	ssyncadd.s32 $0xFFFFEC00  }
0x3b: {  	[tilespmem:s22], [sflag:$0x3] =	stream.linear.gather [hbm4b:s17+s3], $0x1400, $0x38;
	[tilespmem:$0x1E800] =	vst v63  }
0x3c: {  	_ =	swait.ge [sflag:s21], $0x1400  }
0x3d: {  	[sflag:s21] =	ssyncset.done $0x0  }
0x3e: {  	s29 =	simm.s32 $0x0;
	[sflag:s21] =	ssyncadd.s32 $0xFFFFEC00  }
0x3f: {  	[tilespmem:s20], [sflag:$0x1] =	stream.indirect.gather [hbm4b:s4+s23], $0x80, s29, s23, $0xb8;
	[tilespmem:$0x1E800] =	vst v63  }
0x40: {  	s29 =	simm.s32 $0x80  }
0x41: {  	[tilespmem:s24], [sflag:$0x2] =	stream.indirect.gather [hbm4b:s4+s23], $0x80, s29, s23, $0xb8;
	[tilespmem:$0x1E800] =	vst v63  }
0x42: {  	_ =	swait.ge [sflag:s25], $0x3E80  }
0x43: {  	[sflag:s25] =	ssyncset.done $0x0  }
0x44: {  	s29 =	simm.s32 $0x1400;
	[sflag:s25] =	ssyncadd.s32 $0xFFFFC180  }
0x45: {  	[spmem:s1] =	stream.indirect.scatter.add.f32 [tilespmem:s20], [sflag:$0x3], $0x80, s29, s23, $0xb8;
	[tilespmem:$0x1E800] =	vst v63  }
0x46: {  	_ =	swait.ge [sflag:s21], $0x3E80  }
0x47: {  	[sflag:s21] =	ssyncset.done $0x0  }
0x48: {  	[sflag:s21] =	ssyncadd.s32 $0xFFFFC180  }
0x49: {  	_ =	swait.ge [sflag:s26], $0x3E80  }
0x4a: {  	[sflag:s26] =	ssyncset.done $0x0  }
0x4b: {  	s29 =	simm.s32 $0x1480;
	[sflag:s26] =	ssyncadd.s32 $0xFFFFC180  }
0x4c: {  	[spmem:s1] =	stream.indirect.scatter.add.f32 [tilespmem:s24], [sflag:$0x3], $0x80, s29, s23, $0xb8;
	[tilespmem:$0x1E800] =	vst v63  }
0x4d: {  	_ =	swait.ge [sflag:s21], $0x3E80  }
0x4e: {  	s30 =	simm.s32 $0x800;
	s29 =	simm.s32 $0x400;
	[sflag:s21] =	ssyncset.done $0x0  }
.LBB2_2:
0x4f: {  	s31 =	sshra.s32 s29, $0x2  }
0x50: {  	[sflag:s21] =	ssyncadd.s32 $0xFFFFC180;
	s29 =	smov.u32 s30;
	s0 =	sadd.s32 $0x400, s30  }
0x51: {  	[tilespmem:s20], [sflag:$0x1] =	stream.indirect.gather [hbm4b:s4+s23], $0x80, s31, s23, $0xb8;
	[tilespmem:$0x1E800] =	vst v63  }
0x52: {  	p0 =	sne.s32 s30, $0x4C00;
	s30 =	sadd.s32 $0x80, s31  }
0x53: {  	[tilespmem:s24], [sflag:$0x2] =	stream.indirect.gather [hbm4b:s4+s23], $0x80, s30, s23, $0xb8;
	[tilespmem:$0x1E800] =	vst v63  }
0x54: {  	_ =	swait.ge [sflag:s25], $0x3E80  }
0x55: {  	[sflag:s25] =	ssyncset.done $0x0  }
0x56: {  	s30 =	sadd.s32 $0x1400, s31;
	[sflag:s25] =	ssyncadd.s32 $0xFFFFC180  }
0x57: {  	[spmem:s1] =	stream.indirect.scatter.add.f32 [tilespmem:s20], [sflag:$0x3], $0x80, s30, s23, $0xb8;
	[tilespmem:$0x1E800] =	vst v63  }
0x58: {  	_ =	swait.ge [sflag:s21], $0x3E80  }
0x59: {  	[sflag:s21] =	ssyncset.done $0x0  }
0x5a: {  	[sflag:s21] =	ssyncadd.s32 $0xFFFFC180  }
0x5b: {  	_ =	swait.ge [sflag:s26], $0x3E80  }
.Ltmp0:
0x5c: {  	[sflag:s26] =	ssyncset.done $0x0;
	(pc) =	sbr.rel @p0 .LBB2_2-.Ltmp0, $4  }
0x5d: {  	s30 =	sadd.s32 $0x1480, s31;
	[sflag:s26] =	ssyncadd.s32 $0xFFFFC180  }
0x5e: {  	[spmem:s1] =	stream.indirect.scatter.add.f32 [tilespmem:s24], [sflag:$0x3], $0x80, s30, s23, $0xb8;
	[tilespmem:$0x1E800] =	vst v63  }
0x5f: {  	_ =	swait.ge [sflag:s21], $0x3E80  }
0x60: {  	s30 =	smov.u32 s0;
	[sflag:s21] =	ssyncset.done $0x0  }
0x61: {  	s0 =	sshra.s32 s29, $0x2;
	[sflag:s21] =	ssyncadd.s32 $0xFFFFC180  }
0x62: {  	[tilespmem:s20], [sflag:$0x1] =	stream.indirect.gather [hbm4b:s4+s23], $0x80, s0, s23, $0xb8;
	[tilespmem:$0x1E800] =	vst v63  }
0x63: {  	s29 =	sadd.s32 $0x80, s0  }
0x64: {  	[tilespmem:s24], [sflag:$0x2] =	stream.indirect.gather [hbm4b:s4+s23], $0x80, s29, s23, $0xb8;
	[tilespmem:$0x1E800] =	vst v63  }
0x65: {  	_ =	swait.ge [sflag:s25], $0x3E80  }
0x66: {  	[sflag:s25] =	ssyncset.done $0x0  }
0x67: {  	s29 =	sadd.s32 $0x1400, s0;
	[sflag:s25] =	ssyncadd.s32 $0xFFFFC180  }
0x68: {  	[spmem:s1] =	stream.indirect.scatter.add.f32 [tilespmem:s20], [sflag:$0x3], $0x80, s29, s23, $0xb8;
	[tilespmem:$0x1E800] =	vst v63  }
0x69: {  	_ =	swait.ge [sflag:s21], $0x3E80  }
0x6a: {  	[sflag:s21] =	ssyncset.done $0x0  }
0x6b: {  	[sflag:s21] =	ssyncadd.s32 $0xFFFFC180  }
0x6c: {  	_ =	swait.ge [sflag:s26], $0x3E80  }
0x6d: {  	[sflag:s26] =	ssyncset.done $0x0  }
0x6e: {  	s0 =	sadd.s32 $0x1480, s0;
	[sflag:s26] =	ssyncadd.s32 $0xFFFFC180  }
0x6f: {  	[spmem:s1] =	stream.indirect.scatter.add.f32 [tilespmem:s24], [sflag:$0x3], $0x80, s0, s23, $0xb8;
	[tilespmem:$0x1E800] =	vst v63  }
0x70: {  	_ =	swait.ge [sflag:s21], $0x3E80  }
0x71: {  	[sflag:s21] =	ssyncset.done $0x0  }
0x72: {  	s31 =	simm.s32 $0x0;
	[sflag:s21] =	ssyncadd.s32 $0xFFFFC180  }
0x73: {  	[tilespmem:s31], [sflag:$0x3] =	stream.linear.gather [hbm4b:s18+s31], $0x1400, $0x38;
	[tilespmem:$0x1E800] =	vst v63  }
0x74: {  	_ =	swait.ge [sflag:s21], $0x1400  }
0x75: {  	[sflag:s21] =	ssyncset.done $0x0  }
0x76: {  	[sflag:s21] =	ssyncadd.s32 $0xFFFFEC00  }
0x77: {  	[tilespmem:s22], [sflag:$0x3] =	stream.linear.gather [hbm4b:s19+s31], $0x1400, $0x38;
	[tilespmem:$0x1E800] =	vst v63  }
0x78: {  	_ =	swait.ge [sflag:s21], $0x1400  }
0x79: {  	[sflag:s21] =	ssyncset.done $0x0  }
0x7a: {  	s31 =	simm.s32 $0x0;
	[sflag:s21] =	ssyncadd.s32 $0xFFFFEC00  }
0x7b: {  	[tilespmem:s20], [sflag:$0x1] =	stream.indirect.gather [hbm4b:s4+s23], $0x80, s31, s23, $0xb8;
	[tilespmem:$0x1E800] =	vst v63  }
0x7c: {  	s31 =	simm.s32 $0x80  }
0x7d: {  	[tilespmem:s24], [sflag:$0x2] =	stream.indirect.gather [hbm4b:s4+s23], $0x80, s31, s23, $0xb8;
	[tilespmem:$0x1E800] =	vst v63  }
0x7e: {  	_ =	swait.ge [sflag:s25], $0x3E80  }
0x7f: {  	[sflag:s25] =	ssyncset.done $0x0  }
0x80: {  	s31 =	simm.s32 $0x1400;
	[sflag:s25] =	ssyncadd.s32 $0xFFFFC180  }
0x81: {  	[spmem:s1] =	stream.indirect.scatter.add.f32 [tilespmem:s20], [sflag:$0x3], $0x80, s31, s23, $0xb8;
	[tilespmem:$0x1E800] =	vst v63  }
0x82: {  	_ =	swait.ge [sflag:s21], $0x3E80  }
0x83: {  	[sflag:s21] =	ssyncset.done $0x0  }
0x84: {  	[sflag:s21] =	ssyncadd.s32 $0xFFFFC180  }
0x85: {  	_ =	swait.ge [sflag:s26], $0x3E80  }
0x86: {  	[sflag:s26] =	ssyncset.done $0x0  }
0x87: {  	s31 =	simm.s32 $0x1480;
	[sflag:s26] =	ssyncadd.s32 $0xFFFFC180  }
0x88: {  	[spmem:s1] =	stream.indirect.scatter.add.f32 [tilespmem:s24], [sflag:$0x3], $0x80, s31, s23, $0xb8;
	[tilespmem:$0x1E800] =	vst v63  }
0x89: {  	_ =	swait.ge [sflag:s21], $0x3E80  }
0x8a: {  	s30 =	simm.s32 $0x800;
	s29 =	simm.s32 $0x400;
	[sflag:s21] =	ssyncset.done $0x0  }
.LBB2_4:
0x8b: {  	s0 =	sshra.s32 s29, $0x2  }
0x8c: {  	[sflag:s21] =	ssyncadd.s32 $0xFFFFC180;
	s29 =	smov.u32 s30;
	s31 =	sadd.s32 $0x400, s30  }
0x8d: {  	[tilespmem:s20], [sflag:$0x1] =	stream.indirect.gather [hbm4b:s4+s23], $0x80, s0, s23, $0xb8;
	[tilespmem:$0x1E800] =	vst v63  }
0x8e: {  	p0 =	sne.s32 s30, $0x4C00;
	s30 =	sadd.s32 $0x80, s0  }
0x8f: {  	[tilespmem:s24], [sflag:$0x2] =	stream.indirect.gather [hbm4b:s4+s23], $0x80, s30, s23, $0xb8;
	[tilespmem:$0x1E800] =	vst v63  }
0x90: {  	_ =	swait.ge [sflag:s25], $0x3E80  }
0x91: {  	[sflag:s25] =	ssyncset.done $0x0  }
0x92: {  	s30 =	sadd.s32 $0x1400, s0;
	[sflag:s25] =	ssyncadd.s32 $0xFFFFC180  }
0x93: {  	[spmem:s1] =	stream.indirect.scatter.add.f32 [tilespmem:s20], [sflag:$0x3], $0x80, s30, s23, $0xb8;
	[tilespmem:$0x1E800] =	vst v63  }
0x94: {  	_ =	swait.ge [sflag:s21], $0x3E80  }
0x95: {  	[sflag:s21] =	ssyncset.done $0x0  }
0x96: {  	[sflag:s21] =	ssyncadd.s32 $0xFFFFC180  }
0x97: {  	_ =	swait.ge [sflag:s26], $0x3E80  }
.Ltmp1:
0x98: {  	[sflag:s26] =	ssyncset.done $0x0;
	(pc) =	sbr.rel @p0 .LBB2_4-.Ltmp1, $4  }
0x99: {  	s0 =	sadd.s32 $0x1480, s0;
	[sflag:s26] =	ssyncadd.s32 $0xFFFFC180  }
0x9a: {  	[spmem:s1] =	stream.indirect.scatter.add.f32 [tilespmem:s24], [sflag:$0x3], $0x80, s0, s23, $0xb8;
	[tilespmem:$0x1E800] =	vst v63  }
0x9b: {  	_ =	swait.ge [sflag:s21], $0x3E80  }
0x9c: {  	s30 =	smov.u32 s31;
	[sflag:s21] =	ssyncset.done $0x0  }
0x9d: {  	s0 =	sshra.s32 s29, $0x2;
	[sflag:s21] =	ssyncadd.s32 $0xFFFFC180  }
0x9e: {  	[tilespmem:s20], [sflag:$0x1] =	stream.indirect.gather [hbm4b:s4+s23], $0x80, s0, s23, $0xb8;
	[tilespmem:$0x1E800] =	vst v63  }
0x9f: {  	s29 =	sadd.s32 $0x80, s0  }
0xa0: {  	[tilespmem:s24], [sflag:$0x2] =	stream.indirect.gather [hbm4b:s4+s23], $0x80, s29, s23, $0xb8;
	[tilespmem:$0x1E800] =	vst v63  }
0xa1: {  	_ =	swait.ge [sflag:s25], $0x3E80  }
0xa2: {  	[sflag:s25] =	ssyncset.done $0x0  }
0xa3: {  	s31 =	sadd.s32 $0x1400, s0;
	[sflag:s25] =	ssyncadd.s32 $0xFFFFC180  }
0xa4: {  	[spmem:s1] =	stream.indirect.scatter.add.f32 [tilespmem:s20], [sflag:$0x3], $0x80, s31, s23, $0xb8;
	[tilespmem:$0x1E800] =	vst v63  }
0xa5: {  	_ =	swait.ge [sflag:s21], $0x3E80  }
0xa6: {  	[sflag:s21] =	ssyncset.done $0x0  }
0xa7: {  	[sflag:s21] =	ssyncadd.s32 $0xFFFFC180  }
0xa8: {  	_ =	swait.ge [sflag:s26], $0x3E80  }
0xa9: {  	[sflag:s26] =	ssyncset.done $0x0  }
0xaa: {  	s0 =	sadd.s32 $0x1480, s0;
	[sflag:s26] =	ssyncadd.s32 $0xFFFFC180  }
0xab: {  	[spmem:s1] =	stream.indirect.scatter.add.f32 [tilespmem:s24], [sflag:$0x3], $0x80, s0, s23, $0xb8;
	[tilespmem:$0x1E800] =	vst v63  }
0xac: {  	_ =	swait.ge [sflag:s21], $0x3E80  }
0xad: {  	s30 =	sshll.u32 s2, $0x6;
	s28 =	sadd.s32 $0x1, s28;
	[sflag:s21] =	ssyncset.done $0x0  }
0xae: {  	p0 =	sne.s32 s28, s15;
	s31 =	sshrl.u32 s6, $0x3;
	[sflag:s21] =	ssyncadd.s32 $0xFFFFC180  }
.Ltmp2:
0xaf: {  	s0 =	sor.u32 $0x1C03, s30;
	[bflag:$0x0] =	sbarrier.arrive $0xFFFF;
	(pc) =	sbr.rel @p0 .LBB2_1-.Ltmp2, $4  }
0xb0: {  	[hbm:s14], [sflag:s0] =	dma.local [spmem:s31], $0x2800  }
0xb1: {  	_ =	swait.ge [sflag:s21], $0x2800  }
0xb2: {  	[sflag:s21] =	ssyncset.done $0x0  }
0xb3: {  	[sflag:s21] =	ssyncadd.s32 $0xFFFFD800  }
0xb4: {  	_ =	sfence.sel $0x180000  }
0xb5: {  	[bflag:$0x0] =	sbarrier.arrive $0xFFFF  }
0xb6: {  	_ =	strace $0x9000004D  }
0xb7: {  	[bflag:$0x2] =	sbarrier.arrive $0xFFFF  }
0xb8: {  	p0 =	sne.s32 s2, $0x0;
	s0 =	rddreg [dreg:$0x2]  }
0xb9: {  	s0 =	sadd.s32 @!p0 $0x100000, s0  }
0xba: {  	[sflag:s0] =	ssyncadd.tile.s32 @!p0 $0x1;
	_ =	shalt  }
.Lfunc_end2:
_tile_overlayer_lowered:
.L_overlay_start_2:
0xbb: {  	(tag) =	ssettag $0x2  }
0xbc: {  	s0 =	rddreg [dreg:$0x0];
	s2 =	stileid.u32  }
0xbd: {  	s1 =	rddreg [dreg:$0x1];
	p0 =	sne.s32 s2, $0x0  }
0xbe: {  	s3 =	rddreg [dreg:$0x2];
	[bflag:$0x3] =	sbarrier.arrive $0xFFFF;
	s2 =	simm.s32 @!p0 $0x1C03  }
0xbf: {  	[timem:s3], [sflag:s2] =	dma.local @!p0 [hbm:s0], s1  }
0xc0: {  	s0 =	simm.s32 @!p0 $0x3  }
0xc1: {  	_ =	swait.ge @!p0 [sflag:s0], s1  }
0xc2: {  	s1 =	ssub.s32 @!p0 $0x0, s1;
	[sflag:s0] =	ssyncset.done @!p0 $0x0  }
0xc3: {  	[sflag:s0] =	ssyncadd.s32 @!p0 s1  }
0xc4: {  	[bflag:$0x3] =	sbarrier.arrive $0xFFFF  }
0xc5: {  	_ =	shalt  }

// kernel: kernel.19.cloned.1.call-start
scs
__scs_entry_jumppad:
0x0: {  	(pc) =	sbr.rel $0x88, $3  }
0x1: {  	(tag) =	ssettag $0x0;
	lr =	simm.s32 $0x1  }
0x2: {  	[smem:$0x3F90] =	sst lr;
	_ =	strace $0xD0000000  }
0x3: {  	_ = 	snop  }
0x4: {  	_ = 	snop  }
0x5: {  	_ = 	snop  }
0x6: {  	_ = 	snop  }
0x7: {  	_ = 	snop  }
__scs_overlays_trampoline_lowered:
0x8: {  	[smem:$0x3F9F] =	sst s0  }
0x9: {  	[smem:$0x3FA0] =	sst s1  }
0xa: {  	[smem:$0x3FA1] =	sst s2  }
0xb: {  	[smem:$0x3FA2] =	sst s3  }
0xc: {  	[smem:$0x3FA3] =	sst s4  }
0xd: {  	[smem:$0x3FA4] =	sst s5  }
0xe: {  	[smem:$0x3FA5] =	sst s6  }
0xf: {  	[smem:$0x3FA6] =	sst s7  }
0x10: {  	[smem:$0x3FA7] =	sst s8  }
0x11: {  	[smem:$0x3FA8] =	sst s9;
	s0 =	simm.s32 @!p0 $0x0  }
0x12: {  	s1 =	sld [smem:$0x3F8E];
	s0 =	simm.s32 @p0 $0x1  }
0x13: {  	[smem:$0x3FA9] =	sst s0;
	s0 =	simm.s32 @!p1 $0x0  }
0x14: {  	s2 =	sld [smem:$0x3F8D];
	s0 =	simm.s32 @p1 $0x1  }
0x15: {  	[smem:$0x3FAA] =	sst s0;
	s0 =	simm.s32 @!p2 $0x0  }
0x16: {  	s3 =	sld [smem:$0x3FDB];
	s0 =	simm.s32 @p2 $0x1  }
0x17: {  	s4 =	simm.s32 $0x1BF5;
	[smem:$0x3FAC] =	sst s0  }
0x18: {  	s0 =	sld [smem:$0x3F8F];
	_ =	swait.ge [sflag:s4], $0x0  }
0x19: {  	s7 =	sld [smem:$0x3F90]  }
0x1a: {  	s8 =	sadd.s32 $0xFFFFE003, lr  }
0x1b: {  	s9 =	sadd.s32 $0xFFFFFEF7, lr;
	s5 =	simm.s32 $0xFFFFFFFF;
	p2 =	slt.u32 s8, $0xFFFFF086  }
0x1c: {  	p1 =	slt.u32 s9, $0xF7A;
	s5 =	simm.s32 @!p2 $0x0  }
0x1d: {  	s5 =	simm.s32 @p1 $0x1;
	p0 =	seq.s32 s7, s2  }
0x1e: {  	s7 =	smul.u32 @!p0 $0xF7A, s2;
	p2 =	seq.s32 @!p0 s5, $0x0  }
0x1f: {  	s9 =	smul.u32 $0xF7A, s1;
	s8 =	simm.s32 @!p0 $0x1BF5;
	p2 =	por !p2, p0  }
0x20: {  	[sflag:s8] =	ssyncset.s32 @!p0 $0xFFFFF086;
	s6 =	sadd.s32 @!p0 s3, s7;
	s7 =	simm.s32 @!p0 $0x108  }
0x21: {  	s3 =	sadd.s32 s3, s9;
	s6 =	sadd.s32 @!p0 $0x88, s6;
	s7 =	simm.s32 @p2 $0x1082  }
0x22: {  	[simem:s7], [sflag:s8] =	dma.local @!p0 [hbm:s6], $0xF7A  }
0x23: {  	s9 =	sor.u32 $0xD0000000, s2;
	s6 =	simm.s32 $0x108;
	_ =	swait.ge @!p0 [sflag:s8], $0x0  }
0x24: {  	s3 =	sadd.s32 $0x88, s3;
	s6 =	simm.s32 @!p1 $0x1082;
	[sflag:s4] =	ssyncset.s32 $0xFFFFF086  }
0x25: {  	[simem:s6], [sflag:s4] =	dma.local [hbm:s3], $0xF7A  }
0x26: {  	[smem:$0x3F90] =	sst s1;
	(tag) =	ssettag s2;
	_ =	strace s9  }
0x27: {  	s1 =	sld [smem:$0x3FA0]  }
0x28: {  	s2 =	sld [smem:$0x3FA1]  }
0x29: {  	s4 =	sld [smem:$0x3FA3]  }
0x2a: {  	p0 =	seq.s32 s5, $0x0;
	s5 =	sld [smem:$0x3FA4]  }
0x2b: {  	s6 =	sld [smem:$0x3FA5]  }
0x2c: {  	s7 =	sld [smem:$0x3FA6]  }
0x2d: {  	s3 =	simm.s32 $0x108;
	s8 =	sld [smem:$0x3FA7]  }
0x2e: {  	s3 =	simm.s32 @!p0 $0x1082;
	s9 =	sld [smem:$0x3FA8]  }
0x2f: {  	lr =	sadd.s32 s0, s3;
	s0 =	sld [smem:$0x3F9F]  }
0x30: {  	s3 =	sld [smem:$0x3FA2]  }
0x31: {  	[smem:$0x3FAB] =	sst s10  }
0x32: {  	s10 =	sld [smem:$0x3FA9];
	_ =	sdelay $0x3  }
0x33: {  	p0 =	seq.s32 s10, $0x1;
	s10 =	sld [smem:$0x3FAB];
	_ =	sdelay $0x3  }
0x34: {  	[smem:$0x3FAB] =	sst s10  }
0x35: {  	s10 =	sld [smem:$0x3FAA];
	_ =	sdelay $0x3  }
0x36: {  	p1 =	seq.s32 s10, $0x1;
	s10 =	sld [smem:$0x3FAB];
	_ =	sdelay $0x3  }
0x37: {  	[smem:$0x3FAB] =	sst s10  }
0x38: {  	s10 =	sld [smem:$0x3FAC]  }
0x39: {  	_ = 	snop;
	(pc) =	sbr.ind lr, $3  }
0x3a: {  	_ = 	snop  }
0x3b: {  	_ = 	snop  }
0x3c: {  	p2 =	seq.s32 s10, $0x1;
	s10 =	sld [smem:$0x3FAB]  }
0x3d: {  	_ =	shalt  }
0x3e: {  	_ =	shalt  }
0x3f: {  	_ =	shalt  }
0x40: {  	_ =	shalt  }
0x41: {  	_ =	shalt  }
0x42: {  	_ =	shalt  }
0x43: {  	_ =	shalt  }
0x44: {  	_ =	shalt  }
0x45: {  	_ =	shalt  }
0x46: {  	_ =	shalt  }
0x47: {  	_ =	shalt  }
0x48: {  	_ =	shalt  }
0x49: {  	_ =	shalt  }
0x4a: {  	_ =	shalt  }
0x4b: {  	_ =	shalt  }
0x4c: {  	_ =	shalt  }
0x4d: {  	_ =	shalt  }
0x4e: {  	_ =	shalt  }
0x4f: {  	_ =	shalt  }
0x50: {  	_ =	shalt  }
0x51: {  	_ =	shalt  }
0x52: {  	_ =	shalt  }
0x53: {  	_ =	shalt  }
0x54: {  	_ =	shalt  }
0x55: {  	_ =	shalt  }
0x56: {  	_ =	shalt  }
0x57: {  	_ =	shalt  }
0x58: {  	_ =	shalt  }
0x59: {  	_ =	shalt  }
0x5a: {  	_ =	shalt  }
0x5b: {  	_ =	shalt  }
0x5c: {  	_ =	shalt  }
0x5d: {  	_ =	shalt  }
0x5e: {  	_ =	shalt  }
0x5f: {  	_ =	shalt  }
0x60: {  	_ =	shalt  }
0x61: {  	_ =	shalt  }
0x62: {  	_ =	shalt  }
0x63: {  	_ =	shalt  }
0x64: {  	_ =	shalt  }
0x65: {  	_ =	shalt  }
0x66: {  	_ =	shalt  }
0x67: {  	_ =	shalt  }
0x68: {  	_ =	shalt  }
0x69: {  	_ =	shalt  }
0x6a: {  	_ =	shalt  }
0x6b: {  	_ =	shalt  }
0x6c: {  	_ =	shalt  }
0x6d: {  	_ =	shalt  }
0x6e: {  	_ =	shalt  }
0x6f: {  	_ =	shalt  }
0x70: {  	_ =	shalt  }
0x71: {  	_ =	shalt  }
0x72: {  	_ =	shalt  }
0x73: {  	_ =	shalt  }
0x74: {  	_ =	shalt  }
0x75: {  	_ =	shalt  }
0x76: {  	_ =	shalt  }
0x77: {  	_ =	shalt  }
0x78: {  	_ =	shalt  }
0x79: {  	_ =	shalt  }
0x7a: {  	_ =	shalt  }
0x7b: {  	_ =	shalt  }
0x7c: {  	_ =	shalt  }
0x7d: {  	_ =	shalt  }
0x7e: {  	_ =	shalt  }
0x7f: {  	_ =	shalt  }
0x80: {  	_ =	shalt  }
0x81: {  	_ =	shalt  }
0x82: {  	_ =	shalt  }
0x83: {  	_ =	shalt  }
0x84: {  	_ =	shalt  }
0x85: {  	_ =	shalt  }
0x86: {  	_ =	shalt  }
0x87: {  	_ =	shalt  }
.Lfunc_end0:
.L_simem_size_0:
called_computation.3_lowered:
.L_overlay_start_0:
0x88: {  	s2 =	sld [smem:$0x3FD9]  }
0x89: {  	s3 =	sld [smem:$0x3FFE];
	_ =	sdelay $0x1  }
0x8a: {  	s1 =	srdreg.scid  }
0x8b: {  	s0 =	sand.u32 $0x1, s1  }
0x8c: {  	s16 =	sshll.u32 s0, $0xA;
	s2 =	sadd.s32 s3, s2  }
0x8d: {  	s2 =	sadd.s32 s2, s16  }
0x8e: {  	[smem:$0x3FB7] =	sst s2  }
0x8f: {  	_ = 	snop  }
0x90: {  	(tm) =	ssettm $0x1  }
0x91: {  	s17 =	sld [smem:$0x3FFB];
	_ =	sdelay $0x3  }
0x92: {  	_ =	strace s17  }
0x93: {  	s2 =	sld [smem:$0x3FFC];
	_ =	sdelay $0x3  }
0x94: {  	_ =	strace s2  }
0x95: {  	s2 =	sld [smem:$0x3FFD];
	_ =	sdelay $0x3  }
0x96: {  	_ =	strace s2  }
0x97: {  	_ =	strace $0x8FFFFFFF  }
0x98: {  	s18 =	sld [smem:$0x3FDB];
	_ =	sdelay $0x1  }
0x99: {  	s19 =	simm.s32 $_scs_section_size  }
0x9a: {  	s4 =	simm.s32 $_size__tile_overlayer_lowered;
	s5 =	simm.s32 $_tile_overlayer_lowered  }
0x9b: {  	s22 =	simm.s32 $0x1BFF;
	s21 =	sshll.u32 s5, $0x1;
	s2 =	sadd.s32 s19, s18  }
0x9c: {  	s6 =	simm.s32 $0x0;
	s20 =	sshll.u32 s4, $0x1;
	s4 =	sadd.s32 s21, s2  }
0x9d: {  	[timem:s6], [sflag:s22] =	dma.local [hbm:s4], s20  }
0x9e: {  	_ =	swait.ge [sflag:s22], s20  }
0x9f: {  	s3 =	ssub.s32 $0x0, s20;
	[sflag:s22] =	ssyncset.done $0x0  }
0xa0: {  	[sflag:s22] =	ssyncadd.s32 s3;
	_ =	sdelay $0x1  }
0xa1: {  	s23 =	simm.s32 $0x1B8B  }
0xa2: {  	_ =	swait.ge [sflag:s23], $0x1  }
0xa3: {  	[sflag:s23] =	ssyncset.done $0x0  }
0xa4: {  	s25 =	simm.s32 $0x1B8E;
	s24 =	sld [smem:$0x3FFE];
	[sflag:s23] =	ssyncadd.s32 $0xFFFFFFFF  }
0xa5: {  	s26 =	simm.s32 $execute0_lowered;
	[smem:$0x3FD2] =	sst s25  }
0xa6: {  	s4 =	sshll.u32 s26, $0x1;
	_ =	strace $0x8000004F;
	[dreg:$0x1] =	wrdreg $0xFFFFFFFF  }
0xa7: {  	s28 =	simm.s32 $_size_execute0_lowered;
	s2 =	sadd.s32 s2, s4;
	[dreg:$0x0] =	wrdreg $0x0  }
0xa8: {  	s4 =	sshll.u32 s28, $0x1;
	[dreg:$0x2] =	wrdreg s2  }
0xa9: {  	[dreg:$0x3] =	wrdreg s4  }
0xaa: {  	[dreg:$0x4] =	wrdreg $0xC0  }
0xab: {  	_ =	task [dreg:s6], $0x5FFFF  }
0xac: {  	[dreg:$0x1] =	wrdreg $0xFFFFFFFF  }
0xad: {  	[dreg:$0x0] =	wrdreg $0x60  }
0xae: {  	[dreg:$0x2] =	wrdreg s24  }
0xaf: {  	[dreg:$0x3] =	wrdreg $0xA8000  }
0xb0: {  	[dreg:$0x4] =	wrdreg $0x9  }
0xb1: {  	_ =	task.clear_ibuf [dreg:s6], $0x5FFFF;
	_ =	strace $0x9000004F  }
0xb2: {  	s29 =	simm.s32 $0x9;
	_ =	strace $0x80000051  }
0xb3: {  	_ =	swait.ge [sflag:s29], $0x1  }
0xb4: {  	[sflag:s29] =	ssyncadd.s32 $0xFFFFFFFF  }
0xb5: {  	_ =	strace $0x90000051  }
0xb6: {  	_ =	sfence  }
0xb7: {  	s30 =	sld [smem:$0x0];
	_ =	sdelay $0x2  }
0xb8: {  	s31 =	sshll.u32 s1, $0xD;
	s1 =	sshrl.u32 s1, $0x2  }
0xb9: {  	s3 =	sand.u32 $0x4000, s31;
	s1 =	sadd.s32 s1, s30  }
0xba: {  	s0 =	sor.u32 s3, s0;
	s1 =	sshll.u32 s1, $0x11  }
0xbb: {  	s0 =	sor.u32 s1, s0  }
0xbc: {  	s0 =	sadd.s32 $0x8F2B, s0  }
0xbd: {  	[sflag:s0] =	ssyncadd.remote.s32 $0x1  }
0xbe: {  	_ =	sfence.sel $0xFFFF  }
0xbf: {  	[dreg:$0x0] =	wrdreg $0xFFFFFFFF;
	(pc) =	sbr.abs _section_cstart, $3  }
0xc0: {  	[dreg:$0x1] =	wrdreg $0xFFFFFFFF  }
0xc1: {  	_ =	task.clear_ibuf [dreg:s6], $0x2FFFF;
	_ =	strace $0x9FFFFFFF  }
0xc2: {  	(tm) =	ssettm $0x7FFFFFFF  }
0xc3: {  	_ =	shalt  }
tec
execute0_lowered:
.L_overlay_start_1:
0x0: {  	(tag) =	ssettag $0x1  }
0x1: {  	s6 =	rddreg [dreg:$0x0]  }
0x2: {  	s1 =	rddreg [dreg:$0x1];
	s2 =	srdreg.scid;
	s3 =	simm.s32 $0x0  }
0x3: {  	s21 =	simm.s32 $0x3;
	s22 =	simm.s32 $0x1400;
	s23 =	simm.s32 $0x7D  }
0x4: {  	s24 =	simm.s32 $0x6800;
	s25 =	simm.s32 $0x1;
	s26 =	simm.s32 $0x2  }
0x5: {  	s28 =	simm.s32 $0x0;
	s7 =	sand.u32 $0x1, s2;
	s2 =	stileid.u32  }
0x6: {  	[smem:$0x7FF] =	sst s3;
	s4 =	sadd.s32 $0x69800, s6;
	s5 =	smul.u32 $0x140000, s7  }
0x7: {  	s18 =	sadd.s32 $0x5F800, s6;
	s19 =	sadd.s32 $0x4800, s6;
	s8 =	smul.u32 $0x14000, s2  }
0x8: {  	s9 =	smul.u32 $0x50000, s2;
	s30 =	ssub.s32 $0x2, s7;
	s7 =	sshll.u32 s7, $0x4  }
0x9: {  	_ =	strace $0x80000050;
	s31 =	sshrl.u32 s30, $0x1;
	s10 =	sor.u32 s2, s7  }
0xa: {  	s5 =	sadd.s32 s8, s5;
	s9 =	sshrl.u32 s9, $0x2;
	s15 =	ssub.s32 s30, s31  }
0xb: {  	s16 =	smul.u32 $0x2800, s10;
	s8 =	sshrl.u32 s5, $0x3;
	s5 =	sadd.s32 $0xE800, s6  }
0xc: {  	s15 =	smax.u32 s15, $0x1;
	s14 =	sadd.s32 s8, s6;
	s6 =	sadd.s32 s9, s1  }
0xd: {  	s17 =	sshrl.u32 s16, $0x3;
	s7 =	sadd.s32 $0x2800, s6;
	s8 =	sadd.s32 $0x5000, s6  }
0xe: {  	s9 =	sadd.s32 $0x7800, s6;
	s10 =	sadd.s32 $0xA000, s6;
	s11 =	sadd.s32 $0xC800, s6  }
0xf: {  	s12 =	sadd.s32 $0xF000, s6;
	s13 =	sadd.s32 $0x11800, s6;
	s14 =	sadd.s32 $0x91800, s14  }
0x10: {  	s20 =	sadd.s32 $0x280, s17;
	s16 =	sadd.s32 s18, s17;
	s17 =	sadd.s32 s19, s17  }
0x11: {  	s18 =	sadd.s32 s18, s20;
	s19 =	sadd.s32 s19, s20;
	s20 =	simm.s32 $0x2800  }
.LBB2_1:
0x12: {  	[tilespmem:s20], [sflag:$0x3] =	stream.linear.gather [hbm4b:s5+s3], $0x3E80, $0x38;
	[tilespmem:$0x1E800] =	vst v63  }
0x13: {  	_ =	swait.ge [sflag:s21], $0x3E80  }
0x14: {  	[sflag:s21] =	ssyncset.done $0x0  }
0x15: {  	[sflag:s21] =	ssyncadd.s32 $0xFFFFC180  }
0x16: {  	[spmem:s6] =	stream.linear.scatter [tilespmem:s20], [sflag:$0x3], $0x2800, $0x38;
	[tilespmem:$0x1E800] =	vst v63  }
0x17: {  	_ =	swait.ge [sflag:s21], $0x2800  }
0x18: {  	[sflag:s21] =	ssyncset.done $0x0  }
0x19: {  	[sflag:s21] =	ssyncadd.s32 $0xFFFFD800  }
0x1a: {  	[spmem:s7] =	stream.linear.scatter [tilespmem:s20], [sflag:$0x3], $0x2800, $0x38;
	[tilespmem:$0x1E800] =	vst v63  }
0x1b: {  	_ =	swait.ge [sflag:s21], $0x2800  }
0x1c: {  	[sflag:s21] =	ssyncset.done $0x0  }
0x1d: {  	[sflag:s21] =	ssyncadd.s32 $0xFFFFD800  }
0x1e: {  	[spmem:s8] =	stream.linear.scatter [tilespmem:s20], [sflag:$0x3], $0x2800, $0x38;
	[tilespmem:$0x1E800] =	vst v63  }
0x1f: {  	_ =	swait.ge [sflag:s21], $0x2800  }
0x20: {  	[sflag:s21] =	ssyncset.done $0x0  }
0x21: {  	[sflag:s21] =	ssyncadd.s32 $0xFFFFD800  }
0x22: {  	[spmem:s9] =	stream.linear.scatter [tilespmem:s20], [sflag:$0x3], $0x2800, $0x38;
	[tilespmem:$0x1E800] =	vst v63  }
0x23: {  	_ =	swait.ge [sflag:s21], $0x2800  }
0x24: {  	[sflag:s21] =	ssyncset.done $0x0  }
0x25: {  	[sflag:s21] =	ssyncadd.s32 $0xFFFFD800  }
0x26: {  	[spmem:s10] =	stream.linear.scatter [tilespmem:s20], [sflag:$0x3], $0x2800, $0x38;
	[tilespmem:$0x1E800] =	vst v63  }
0x27: {  	_ =	swait.ge [sflag:s21], $0x2800  }
0x28: {  	[sflag:s21] =	ssyncset.done $0x0  }
0x29: {  	[sflag:s21] =	ssyncadd.s32 $0xFFFFD800  }
0x2a: {  	[spmem:s11] =	stream.linear.scatter [tilespmem:s20], [sflag:$0x3], $0x2800, $0x38;
	[tilespmem:$0x1E800] =	vst v63  }
0x2b: {  	_ =	swait.ge [sflag:s21], $0x2800  }
0x2c: {  	[sflag:s21] =	ssyncset.done $0x0  }
0x2d: {  	[sflag:s21] =	ssyncadd.s32 $0xFFFFD800  }
0x2e: {  	[spmem:s12] =	stream.linear.scatter [tilespmem:s20], [sflag:$0x3], $0x2800, $0x38;
	[tilespmem:$0x1E800] =	vst v63  }
0x2f: {  	_ =	swait.ge [sflag:s21], $0x2800  }
0x30: {  	[sflag:s21] =	ssyncset.done $0x0  }
0x31: {  	[sflag:s21] =	ssyncadd.s32 $0xFFFFD800  }
0x32: {  	[spmem:s13] =	stream.linear.scatter [tilespmem:s20], [sflag:$0x3], $0x2800, $0x38;
	[tilespmem:$0x1E800] =	vst v63  }
0x33: {  	_ =	swait.ge [sflag:s21], $0x2800  }
0x34: {  	[sflag:s21] =	ssyncset.done $0x0  }
0x35: {  	[sflag:s21] =	ssyncadd.s32 $0xFFFFD800  }
0x36: {  	[bflag:$0x0] =	sbarrier.arrive $0xFFFF  }
0x37: {  	[tilespmem:s3], [sflag:$0x3] =	stream.linear.gather [hbm4b:s16+s3], $0x1400, $0x38;
	[tilespmem:$0x1E800] =	vst v63  }
0x38: {  	_ =	swait.ge [sflag:s21], $0x1400  }
0x39: {  	[sflag:s21] =	ssyncset.done $0x0  }
0x3a: {  	[sflag:s21] =	ssyncadd.s32 $0xFFFFEC00  }
0x3b: {  	[tilespmem:s22], [sflag:$0x3] =	stream.linear.gather [hbm4b:s17+s3], $0x1400, $0x38;
	[tilespmem:$0x1E800] =	vst v63  }
0x3c: {  	_ =	swait.ge [sflag:s21], $0x1400  }
0x3d: {  	[sflag:s21] =	ssyncset.done $0x0  }
0x3e: {  	s29 =	simm.s32 $0x0;
	[sflag:s21] =	ssyncadd.s32 $0xFFFFEC00  }
0x3f: {  	[tilespmem:s20], [sflag:$0x1] =	stream.indirect.gather [hbm4b:s4+s23], $0x80, s29, s23, $0xb8;
	[tilespmem:$0x1E800] =	vst v63  }
0x40: {  	s29 =	simm.s32 $0x80  }
0x41: {  	[tilespmem:s24], [sflag:$0x2] =	stream.indirect.gather [hbm4b:s4+s23], $0x80, s29, s23, $0xb8;
	[tilespmem:$0x1E800] =	vst v63  }
0x42: {  	_ =	swait.ge [sflag:s25], $0x3E80  }
0x43: {  	[sflag:s25] =	ssyncset.done $0x0  }
0x44: {  	s29 =	simm.s32 $0x1400;
	[sflag:s25] =	ssyncadd.s32 $0xFFFFC180  }
0x45: {  	[spmem:s1] =	stream.indirect.scatter.add.f32 [tilespmem:s20], [sflag:$0x3], $0x80, s29, s23, $0xb8;
	[tilespmem:$0x1E800] =	vst v63  }
0x46: {  	_ =	swait.ge [sflag:s21], $0x3E80  }
0x47: {  	[sflag:s21] =	ssyncset.done $0x0  }
0x48: {  	[sflag:s21] =	ssyncadd.s32 $0xFFFFC180  }
0x49: {  	_ =	swait.ge [sflag:s26], $0x3E80  }
0x4a: {  	[sflag:s26] =	ssyncset.done $0x0  }
0x4b: {  	s29 =	simm.s32 $0x1480;
	[sflag:s26] =	ssyncadd.s32 $0xFFFFC180  }
0x4c: {  	[spmem:s1] =	stream.indirect.scatter.add.f32 [tilespmem:s24], [sflag:$0x3], $0x80, s29, s23, $0xb8;
	[tilespmem:$0x1E800] =	vst v63  }
0x4d: {  	_ =	swait.ge [sflag:s21], $0x3E80  }
0x4e: {  	s30 =	simm.s32 $0x800;
	s29 =	simm.s32 $0x400;
	[sflag:s21] =	ssyncset.done $0x0  }
.LBB2_2:
0x4f: {  	s31 =	sshra.s32 s29, $0x2  }
0x50: {  	[sflag:s21] =	ssyncadd.s32 $0xFFFFC180;
	s29 =	smov.u32 s30;
	s0 =	sadd.s32 $0x400, s30  }
0x51: {  	[tilespmem:s20], [sflag:$0x1] =	stream.indirect.gather [hbm4b:s4+s23], $0x80, s31, s23, $0xb8;
	[tilespmem:$0x1E800] =	vst v63  }
0x52: {  	p0 =	sne.s32 s30, $0x4C00;
	s30 =	sadd.s32 $0x80, s31  }
0x53: {  	[tilespmem:s24], [sflag:$0x2] =	stream.indirect.gather [hbm4b:s4+s23], $0x80, s30, s23, $0xb8;
	[tilespmem:$0x1E800] =	vst v63  }
0x54: {  	_ =	swait.ge [sflag:s25], $0x3E80  }
0x55: {  	[sflag:s25] =	ssyncset.done $0x0  }
0x56: {  	s30 =	sadd.s32 $0x1400, s31;
	[sflag:s25] =	ssyncadd.s32 $0xFFFFC180  }
0x57: {  	[spmem:s1] =	stream.indirect.scatter.add.f32 [tilespmem:s20], [sflag:$0x3], $0x80, s30, s23, $0xb8;
	[tilespmem:$0x1E800] =	vst v63  }
0x58: {  	_ =	swait.ge [sflag:s21], $0x3E80  }
0x59: {  	[sflag:s21] =	ssyncset.done $0x0  }
0x5a: {  	[sflag:s21] =	ssyncadd.s32 $0xFFFFC180  }
0x5b: {  	_ =	swait.ge [sflag:s26], $0x3E80  }
.Ltmp0:
0x5c: {  	[sflag:s26] =	ssyncset.done $0x0;
	(pc) =	sbr.rel @p0 .LBB2_2-.Ltmp0, $4  }
0x5d: {  	s30 =	sadd.s32 $0x1480, s31;
	[sflag:s26] =	ssyncadd.s32 $0xFFFFC180  }
0x5e: {  	[spmem:s1] =	stream.indirect.scatter.add.f32 [tilespmem:s24], [sflag:$0x3], $0x80, s30, s23, $0xb8;
	[tilespmem:$0x1E800] =	vst v63  }
0x5f: {  	_ =	swait.ge [sflag:s21], $0x3E80  }
0x60: {  	s30 =	smov.u32 s0;
	[sflag:s21] =	ssyncset.done $0x0  }
0x61: {  	s0 =	sshra.s32 s29, $0x2;
	[sflag:s21] =	ssyncadd.s32 $0xFFFFC180  }
0x62: {  	[tilespmem:s20], [sflag:$0x1] =	stream.indirect.gather [hbm4b:s4+s23], $0x80, s0, s23, $0xb8;
	[tilespmem:$0x1E800] =	vst v63  }
0x63: {  	s29 =	sadd.s32 $0x80, s0  }
0x64: {  	[tilespmem:s24], [sflag:$0x2] =	stream.indirect.gather [hbm4b:s4+s23], $0x80, s29, s23, $0xb8;
	[tilespmem:$0x1E800] =	vst v63  }
0x65: {  	_ =	swait.ge [sflag:s25], $0x3E80  }
0x66: {  	[sflag:s25] =	ssyncset.done $0x0  }
0x67: {  	s29 =	sadd.s32 $0x1400, s0;
	[sflag:s25] =	ssyncadd.s32 $0xFFFFC180  }
0x68: {  	[spmem:s1] =	stream.indirect.scatter.add.f32 [tilespmem:s20], [sflag:$0x3], $0x80, s29, s23, $0xb8;
	[tilespmem:$0x1E800] =	vst v63  }
0x69: {  	_ =	swait.ge [sflag:s21], $0x3E80  }
0x6a: {  	[sflag:s21] =	ssyncset.done $0x0  }
0x6b: {  	[sflag:s21] =	ssyncadd.s32 $0xFFFFC180  }
0x6c: {  	_ =	swait.ge [sflag:s26], $0x3E80  }
0x6d: {  	[sflag:s26] =	ssyncset.done $0x0  }
0x6e: {  	s0 =	sadd.s32 $0x1480, s0;
	[sflag:s26] =	ssyncadd.s32 $0xFFFFC180  }
0x6f: {  	[spmem:s1] =	stream.indirect.scatter.add.f32 [tilespmem:s24], [sflag:$0x3], $0x80, s0, s23, $0xb8;
	[tilespmem:$0x1E800] =	vst v63  }
0x70: {  	_ =	swait.ge [sflag:s21], $0x3E80  }
0x71: {  	[sflag:s21] =	ssyncset.done $0x0  }
0x72: {  	s31 =	simm.s32 $0x0;
	[sflag:s21] =	ssyncadd.s32 $0xFFFFC180  }
0x73: {  	[tilespmem:s31], [sflag:$0x3] =	stream.linear.gather [hbm4b:s18+s31], $0x1400, $0x38;
	[tilespmem:$0x1E800] =	vst v63  }
0x74: {  	_ =	swait.ge [sflag:s21], $0x1400  }
0x75: {  	[sflag:s21] =	ssyncset.done $0x0  }
0x76: {  	[sflag:s21] =	ssyncadd.s32 $0xFFFFEC00  }
0x77: {  	[tilespmem:s22], [sflag:$0x3] =	stream.linear.gather [hbm4b:s19+s31], $0x1400, $0x38;
	[tilespmem:$0x1E800] =	vst v63  }
0x78: {  	_ =	swait.ge [sflag:s21], $0x1400  }
0x79: {  	[sflag:s21] =	ssyncset.done $0x0  }
0x7a: {  	s31 =	simm.s32 $0x0;
	[sflag:s21] =	ssyncadd.s32 $0xFFFFEC00  }
0x7b: {  	[tilespmem:s20], [sflag:$0x1] =	stream.indirect.gather [hbm4b:s4+s23], $0x80, s31, s23, $0xb8;
	[tilespmem:$0x1E800] =	vst v63  }
0x7c: {  	s31 =	simm.s32 $0x80  }
0x7d: {  	[tilespmem:s24], [sflag:$0x2] =	stream.indirect.gather [hbm4b:s4+s23], $0x80, s31, s23, $0xb8;
	[tilespmem:$0x1E800] =	vst v63  }
0x7e: {  	_ =	swait.ge [sflag:s25], $0x3E80  }
0x7f: {  	[sflag:s25] =	ssyncset.done $0x0  }
0x80: {  	s31 =	simm.s32 $0x1400;
	[sflag:s25] =	ssyncadd.s32 $0xFFFFC180  }
0x81: {  	[spmem:s1] =	stream.indirect.scatter.add.f32 [tilespmem:s20], [sflag:$0x3], $0x80, s31, s23, $0xb8;
	[tilespmem:$0x1E800] =	vst v63  }
0x82: {  	_ =	swait.ge [sflag:s21], $0x3E80  }
0x83: {  	[sflag:s21] =	ssyncset.done $0x0  }
0x84: {  	[sflag:s21] =	ssyncadd.s32 $0xFFFFC180  }
0x85: {  	_ =	swait.ge [sflag:s26], $0x3E80  }
0x86: {  	[sflag:s26] =	ssyncset.done $0x0  }
0x87: {  	s31 =	simm.s32 $0x1480;
	[sflag:s26] =	ssyncadd.s32 $0xFFFFC180  }
0x88: {  	[spmem:s1] =	stream.indirect.scatter.add.f32 [tilespmem:s24], [sflag:$0x3], $0x80, s31, s23, $0xb8;
	[tilespmem:$0x1E800] =	vst v63  }
0x89: {  	_ =	swait.ge [sflag:s21], $0x3E80  }
0x8a: {  	s30 =	simm.s32 $0x800;
	s29 =	simm.s32 $0x400;
	[sflag:s21] =	ssyncset.done $0x0  }
.LBB2_4:
0x8b: {  	s0 =	sshra.s32 s29, $0x2  }
0x8c: {  	[sflag:s21] =	ssyncadd.s32 $0xFFFFC180;
	s29 =	smov.u32 s30;
	s31 =	sadd.s32 $0x400, s30  }
0x8d: {  	[tilespmem:s20], [sflag:$0x1] =	stream.indirect.gather [hbm4b:s4+s23], $0x80, s0, s23, $0xb8;
	[tilespmem:$0x1E800] =	vst v63  }
0x8e: {  	p0 =	sne.s32 s30, $0x4C00;
	s30 =	sadd.s32 $0x80, s0  }
0x8f: {  	[tilespmem:s24], [sflag:$0x2] =	stream.indirect.gather [hbm4b:s4+s23], $0x80, s30, s23, $0xb8;
	[tilespmem:$0x1E800] =	vst v63  }
0x90: {  	_ =	swait.ge [sflag:s25], $0x3E80  }
0x91: {  	[sflag:s25] =	ssyncset.done $0x0  }
0x92: {  	s30 =	sadd.s32 $0x1400, s0;
	[sflag:s25] =	ssyncadd.s32 $0xFFFFC180  }
0x93: {  	[spmem:s1] =	stream.indirect.scatter.add.f32 [tilespmem:s20], [sflag:$0x3], $0x80, s30, s23, $0xb8;
	[tilespmem:$0x1E800] =	vst v63  }
0x94: {  	_ =	swait.ge [sflag:s21], $0x3E80  }
0x95: {  	[sflag:s21] =	ssyncset.done $0x0  }
0x96: {  	[sflag:s21] =	ssyncadd.s32 $0xFFFFC180  }
0x97: {  	_ =	swait.ge [sflag:s26], $0x3E80  }
.Ltmp1:
0x98: {  	[sflag:s26] =	ssyncset.done $0x0;
	(pc) =	sbr.rel @p0 .LBB2_4-.Ltmp1, $4  }
0x99: {  	s0 =	sadd.s32 $0x1480, s0;
	[sflag:s26] =	ssyncadd.s32 $0xFFFFC180  }
0x9a: {  	[spmem:s1] =	stream.indirect.scatter.add.f32 [tilespmem:s24], [sflag:$0x3], $0x80, s0, s23, $0xb8;
	[tilespmem:$0x1E800] =	vst v63  }
0x9b: {  	_ =	swait.ge [sflag:s21], $0x3E80  }
0x9c: {  	s30 =	smov.u32 s31;
	[sflag:s21] =	ssyncset.done $0x0  }
0x9d: {  	s0 =	sshra.s32 s29, $0x2;
	[sflag:s21] =	ssyncadd.s32 $0xFFFFC180  }
0x9e: {  	[tilespmem:s20], [sflag:$0x1] =	stream.indirect.gather [hbm4b:s4+s23], $0x80, s0, s23, $0xb8;
	[tilespmem:$0x1E800] =	vst v63  }
0x9f: {  	s29 =	sadd.s32 $0x80, s0  }
0xa0: {  	[tilespmem:s24], [sflag:$0x2] =	stream.indirect.gather [hbm4b:s4+s23], $0x80, s29, s23, $0xb8;
	[tilespmem:$0x1E800] =	vst v63  }
0xa1: {  	_ =	swait.ge [sflag:s25], $0x3E80  }
0xa2: {  	[sflag:s25] =	ssyncset.done $0x0  }
0xa3: {  	s31 =	sadd.s32 $0x1400, s0;
	[sflag:s25] =	ssyncadd.s32 $0xFFFFC180  }
0xa4: {  	[spmem:s1] =	stream.indirect.scatter.add.f32 [tilespmem:s20], [sflag:$0x3], $0x80, s31, s23, $0xb8;
	[tilespmem:$0x1E800] =	vst v63  }
0xa5: {  	_ =	swait.ge [sflag:s21], $0x3E80  }
0xa6: {  	[sflag:s21] =	ssyncset.done $0x0  }
0xa7: {  	[sflag:s21] =	ssyncadd.s32 $0xFFFFC180  }
0xa8: {  	_ =	swait.ge [sflag:s26], $0x3E80  }
0xa9: {  	[sflag:s26] =	ssyncset.done $0x0  }
0xaa: {  	s0 =	sadd.s32 $0x1480, s0;
	[sflag:s26] =	ssyncadd.s32 $0xFFFFC180  }
0xab: {  	[spmem:s1] =	stream.indirect.scatter.add.f32 [tilespmem:s24], [sflag:$0x3], $0x80, s0, s23, $0xb8;
	[tilespmem:$0x1E800] =	vst v63  }
0xac: {  	_ =	swait.ge [sflag:s21], $0x3E80  }
0xad: {  	s30 =	sshll.u32 s2, $0x6;
	s28 =	sadd.s32 $0x1, s28;
	[sflag:s21] =	ssyncset.done $0x0  }
0xae: {  	p0 =	sne.s32 s28, s15;
	s31 =	sshrl.u32 s6, $0x3;
	[sflag:s21] =	ssyncadd.s32 $0xFFFFC180  }
.Ltmp2:
0xaf: {  	s0 =	sor.u32 $0x1C03, s30;
	[bflag:$0x0] =	sbarrier.arrive $0xFFFF;
	(pc) =	sbr.rel @p0 .LBB2_1-.Ltmp2, $4  }
0xb0: {  	[hbm:s14], [sflag:s0] =	dma.local [spmem:s31], $0x2800  }
0xb1: {  	_ =	swait.ge [sflag:s21], $0x2800  }
0xb2: {  	[sflag:s21] =	ssyncset.done $0x0  }
0xb3: {  	[sflag:s21] =	ssyncadd.s32 $0xFFFFD800  }
0xb4: {  	_ =	sfence.sel $0x180000  }
0xb5: {  	[bflag:$0x0] =	sbarrier.arrive $0xFFFF  }
0xb6: {  	_ =	strace $0x90000050  }
0xb7: {  	[bflag:$0x2] =	sbarrier.arrive $0xFFFF  }
0xb8: {  	p0 =	sne.s32 s2, $0x0;
	s0 =	rddreg [dreg:$0x2]  }
0xb9: {  	s0 =	sadd.s32 @!p0 $0x100000, s0  }
0xba: {  	[sflag:s0] =	ssyncadd.tile.s32 @!p0 $0x1;
	_ =	shalt  }
.Lfunc_end2:
_tile_overlayer_lowered:
.L_overlay_start_2:
0xbb: {  	(tag) =	ssettag $0x2  }
0xbc: {  	s0 =	rddreg [dreg:$0x0];
	s2 =	stileid.u32  }
0xbd: {  	s1 =	rddreg [dreg:$0x1];
	p0 =	sne.s32 s2, $0x0  }
0xbe: {  	s3 =	rddreg [dreg:$0x2];
	[bflag:$0x3] =	sbarrier.arrive $0xFFFF;
	s2 =	simm.s32 @!p0 $0x1C03  }
0xbf: {  	[timem:s3], [sflag:s2] =	dma.local @!p0 [hbm:s0], s1  }
0xc0: {  	s0 =	simm.s32 @!p0 $0x3  }
0xc1: {  	_ =	swait.ge @!p0 [sflag:s0], s1  }
0xc2: {  	s1 =	ssub.s32 @!p0 $0x0, s1;
	[sflag:s0] =	ssyncset.done @!p0 $0x0  }
0xc3: {  	[sflag:s0] =	ssyncadd.s32 @!p0 s1  }
0xc4: {  	[bflag:$0x3] =	sbarrier.arrive $0xFFFF  }
0xc5: {  	_ =	shalt  }

</sc_bundles>
